<compile_context>
chip_gen: v7x
topology: tpu7x:2x2x1
jax: 0.10.2.dev20260603
libtpu: 0.0.44.dev20260713+nightly
codegen_flags: <defaults>
</compile_context>

<pallas_src>
import functools

import jax
import jax.numpy as jnp
from jax import lax
from jax.experimental import pallas as pl
from jax.experimental.pallas import tpu as pltpu
from jax.experimental.pallas import tpu_sc as plsc

_N_BLK = 1024
_IDX_BITS = 0x7FF


def _knn_block_kernel(ux, uy, uz, kx, ky, kz, gidx_ref, wts_ref):
    n_blk = ux.shape[-1]
    m = kx.shape[-1]
    b = pl.program_id(0)
    d = (ux[0, 0, 0, :][:, None] - kx[0, 0, :][None, :]) ** 2
    d += (uy[0, 0, 0, :][:, None] - ky[0, 0, :][None, :]) ** 2
    d += (uz[0, 0, 0, :][:, None] - kz[0, 0, :][None, :]) ** 2

    di = lax.bitcast_convert_type(d, jnp.int32)
    iota = lax.broadcasted_iota(jnp.int32, (n_blk, m), 1)
    key = lax.bitcast_convert_type((di & ~_IDX_BITS) | iota, jnp.float32)

    c1 = jnp.min(key, axis=1, keepdims=True)
    k2 = jnp.where(key == c1, jnp.inf, key)
    c2 = jnp.min(k2, axis=1, keepdims=True)
    k3 = jnp.where(k2 == c2, jnp.inf, k2)
    c3 = jnp.min(k3, axis=1, keepdims=True)

    ci = lax.bitcast_convert_type(
        jnp.concatenate([c1, c2, c3], axis=1), jnp.int32)
    idx = ci & _IDX_BITS
    dv = lax.bitcast_convert_type(ci & ~_IDX_BITS, jnp.float32)
    r = 1.0 / (dv + 1e-8)
    wn = r / jnp.sum(r, axis=1, keepdims=True)
    wts_ref[0] = jnp.broadcast_to(wn[:, :, None], (n_blk, 3, 16))
    gidx_ref[0] = idx + b * m


def _knn_tc(unknown, known):
    B, n, _ = unknown.shape
    _, m, _ = known.shape
    n_blk = _N_BLK

    ux, uy, uz = (unknown[:, :, i].reshape(B, n // n_blk, 1, n_blk)
                  for i in range(3))
    kx, ky, kz = (known[:, :, i].reshape(B, 1, m) for i in range(3))

    grid = (B, n // n_blk)
    u_spec = pl.BlockSpec((1, 1, 1, n_blk), lambda b, i: (b, i, 0, 0))
    k_spec = pl.BlockSpec((1, 1, m), lambda b, i: (b, 0, 0))
    o_spec = pl.BlockSpec((1, n_blk, 3), lambda b, i: (b, i, 0))
    w_spec = pl.BlockSpec((1, n_blk, 3, 16), lambda b, i: (b, i, 0, 0))

    return pl.pallas_call(
        _knn_block_kernel,
        grid=grid,
        in_specs=[u_spec, u_spec, u_spec, k_spec, k_spec, k_spec],
        out_specs=[o_spec, w_spec],
        out_shape=[jax.ShapeDtypeStruct((B, n, 3), jnp.int32),
                   jax.ShapeDtypeStruct((B, n, 3, 16), jnp.float32)],
        compiler_params=pltpu.CompilerParams(
            dimension_semantics=("parallel", "arbitrary"),
        ),
    )(ux, uy, uz, kx, ky, kz)


_P_CHUNK = 32


def _make_sc_interp(total_pts, C):
    info = plsc.get_sparse_core_info()
    NC, NS = info.num_cores, info.num_subcores
    NW = NC * NS
    pts_per_w = total_pts // NW
    n_ch = pts_per_w // _P_CHUNK
    mesh = plsc.VectorSubcoreMesh(core_axis_name="c", subcore_axis_name="s")
    nj = C // 16
    I = 3 * _P_CHUNK

    @functools.partial(
        pl.kernel, mesh=mesh,
        out_type=jax.ShapeDtypeStruct((total_pts, C), jnp.float32),
        scratch_types=[
            pltpu.VMEM((n_ch, I), jnp.int32),
            pltpu.VMEM((2, I, 16), jnp.float32),
            pltpu.VMEM((2, I, C), jnp.float32),
            pltpu.VMEM((2, _P_CHUNK, C), jnp.float32),
            pltpu.SemaphoreType.DMA,
            pltpu.SemaphoreType.DMA,
            pltpu.SemaphoreType.DMA,
            pltpu.SemaphoreType.DMA,
            pltpu.SemaphoreType.DMA,
            pltpu.SemaphoreType.DMA,
        ],
    )
    def sc_interp(table, gidx, wts, out, idx_all, w_v, rows_v, out_v,
                  g0s, g1s, w0s, w1s, o0s, o1s):
        wid = lax.axis_index("s") * NC + lax.axis_index("c")
        base_pt = wid * pts_per_w
        base_ch = wid * n_ch
        gsem, wsem, osem = (g0s, g1s), (w0s, w1s), (o0s, o1s)

        pltpu.sync_copy(gidx.at[pl.ds(base_ch, n_ch)], idx_all)

        def issue(c, b):
            pltpu.async_copy(table.at[idx_all.at[c]], rows_v.at[b], gsem[b])
            pltpu.async_copy(wts.at[pl.ds((base_ch + c) * I, I)],
                             w_v.at[b], wsem[b])

        def wait_in(b):
            pltpu.make_async_copy(
                table.at[idx_all.at[0]], rows_v.at[b], gsem[b]).wait()
            pltpu.make_async_copy(
                wts.at[pl.ds(0, I)], w_v.at[b], wsem[b]).wait()

        def wait_out(b):
            pltpu.make_async_copy(
                out_v.at[b], out.at[pl.ds(0, _P_CHUNK)], osem[b]).wait()

        def compute(c, b):
            def pt_body(p, carry):
                row0 = 3 * p
                sw = pl.ds(0, 16)
                w0 = w_v[b, row0, sw]
                w1 = w_v[b, row0 + 1, sw]
                w2 = w_v[b, row0 + 2, sw]
                for j in range(nj):
                    sl = pl.ds(16 * j, 16)
                    acc = (rows_v[b, row0, sl] * w0
                           + rows_v[b, row0 + 1, sl] * w1
                           + rows_v[b, row0 + 2, sl] * w2)
                    out_v[b, p, sl] = acc
                return carry

            lax.fori_loop(0, _P_CHUNK, pt_body, 0)
            pltpu.async_copy(
                out_v.at[b],
                out.at[pl.ds(base_pt + c * _P_CHUNK, _P_CHUNK)], osem[b])

        issue(0, 0)

        def body(i, carry):
            c0 = 2 * i
            issue(c0 + 1, 1)
            wait_in(0)

            @pl.when(i > 0)
            def _():
                wait_out(0)

            compute(c0, 0)

            @pl.when(c0 + 2 < n_ch)
            def _():
                issue(c0 + 2, 0)

            wait_in(1)

            @pl.when(i > 0)
            def _():
                wait_out(1)

            compute(c0 + 1, 1)
            return carry

        lax.fori_loop(0, n_ch // 2, body, 0)
        wait_out(0)
        wait_out(1)

    return sc_interp


@jax.jit
def kernel(unknown, known, known_feats):
    B, n, _ = unknown.shape
    _, m, _ = known.shape
    C = known_feats.shape[1]

    gidx, wexp = _knn_tc(unknown, known)
    table = jnp.transpose(known_feats, (0, 2, 1)).reshape(B * m, C)
    out_rows = _make_sc_interp(B * n, C)(
        table, gidx.reshape(B * n * 3 // 96, 96),
        wexp.reshape(B * n * 3, 16))
    return jnp.transpose(out_rows.reshape(B, n, C), (0, 2, 1))

# --- scband reference (transcript-rebuilt; emitter-appended) ---
"""Pipeline reference for scband-pointnet-fpmodule2-19069654794726 (READ-ONLY COPY).

The authoritative reference and input builder live on the scoring server;
editing this copy changes nothing except your own understanding.
"""

import jax, jax.numpy as jnp
import numpy as np


def setup_inputs(seed: int = 0) -> dict:
    key = jax.random.key(seed)
    k1, k2, k3 = jax.random.split(key, 3)
    B, n, m, C = 4, 8192, 2048, 256
    unknown = jax.random.uniform(k1, (B, n, 3), dtype=jnp.float32)
    known = jax.random.uniform(k2, (B, m, 3), dtype=jnp.float32)
    known_feats = jax.random.normal(k3, (B, C, m), dtype=jnp.float32)
    return {"unknown": unknown, "known": known, "known_feats": known_feats}


def _three_nn(unknown, known):
    # pairwise squared distances [B, n, m] (pointnet2 CUDA three_nn returns squared dists)
    d = jnp.sum((unknown[:, :, None, :] - known[:, None, :, :]) ** 2, axis=-1)
    neg_top, idx = jax.lax.top_k(-d, 3)  # 3 smallest distances
    return -neg_top, idx


def reference(unknown, known, known_feats):
    dist, idx = _three_nn(unknown, known)            # [B, n, 3], [B, n, 3]
    dist_recip = 1.0 / (dist + 1e-08)
    norm = jnp.sum(dist_recip, axis=2, keepdims=True)
    weight = dist_recip / norm                        # [B, n, 3]
    feats_t = jnp.transpose(known_feats, (0, 2, 1))   # [B, m, C]
    gathered = jax.vmap(lambda f, i: f[i])(feats_t, idx)  # [B, n, 3, C]
    interp = jnp.sum(weight[..., None] * gathered, axis=2)  # [B, n, C]
    new_features = jnp.transpose(interp, (0, 2, 1))   # [B, C, n]
    return new_features

if __name__ == "__main__":
    import jax
    _d = setup_inputs()
    print(jax.jit(kernel)(*tuple(_d.values())))

</pallas_src>

<mosaic_0001>
#map = affine_map<(d0, d1) -> (0, 0)>
module attributes {stable_mosaic.version = 14 : i64} {
  func.func @sc_interp(%arg0: i32, %arg1: i32, %arg2: memref<8192x256xf32, #tpu.memory_space<hbm>>, %arg3: memref<1024x96xi32, #tpu.memory_space<hbm>>, %arg4: memref<98304x16xf32, #tpu.memory_space<hbm>>, %arg5: memref<32768x256xf32, #tpu.memory_space<hbm>>, %arg6: memref<32x96xi32, #tpu.memory_space<vmem>>, %arg7: memref<2x96x16xf32, #tpu.memory_space<vmem>>, %arg8: memref<2x96x256xf32, #tpu.memory_space<vmem>>, %arg9: memref<2x32x256xf32, #tpu.memory_space<vmem>>, %arg10: memref<!tpu.dma_semaphore, #tpu.memory_space<semaphore_mem>>, %arg11: memref<!tpu.dma_semaphore, #tpu.memory_space<semaphore_mem>>, %arg12: memref<!tpu.dma_semaphore, #tpu.memory_space<semaphore_mem>>, %arg13: memref<!tpu.dma_semaphore, #tpu.memory_space<semaphore_mem>>, %arg14: memref<!tpu.dma_semaphore, #tpu.memory_space<semaphore_mem>>, %arg15: memref<!tpu.dma_semaphore, #tpu.memory_space<semaphore_mem>>) attributes {dimension_semantics = [#tpu.dimension_semantics<core_parallel>, #tpu.dimension_semantics<subcore_parallel>], iteration_bounds = array<i64: 2, 16>, scalar_prefetch = 0 : i64, scratch_operands = 10 : i64, tpu.core_type = #tpu.core_type<sc_vector_subcore>, window_params = [{transform_indices = #map}, {transform_indices = #map}, {transform_indices = #map}, {transform_indices = #map}]} {
    %mul3A = arith.constant 2 : i32
    %mul3A_0 = arith.muli %arg1, %mul3A : i32
    %add3A = arith.addi %mul3A_0, %arg0 : i32
    %mul3A_1 = arith.constant 1024 : i32
    %mul3A_2 = arith.muli %add3A, %mul3A_1 : i32
    %mul3A_3 = arith.constant 32 : i32
    %mul3A_4 = arith.muli %add3A, %mul3A_3 : i32
    "tpu.region"() ({
      %run_scoped3A = tpu.sem_alloc : memref<!tpu.dma_semaphore, #tpu.memory_space<semaphore_mem>>
      %dma_start3A_67 = arith.constant 0 : i32
      %dma_start3A_68 = tpu.memref_slice %arg3[%mul3A_4, %dma_start3A_67] : memref<1024x96xi32, #tpu.memory_space<hbm>> -> memref<32x96xi32, #tpu.memory_space<hbm>>
      %dma_start3A_69 = arith.constant 0 : i32
      %dma_start3A_70 = tpu.memref_slice %arg3[%mul3A_4, %dma_start3A_69] : memref<1024x96xi32, #tpu.memory_space<hbm>> -> memref<32x96xi32, #tpu.memory_space<hbm>>
      tpu.enqueue_dma source(%dma_start3A_70 : memref<32x96xi32, #tpu.memory_space<hbm>>) target(%arg6 : memref<32x96xi32, #tpu.memory_space<vmem>>) target_semaphore(%run_scoped3A : memref<!tpu.dma_semaphore, #tpu.memory_space<semaphore_mem>>)
      %dma_wait3A_71 = arith.constant 0 : i32
      %dma_wait3A_72 = tpu.memref_slice %arg3[%mul3A_4, %dma_wait3A_71] : memref<1024x96xi32, #tpu.memory_space<hbm>> -> memref<32x96xi32, #tpu.memory_space<hbm>>
      %dma_wait3A_73 = arith.constant 0 : i32
      %dma_wait3A_74 = tpu.memref_slice %arg3[%mul3A_4, %dma_wait3A_73] : memref<1024x96xi32, #tpu.memory_space<hbm>> -> memref<32x96xi32, #tpu.memory_space<hbm>>
      tpu.wait_dma2 semaphore(%run_scoped3A : memref<!tpu.dma_semaphore, #tpu.memory_space<semaphore_mem>>) src(%dma_wait3A_74 : memref<32x96xi32, #tpu.memory_space<hbm>>) dst(%arg6 : memref<32x96xi32, #tpu.memory_space<vmem>>)
      tpu.yield
    }) : () -> ()
    %dma_start3A = arith.constant 0 : i32
    %dma_start3A_5 = arith.constant 0 : i32
    %dma_start3A_6 = arith.constant 0 : i32
    %dma_start3A_7 = arith.constant 0 : i32
    %dma_start3A_8 = tpu.memref_slice %arg8[%dma_start3A_5, %dma_start3A_6, %dma_start3A_7] : memref<2x96x256xf32, #tpu.memory_space<vmem>> -> memref<1x96x256xf32, #tpu.memory_space<vmem>>
    %dma_start3A_9 = tpu.memref_squeeze %dma_start3A_8 : memref<1x96x256xf32, #tpu.memory_space<vmem>> -> memref<96x256xf32, #tpu.memory_space<vmem>>
    %dma_start3A_10 = arith.constant 0 : i32
    %dma_start3A_11 = tpu.memref_slice %arg6[%dma_start3A, %dma_start3A_10] : memref<32x96xi32, #tpu.memory_space<vmem>> -> memref<1x96xi32, #tpu.memory_space<vmem>>
    %dma_start3A_12 = tpu.memref_squeeze %dma_start3A_11 : memref<1x96xi32, #tpu.memory_space<vmem>> -> memref<96xi32, #tpu.memory_space<vmem>>
    %dma_start3A_13 = arith.constant 0 : i32
    %dma_start3A_14 = arith.constant 0 : i32
    %dma_start3A_15 = tpu.memref_slice %arg2[%dma_start3A_13, %dma_start3A_14] : memref<8192x256xf32, #tpu.memory_space<hbm>> -> memref<8192x256xf32, #tpu.memory_space<hbm>>
    tpu.enqueue_indirect_dma source(%dma_start3A_15 : memref<8192x256xf32, #tpu.memory_space<hbm>>) target(%dma_start3A_9 : memref<96x256xf32, #tpu.memory_space<vmem>>) offsets(%dma_start3A_12 : memref<96xi32, #tpu.memory_space<vmem>>) semaphore(%arg10 : memref<!tpu.dma_semaphore, #tpu.memory_space<semaphore_mem>>)
    %add3A_16 = arith.constant 0 : i32
    %add3A_17 = arith.addi %mul3A_4, %add3A_16 : i32
    %mul3A_18 = arith.constant 96 : i32
    %mul3A_19 = arith.muli %add3A_17, %mul3A_18 : i32
    %dma_start3A_20 = arith.constant 0 : i32
    %dma_start3A_21 = arith.constant 0 : i32
    %dma_start3A_22 = arith.constant 0 : i32
    %dma_start3A_23 = tpu.memref_slice %arg7[%dma_start3A_20, %dma_start3A_21, %dma_start3A_22] : memref<2x96x16xf32, #tpu.memory_space<vmem>> -> memref<1x96x16xf32, #tpu.memory_space<vmem>>
    %dma_start3A_24 = tpu.memref_squeeze %dma_start3A_23 : memref<1x96x16xf32, #tpu.memory_space<vmem>> -> memref<96x16xf32, #tpu.memory_space<vmem>>
    %dma_start3A_25 = arith.constant 0 : i32
    %dma_start3A_26 = tpu.memref_slice %arg4[%mul3A_19, %dma_start3A_25] : memref<98304x16xf32, #tpu.memory_space<hbm>> -> memref<96x16xf32, #tpu.memory_space<hbm>>
    %dma_start3A_27 = arith.constant 0 : i32
    %dma_start3A_28 = arith.constant 0 : i32
    %dma_start3A_29 = tpu.memref_slice %arg7[%dma_start3A_20, %dma_start3A_27, %dma_start3A_28] : memref<2x96x16xf32, #tpu.memory_space<vmem>> -> memref<1x96x16xf32, #tpu.memory_space<vmem>>
    %dma_start3A_30 = tpu.memref_squeeze %dma_start3A_29 : memref<1x96x16xf32, #tpu.memory_space<vmem>> -> memref<96x16xf32, #tpu.memory_space<vmem>>
    %dma_start3A_31 = arith.constant 0 : i32
    %dma_start3A_32 = tpu.memref_slice %arg4[%mul3A_19, %dma_start3A_31] : memref<98304x16xf32, #tpu.memory_space<hbm>> -> memref<96x16xf32, #tpu.memory_space<hbm>>
    tpu.enqueue_dma source(%dma_start3A_32 : memref<96x16xf32, #tpu.memory_space<hbm>>) target(%dma_start3A_30 : memref<96x16xf32, #tpu.memory_space<vmem>>) target_semaphore(%arg12 : memref<!tpu.dma_semaphore, #tpu.memory_space<semaphore_mem>>)
    %scan3A = arith.constant 0 : i32
    %scan3A_33 = arith.constant 0 : i32
    %scan3A_34 = arith.constant 16 : i32
    %scan3A_35 = arith.addi %scan3A_33, %scan3A_34 : i32
    %scan3A_36 = arith.constant 1 : i32
    scf.for %scan3A_67 = %scan3A_33 to %scan3A_35 step %scan3A_36  : i32 {
      %mul3A_68 = arith.constant 2 : i32
      %mul3A_69 = arith.muli %mul3A_68, %scan3A_67 : i32
      %add3A_70 = arith.constant 1 : i32
      %add3A_71 = arith.addi %mul3A_69, %add3A_70 : i32
      %dma_start3A_72 = arith.constant 1 : i32
      %dma_start3A_73 = arith.constant 0 : i32
      %dma_start3A_74 = arith.constant 0 : i32
      %dma_start3A_75 = tpu.memref_slice %arg8[%dma_start3A_72, %dma_start3A_73, %dma_start3A_74] : memref<2x96x256xf32, #tpu.memory_space<vmem>> -> memref<1x96x256xf32, #tpu.memory_space<vmem>>
      %dma_start3A_76 = tpu.memref_squeeze %dma_start3A_75 : memref<1x96x256xf32, #tpu.memory_space<vmem>> -> memref<96x256xf32, #tpu.memory_space<vmem>>
      %dma_start3A_77 = arith.constant 0 : i32
      %dma_start3A_78 = tpu.memref_slice %arg6[%add3A_71, %dma_start3A_77] : memref<32x96xi32, #tpu.memory_space<vmem>> -> memref<1x96xi32, #tpu.memory_space<vmem>>
      %dma_start3A_79 = tpu.memref_squeeze %dma_start3A_78 : memref<1x96xi32, #tpu.memory_space<vmem>> -> memref<96xi32, #tpu.memory_space<vmem>>
      %dma_start3A_80 = arith.constant 0 : i32
      %dma_start3A_81 = arith.constant 0 : i32
      %dma_start3A_82 = tpu.memref_slice %arg2[%dma_start3A_80, %dma_start3A_81] : memref<8192x256xf32, #tpu.memory_space<hbm>> -> memref<8192x256xf32, #tpu.memory_space<hbm>>
      tpu.enqueue_indirect_dma source(%dma_start3A_82 : memref<8192x256xf32, #tpu.memory_space<hbm>>) target(%dma_start3A_76 : memref<96x256xf32, #tpu.memory_space<vmem>>) offsets(%dma_start3A_79 : memref<96xi32, #tpu.memory_space<vmem>>) semaphore(%arg11 : memref<!tpu.dma_semaphore, #tpu.memory_space<semaphore_mem>>)
      %add3A_83 = arith.addi %mul3A_4, %add3A_71 : i32
      %mul3A_84 = arith.constant 96 : i32
      %mul3A_85 = arith.muli %add3A_83, %mul3A_84 : i32
      %dma_start3A_86 = arith.constant 1 : i32
      %dma_start3A_87 = arith.constant 0 : i32
      %dma_start3A_88 = arith.constant 0 : i32
      %dma_start3A_89 = tpu.memref_slice %arg7[%dma_start3A_86, %dma_start3A_87, %dma_start3A_88] : memref<2x96x16xf32, #tpu.memory_space<vmem>> -> memref<1x96x16xf32, #tpu.memory_space<vmem>>
      %dma_start3A_90 = tpu.memref_squeeze %dma_start3A_89 : memref<1x96x16xf32, #tpu.memory_space<vmem>> -> memref<96x16xf32, #tpu.memory_space<vmem>>
      %dma_start3A_91 = arith.constant 0 : i32
      %dma_start3A_92 = tpu.memref_slice %arg4[%mul3A_85, %dma_start3A_91] : memref<98304x16xf32, #tpu.memory_space<hbm>> -> memref<96x16xf32, #tpu.memory_space<hbm>>
      %dma_start3A_93 = arith.constant 0 : i32
      %dma_start3A_94 = arith.constant 0 : i32
      %dma_start3A_95 = tpu.memref_slice %arg7[%dma_start3A_86, %dma_start3A_93, %dma_start3A_94] : memref<2x96x16xf32, #tpu.memory_space<vmem>> -> memref<1x96x16xf32, #tpu.memory_space<vmem>>
      %dma_start3A_96 = tpu.memref_squeeze %dma_start3A_95 : memref<1x96x16xf32, #tpu.memory_space<vmem>> -> memref<96x16xf32, #tpu.memory_space<vmem>>
      %dma_start3A_97 = arith.constant 0 : i32
      %dma_start3A_98 = tpu.memref_slice %arg4[%mul3A_85, %dma_start3A_97] : memref<98304x16xf32, #tpu.memory_space<hbm>> -> memref<96x16xf32, #tpu.memory_space<hbm>>
      tpu.enqueue_dma source(%dma_start3A_98 : memref<96x16xf32, #tpu.memory_space<hbm>>) target(%dma_start3A_96 : memref<96x16xf32, #tpu.memory_space<vmem>>) target_semaphore(%arg13 : memref<!tpu.dma_semaphore, #tpu.memory_space<semaphore_mem>>)
      %dma_wait3A_99 = arith.constant 0 : i32
      %dma_wait3A_100 = arith.constant 0 : i32
      %dma_wait3A_101 = arith.constant 0 : i32
      %dma_wait3A_102 = arith.constant 0 : i32
      %dma_wait3A_103 = tpu.memref_slice %arg8[%dma_wait3A_100, %dma_wait3A_101, %dma_wait3A_102] : memref<2x96x256xf32, #tpu.memory_space<vmem>> -> memref<1x96x256xf32, #tpu.memory_space<vmem>>
      %dma_wait3A_104 = tpu.memref_squeeze %dma_wait3A_103 : memref<1x96x256xf32, #tpu.memory_space<vmem>> -> memref<96x256xf32, #tpu.memory_space<vmem>>
      %dma_wait3A_105 = arith.constant 0 : i32
      %dma_wait3A_106 = tpu.memref_slice %arg6[%dma_wait3A_99, %dma_wait3A_105] : memref<32x96xi32, #tpu.memory_space<vmem>> -> memref<1x96xi32, #tpu.memory_space<vmem>>
      %dma_wait3A_107 = tpu.memref_squeeze %dma_wait3A_106 : memref<1x96xi32, #tpu.memory_space<vmem>> -> memref<96xi32, #tpu.memory_space<vmem>>
      %dma_wait3A_108 = arith.constant 0 : i32
      %dma_wait3A_109 = arith.constant 0 : i32
      %dma_wait3A_110 = tpu.memref_slice %arg2[%dma_wait3A_108, %dma_wait3A_109] : memref<8192x256xf32, #tpu.memory_space<hbm>> -> memref<8192x256xf32, #tpu.memory_space<hbm>>
      tpu.wait_indirect_dma semaphore(%arg10 : memref<!tpu.dma_semaphore, #tpu.memory_space<semaphore_mem>>) src(%dma_wait3A_110 : memref<8192x256xf32, #tpu.memory_space<hbm>>) dst(%dma_wait3A_104 : memref<96x256xf32, #tpu.memory_space<vmem>>)
      %dma_wait3A_111 = arith.constant 0 : i32
      %dma_wait3A_112 = arith.constant 0 : i32
      %dma_wait3A_113 = arith.constant 0 : i32
      %dma_wait3A_114 = tpu.memref_slice %arg7[%dma_wait3A_111, %dma_wait3A_112, %dma_wait3A_113] : memref<2x96x16xf32, #tpu.memory_space<vmem>> -> memref<1x96x16xf32, #tpu.memory_space<vmem>>
      %dma_wait3A_115 = tpu.memref_squeeze %dma_wait3A_114 : memref<1x96x16xf32, #tpu.memory_space<vmem>> -> memref<96x16xf32, #tpu.memory_space<vmem>>
      %dma_wait3A_116 = arith.constant 0 : i32
      %dma_wait3A_117 = arith.constant 0 : i32
      %dma_wait3A_118 = tpu.memref_slice %arg4[%dma_wait3A_116, %dma_wait3A_117] : memref<98304x16xf32, #tpu.memory_space<hbm>> -> memref<96x16xf32, #tpu.memory_space<hbm>>
      %dma_wait3A_119 = arith.constant 0 : i32
      %dma_wait3A_120 = arith.constant 0 : i32
      %dma_wait3A_121 = tpu.memref_slice %arg7[%dma_wait3A_111, %dma_wait3A_119, %dma_wait3A_120] : memref<2x96x16xf32, #tpu.memory_space<vmem>> -> memref<1x96x16xf32, #tpu.memory_space<vmem>>
      %dma_wait3A_122 = tpu.memref_squeeze %dma_wait3A_121 : memref<1x96x16xf32, #tpu.memory_space<vmem>> -> memref<96x16xf32, #tpu.memory_space<vmem>>
      %dma_wait3A_123 = arith.constant 0 : i32
      %dma_wait3A_124 = arith.constant 0 : i32
      %dma_wait3A_125 = tpu.memref_slice %arg4[%dma_wait3A_123, %dma_wait3A_124] : memref<98304x16xf32, #tpu.memory_space<hbm>> -> memref<96x16xf32, #tpu.memory_space<hbm>>
      tpu.wait_dma2 semaphore(%arg12 : memref<!tpu.dma_semaphore, #tpu.memory_space<semaphore_mem>>) src(%dma_wait3A_125 : memref<96x16xf32, #tpu.memory_space<hbm>>) dst(%dma_wait3A_122 : memref<96x16xf32, #tpu.memory_space<vmem>>)
      %gt3A = arith.constant 0 : i32
      %gt3A_126 = arith.cmpi sgt, %scan3A_67, %gt3A : i32
      %convert_element_type3A = arith.extui %gt3A_126 : i1 to i32
      %cond3A = arith.constant 0 : i32
      %cond3A_127 = arith.cmpi ne, %convert_element_type3A, %cond3A : i32
      scf.if %cond3A_127 {
        %dma_wait3A_212 = arith.constant 0 : i32
        %dma_wait3A_213 = arith.constant 0 : i32
        %dma_wait3A_214 = arith.constant 0 : i32
        %dma_wait3A_215 = tpu.memref_slice %arg9[%dma_wait3A_212, %dma_wait3A_213, %dma_wait3A_214] : memref<2x32x256xf32, #tpu.memory_space<vmem>> -> memref<1x32x256xf32, #tpu.memory_space<vmem>>
        %dma_wait3A_216 = tpu.memref_squeeze %dma_wait3A_215 : memref<1x32x256xf32, #tpu.memory_space<vmem>> -> memref<32x256xf32, #tpu.memory_space<vmem>>
        %dma_wait3A_217 = arith.constant 0 : i32
        %dma_wait3A_218 = arith.constant 0 : i32
        %dma_wait3A_219 = tpu.memref_slice %arg5[%dma_wait3A_217, %dma_wait3A_218] : memref<32768x256xf32, #tpu.memory_space<hbm>> -> memref<32x256xf32, #tpu.memory_space<hbm>>
        %dma_wait3A_220 = arith.constant 0 : i32
        %dma_wait3A_221 = arith.constant 0 : i32
        %dma_wait3A_222 = tpu.memref_slice %arg5[%dma_wait3A_220, %dma_wait3A_221] : memref<32768x256xf32, #tpu.memory_space<hbm>> -> memref<32x256xf32, #tpu.memory_space<hbm>>
        %dma_wait3A_223 = arith.constant 0 : i32
        %dma_wait3A_224 = arith.constant 0 : i32
        %dma_wait3A_225 = tpu.memref_slice %arg9[%dma_wait3A_212, %dma_wait3A_223, %dma_wait3A_224] : memref<2x32x256xf32, #tpu.memory_space<vmem>> -> memref<1x32x256xf32, #tpu.memory_space<vmem>>
        %dma_wait3A_226 = tpu.memref_squeeze %dma_wait3A_225 : memref<1x32x256xf32, #tpu.memory_space<vmem>> -> memref<32x256xf32, #tpu.memory_space<vmem>>
        tpu.wait_dma2 semaphore(%arg14 : memref<!tpu.dma_semaphore, #tpu.memory_space<semaphore_mem>>) src(%dma_wait3A_226 : memref<32x256xf32, #tpu.memory_space<vmem>>) dst(%dma_wait3A_222 : memref<32x256xf32, #tpu.memory_space<hbm>>)
      } else {
      }
      %scan3A_128 = arith.constant 0 : i32
      %scan3A_129 = arith.constant 0 : i32
      %scan3A_130 = arith.constant 32 : i32
      %scan3A_131 = arith.addi %scan3A_129, %scan3A_130 : i32
      %scan3A_132 = arith.constant 1 : i32
      scf.for %scan3A_212 = %scan3A_129 to %scan3A_131 step %scan3A_132  : i32 {
        %mul3A_213 = arith.constant 3 : i32
        %mul3A_214 = arith.muli %mul3A_213, %scan3A_212 : i32
        %get3A = arith.constant 0 : i32
        %get3A_215 = arith.index_cast %get3A : i32 to index
        %get3A_216 = arith.index_cast %mul3A_214 : i32 to index
        %get3A_217 = arith.constant 0 : index
        %get3A_218 = tpu.vector_load %arg7[%get3A_215, %get3A_216, %get3A_217] {strides = array<i32>} : memref<2x96x16xf32, #tpu.memory_space<vmem>>, vector<1x1x16xf32>,
        %get3A_219 = vector.shape_cast %get3A_218 : vector<1x1x16xf32> to vector<16xf32>
        %add3A_220 = arith.constant 1 : i32
        %add3A_221 = arith.addi %mul3A_214, %add3A_220 : i32
        %get3A_222 = arith.constant 0 : i32
        %get3A_223 = arith.index_cast %get3A_222 : i32 to index
        %get3A_224 = arith.index_cast %add3A_221 : i32 to index
        %get3A_225 = arith.constant 0 : index
        %get3A_226 = tpu.vector_load %arg7[%get3A_223, %get3A_224, %get3A_225] {strides = array<i32>} : memref<2x96x16xf32, #tpu.memory_space<vmem>>, vector<1x1x16xf32>,
        %get3A_227 = vector.shape_cast %get3A_226 : vector<1x1x16xf32> to vector<16xf32>
        %add3A_228 = arith.constant 2 : i32
        %add3A_229 = arith.addi %mul3A_214, %add3A_228 : i32
        %get3A_230 = arith.constant 0 : i32
        %get3A_231 = arith.index_cast %get3A_230 : i32 to index
        %get3A_232 = arith.index_cast %add3A_229 : i32 to index
        %get3A_233 = arith.constant 0 : index
        %get3A_234 = tpu.vector_load %arg7[%get3A_231, %get3A_232, %get3A_233] {strides = array<i32>} : memref<2x96x16xf32, #tpu.memory_space<vmem>>, vector<1x1x16xf32>,
        %get3A_235 = vector.shape_cast %get3A_234 : vector<1x1x16xf32> to vector<16xf32>
        %get3A_236 = arith.constant 0 : i32
        %get3A_237 = arith.index_cast %get3A_236 : i32 to index
        %get3A_238 = arith.index_cast %mul3A_214 : i32 to index
        %get3A_239 = arith.constant 0 : index
        %get3A_240 = tpu.vector_load %arg8[%get3A_237, %get3A_238, %get3A_239] {strides = array<i32>} : memref<2x96x256xf32, #tpu.memory_space<vmem>>, vector<1x1x16xf32>,
        %get3A_241 = vector.shape_cast %get3A_240 : vector<1x1x16xf32> to vector<16xf32>
        %mul3A_242 = arith.mulf %get3A_241, %get3A_219 : vector<16xf32>
        %add3A_243 = arith.constant 1 : i32
        %add3A_244 = arith.addi %mul3A_214, %add3A_243 : i32
        %get3A_245 = arith.constant 0 : i32
        %get3A_246 = arith.index_cast %get3A_245 : i32 to index
        %get3A_247 = arith.index_cast %add3A_244 : i32 to index
        %get3A_248 = arith.constant 0 : index
        %get3A_249 = tpu.vector_load %arg8[%get3A_246, %get3A_247, %get3A_248] {strides = array<i32>} : memref<2x96x256xf32, #tpu.memory_space<vmem>>, vector<1x1x16xf32>,
        %get3A_250 = vector.shape_cast %get3A_249 : vector<1x1x16xf32> to vector<16xf32>
        %mul3A_251 = arith.mulf %get3A_250, %get3A_227 : vector<16xf32>
        %add3A_252 = arith.addf %mul3A_242, %mul3A_251 : vector<16xf32>
        %add3A_253 = arith.constant 2 : i32
        %add3A_254 = arith.addi %mul3A_214, %add3A_253 : i32
        %get3A_255 = arith.constant 0 : i32
        %get3A_256 = arith.index_cast %get3A_255 : i32 to index
        %get3A_257 = arith.index_cast %add3A_254 : i32 to index
        %get3A_258 = arith.constant 0 : index
        %get3A_259 = tpu.vector_load %arg8[%get3A_256, %get3A_257, %get3A_258] {strides = array<i32>} : memref<2x96x256xf32, #tpu.memory_space<vmem>>, vector<1x1x16xf32>,
        %get3A_260 = vector.shape_cast %get3A_259 : vector<1x1x16xf32> to vector<16xf32>
        %mul3A_261 = arith.mulf %get3A_260, %get3A_235 : vector<16xf32>
        %add3A_262 = arith.addf %add3A_252, %mul3A_261 : vector<16xf32>
        %swap3A = arith.constant 0 : i32
        %swap3A_263 = arith.index_cast %swap3A : i32 to index
        %swap3A_264 = arith.index_cast %scan3A_212 : i32 to index
        %swap3A_265 = arith.constant 0 : index
        %swap3A_266 = tpu.vector_load %arg9[%swap3A_263, %swap3A_264, %swap3A_265] {strides = array<i32>} : memref<2x32x256xf32, #tpu.memory_space<vmem>>, vector<1x1x16xf32>,
        %swap3A_267 = vector.shape_cast %swap3A_266 : vector<1x1x16xf32> to vector<16xf32>
        %swap3A_268 = vector.shape_cast %add3A_262 : vector<16xf32> to vector<1x1x16xf32>
        tpu.vector_store %arg9[%swap3A_263, %swap3A_264, %swap3A_265], %swap3A_268 {strides = array<i32>} : memref<2x32x256xf32, #tpu.memory_space<vmem>>, vector<1x1x16xf32>,
        %get3A_269 = arith.constant 0 : i32
        %get3A_270 = arith.index_cast %get3A_269 : i32 to index
        %get3A_271 = arith.index_cast %mul3A_214 : i32 to index
        %get3A_272 = arith.constant 16 : index
        %get3A_273 = tpu.vector_load %arg8[%get3A_270, %get3A_271, %get3A_272] {strides = array<i32>} : memref<2x96x256xf32, #tpu.memory_space<vmem>>, vector<1x1x16xf32>,
        %get3A_274 = vector.shape_cast %get3A_273 : vector<1x1x16xf32> to vector<16xf32>
        %mul3A_275 = arith.mulf %get3A_274, %get3A_219 : vector<16xf32>
        %add3A_276 = arith.constant 1 : i32
        %add3A_277 = arith.addi %mul3A_214, %add3A_276 : i32
        %get3A_278 = arith.constant 0 : i32
        %get3A_279 = arith.index_cast %get3A_278 : i32 to index
        %get3A_280 = arith.index_cast %add3A_277 : i32 to index
        %get3A_281 = arith.constant 16 : index
        %get3A_282 = tpu.vector_load %arg8[%get3A_279, %get3A_280, %get3A_281] {strides = array<i32>} : memref<2x96x256xf32, #tpu.memory_space<vmem>>, vector<1x1x16xf32>,
        %get3A_283 = vector.shape_cast %get3A_282 : vector<1x1x16xf32> to vector<16xf32>
        %mul3A_284 = arith.mulf %get3A_283, %get3A_227 : vector<16xf32>
        %add3A_285 = arith.addf %mul3A_275, %mul3A_284 : vector<16xf32>
        %add3A_286 = arith.constant 2 : i32
        %add3A_287 = arith.addi %mul3A_214, %add3A_286 : i32
        %get3A_288 = arith.constant 0 : i32
        %get3A_289 = arith.index_cast %get3A_288 : i32 to index
        %get3A_290 = arith.index_cast %add3A_287 : i32 to index
        %get3A_291 = arith.constant 16 : index
        %get3A_292 = tpu.vector_load %arg8[%get3A_289, %get3A_290, %get3A_291] {strides = array<i32>} : memref<2x96x256xf32, #tpu.memory_space<vmem>>, vector<1x1x16xf32>,
        %get3A_293 = vector.shape_cast %get3A_292 : vector<1x1x16xf32> to vector<16xf32>
        %mul3A_294 = arith.mulf %get3A_293, %get3A_235 : vector<16xf32>
        %add3A_295 = arith.addf %add3A_285, %mul3A_294 : vector<16xf32>
        %swap3A_296 = arith.constant 0 : i32
        %swap3A_297 = arith.index_cast %swap3A_296 : i32 to index
        %swap3A_298 = arith.index_cast %scan3A_212 : i32 to index
        %swap3A_299 = arith.constant 16 : index
        %swap3A_300 = tpu.vector_load %arg9[%swap3A_297, %swap3A_298, %swap3A_299] {strides = array<i32>} : memref<2x32x256xf32, #tpu.memory_space<vmem>>, vector<1x1x16xf32>,
        %swap3A_301 = vector.shape_cast %swap3A_300 : vector<1x1x16xf32> to vector<16xf32>
        %swap3A_302 = vector.shape_cast %add3A_295 : vector<16xf32> to vector<1x1x16xf32>
        tpu.vector_store %arg9[%swap3A_297, %swap3A_298, %swap3A_299], %swap3A_302 {strides = array<i32>} : memref<2x32x256xf32, #tpu.memory_space<vmem>>, vector<1x1x16xf32>,
        %get3A_303 = arith.constant 0 : i32
        %get3A_304 = arith.index_cast %get3A_303 : i32 to index
        %get3A_305 = arith.index_cast %mul3A_214 : i32 to index
        %get3A_306 = arith.constant 32 : index
        %get3A_307 = tpu.vector_load %arg8[%get3A_304, %get3A_305, %get3A_306] {strides = array<i32>} : memref<2x96x256xf32, #tpu.memory_space<vmem>>, vector<1x1x16xf32>,
        %get3A_308 = vector.shape_cast %get3A_307 : vector<1x1x16xf32> to vector<16xf32>
        %mul3A_309 = arith.mulf %get3A_308, %get3A_219 : vector<16xf32>
        %add3A_310 = arith.constant 1 : i32
        %add3A_311 = arith.addi %mul3A_214, %add3A_310 : i32
        %get3A_312 = arith.constant 0 : i32
        %get3A_313 = arith.index_cast %get3A_312 : i32 to index
        %get3A_314 = arith.index_cast %add3A_311 : i32 to index
        %get3A_315 = arith.constant 32 : index
        %get3A_316 = tpu.vector_load %arg8[%get3A_313, %get3A_314, %get3A_315] {strides = array<i32>} : memref<2x96x256xf32, #tpu.memory_space<vmem>>, vector<1x1x16xf32>,
        %get3A_317 = vector.shape_cast %get3A_316 : vector<1x1x16xf32> to vector<16xf32>
        %mul3A_318 = arith.mulf %get3A_317, %get3A_227 : vector<16xf32>
        %add3A_319 = arith.addf %mul3A_309, %mul3A_318 : vector<16xf32>
        %add3A_320 = arith.constant 2 : i32
        %add3A_321 = arith.addi %mul3A_214, %add3A_320 : i32
        %get3A_322 = arith.constant 0 : i32
        %get3A_323 = arith.index_cast %get3A_322 : i32 to index
        %get3A_324 = arith.index_cast %add3A_321 : i32 to index
        %get3A_325 = arith.constant 32 : index
        %get3A_326 = tpu.vector_load %arg8[%get3A_323, %get3A_324, %get3A_325] {strides = array<i32>} : memref<2x96x256xf32, #tpu.memory_space<vmem>>, vector<1x1x16xf32>,
        %get3A_327 = vector.shape_cast %get3A_326 : vector<1x1x16xf32> to vector<16xf32>
        %mul3A_328 = arith.mulf %get3A_327, %get3A_235 : vector<16xf32>
        %add3A_329 = arith.addf %add3A_319, %mul3A_328 : vector<16xf32>
        %swap3A_330 = arith.constant 0 : i32
        %swap3A_331 = arith.index_cast %swap3A_330 : i32 to index
        %swap3A_332 = arith.index_cast %scan3A_212 : i32 to index
        %swap3A_333 = arith.constant 32 : index
        %swap3A_334 = tpu.vector_load %arg9[%swap3A_331, %swap3A_332, %swap3A_333] {strides = array<i32>} : memref<2x32x256xf32, #tpu.memory_space<vmem>>, vector<1x1x16xf32>,
        %swap3A_335 = vector.shape_cast %swap3A_334 : vector<1x1x16xf32> to vector<16xf32>
        %swap3A_336 = vector.shape_cast %add3A_329 : vector<16xf32> to vector<1x1x16xf32>
        tpu.vector_store %arg9[%swap3A_331, %swap3A_332, %swap3A_333], %swap3A_336 {strides = array<i32>} : memref<2x32x256xf32, #tpu.memory_space<vmem>>, vector<1x1x16xf32>,
        %get3A_337 = arith.constant 0 : i32
        %get3A_338 = arith.index_cast %get3A_337 : i32 to index
        %get3A_339 = arith.index_cast %mul3A_214 : i32 to index
        %get3A_340 = arith.constant 48 : index
        %get3A_341 = tpu.vector_load %arg8[%get3A_338, %get3A_339, %get3A_340] {strides = array<i32>} : memref<2x96x256xf32, #tpu.memory_space<vmem>>, vector<1x1x16xf32>,
        %get3A_342 = vector.shape_cast %get3A_341 : vector<1x1x16xf32> to vector<16xf32>
        %mul3A_343 = arith.mulf %get3A_342, %get3A_219 : vector<16xf32>
        %add3A_344 = arith.constant 1 : i32
        %add3A_345 = arith.addi %mul3A_214, %add3A_344 : i32
        %get3A_346 = arith.constant 0 : i32
        %get3A_347 = arith.index_cast %get3A_346 : i32 to index
        %get3A_348 = arith.index_cast %add3A_345 : i32 to index
        %get3A_349 = arith.constant 48 : index
        %get3A_350 = tpu.vector_load %arg8[%get3A_347, %get3A_348, %get3A_349] {strides = array<i32>} : memref<2x96x256xf32, #tpu.memory_space<vmem>>, vector<1x1x16xf32>,
        %get3A_351 = vector.shape_cast %get3A_350 : vector<1x1x16xf32> to vector<16xf32>
        %mul3A_352 = arith.mulf %get3A_351, %get3A_227 : vector<16xf32>
        %add3A_353 = arith.addf %mul3A_343, %mul3A_352 : vector<16xf32>
        %add3A_354 = arith.constant 2 : i32
        %add3A_355 = arith.addi %mul3A_214, %add3A_354 : i32
        %get3A_356 = arith.constant 0 : i32
        %get3A_357 = arith.index_cast %get3A_356 : i32 to index
        %get3A_358 = arith.index_cast %add3A_355 : i32 to index
        %get3A_359 = arith.constant 48 : index
        %get3A_360 = tpu.vector_load %arg8[%get3A_357, %get3A_358, %get3A_359] {strides = array<i32>} : memref<2x96x256xf32, #tpu.memory_space<vmem>>, vector<1x1x16xf32>,
        %get3A_361 = vector.shape_cast %get3A_360 : vector<1x1x16xf32> to vector<16xf32>
        %mul3A_362 = arith.mulf %get3A_361, %get3A_235 : vector<16xf32>
        %add3A_363 = arith.addf %add3A_353, %mul3A_362 : vector<16xf32>
        %swap3A_364 = arith.constant 0 : i32
        %swap3A_365 = arith.index_cast %swap3A_364 : i32 to index
        %swap3A_366 = arith.index_cast %scan3A_212 : i32 to index
        %swap3A_367 = arith.constant 48 : index
        %swap3A_368 = tpu.vector_load %arg9[%swap3A_365, %swap3A_366, %swap3A_367] {strides = array<i32>} : memref<2x32x256xf32, #tpu.memory_space<vmem>>, vector<1x1x16xf32>,
        %swap3A_369 = vector.shape_cast %swap3A_368 : vector<1x1x16xf32> to vector<16xf32>
        %swap3A_370 = vector.shape_cast %add3A_363 : vector<16xf32> to vector<1x1x16xf32>
        tpu.vector_store %arg9[%swap3A_365, %swap3A_366, %swap3A_367], %swap3A_370 {strides = array<i32>} : memref<2x32x256xf32, #tpu.memory_space<vmem>>, vector<1x1x16xf32>,
        %get3A_371 = arith.constant 0 : i32
        %get3A_372 = arith.index_cast %get3A_371 : i32 to index
        %get3A_373 = arith.index_cast %mul3A_214 : i32 to index
        %get3A_374 = arith.constant 64 : index
        %get3A_375 = tpu.vector_load %arg8[%get3A_372, %get3A_373, %get3A_374] {strides = array<i32>} : memref<2x96x256xf32, #tpu.memory_space<vmem>>, vector<1x1x16xf32>,
        %get3A_376 = vector.shape_cast %get3A_375 : vector<1x1x16xf32> to vector<16xf32>
        %mul3A_377 = arith.mulf %get3A_376, %get3A_219 : vector<16xf32>
        %add3A_378 = arith.constant 1 : i32
        %add3A_379 = arith.addi %mul3A_214, %add3A_378 : i32
        %get3A_380 = arith.constant 0 : i32
        %get3A_381 = arith.index_cast %get3A_380 : i32 to index
        %get3A_382 = arith.index_cast %add3A_379 : i32 to index
        %get3A_383 = arith.constant 64 : index
        %get3A_384 = tpu.vector_load %arg8[%get3A_381, %get3A_382, %get3A_383] {strides = array<i32>} : memref<2x96x256xf32, #tpu.memory_space<vmem>>, vector<1x1x16xf32>,
        %get3A_385 = vector.shape_cast %get3A_384 : vector<1x1x16xf32> to vector<16xf32>
        %mul3A_386 = arith.mulf %get3A_385, %get3A_227 : vector<16xf32>
        %add3A_387 = arith.addf %mul3A_377, %mul3A_386 : vector<16xf32>
        %add3A_388 = arith.constant 2 : i32
        %add3A_389 = arith.addi %mul3A_214, %add3A_388 : i32
        %get3A_390 = arith.constant 0 : i32
        %get3A_391 = arith.index_cast %get3A_390 : i32 to index
        %get3A_392 = arith.index_cast %add3A_389 : i32 to index
        %get3A_393 = arith.constant 64 : index
        %get3A_394 = tpu.vector_load %arg8[%get3A_391, %get3A_392, %get3A_393] {strides = array<i32>} : memref<2x96x256xf32, #tpu.memory_space<vmem>>, vector<1x1x16xf32>,
        %get3A_395 = vector.shape_cast %get3A_394 : vector<1x1x16xf32> to vector<16xf32>
        %mul3A_396 = arith.mulf %get3A_395, %get3A_235 : vector<16xf32>
        %add3A_397 = arith.addf %add3A_387, %mul3A_396 : vector<16xf32>
        %swap3A_398 = arith.constant 0 : i32
        %swap3A_399 = arith.index_cast %swap3A_398 : i32 to index
        %swap3A_400 = arith.index_cast %scan3A_212 : i32 to index
        %swap3A_401 = arith.constant 64 : index
        %swap3A_402 = tpu.vector_load %arg9[%swap3A_399, %swap3A_400, %swap3A_401] {strides = array<i32>} : memref<2x32x256xf32, #tpu.memory_space<vmem>>, vector<1x1x16xf32>,
        %swap3A_403 = vector.shape_cast %swap3A_402 : vector<1x1x16xf32> to vector<16xf32>
        %swap3A_404 = vector.shape_cast %add3A_397 : vector<16xf32> to vector<1x1x16xf32>
        tpu.vector_store %arg9[%swap3A_399, %swap3A_400, %swap3A_401], %swap3A_404 {strides = array<i32>} : memref<2x32x256xf32, #tpu.memory_space<vmem>>, vector<1x1x16xf32>,
        %get3A_405 = arith.constant 0 : i32
        %get3A_406 = arith.index_cast %get3A_405 : i32 to index
        %get3A_407 = arith.index_cast %mul3A_214 : i32 to index
        %get3A_408 = arith.constant 80 : index
        %get3A_409 = tpu.vector_load %arg8[%get3A_406, %get3A_407, %get3A_408] {strides = array<i32>} : memref<2x96x256xf32, #tpu.memory_space<vmem>>, vector<1x1x16xf32>,
        %get3A_410 = vector.shape_cast %get3A_409 : vector<1x1x16xf32> to vector<16xf32>
        %mul3A_411 = arith.mulf %get3A_410, %get3A_219 : vector<16xf32>
        %add3A_412 = arith.constant 1 : i32
        %add3A_413 = arith.addi %mul3A_214, %add3A_412 : i32
        %get3A_414 = arith.constant 0 : i32
        %get3A_415 = arith.index_cast %get3A_414 : i32 to index
        %get3A_416 = arith.index_cast %add3A_413 : i32 to index
        %get3A_417 = arith.constant 80 : index
        %get3A_418 = tpu.vector_load %arg8[%get3A_415, %get3A_416, %get3A_417] {strides = array<i32>} : memref<2x96x256xf32, #tpu.memory_space<vmem>>, vector<1x1x16xf32>,
        %get3A_419 = vector.shape_cast %get3A_418 : vector<1x1x16xf32> to vector<16xf32>
        %mul3A_420 = arith.mulf %get3A_419, %get3A_227 : vector<16xf32>
        %add3A_421 = arith.addf %mul3A_411, %mul3A_420 : vector<16xf32>
        %add3A_422 = arith.constant 2 : i32
        %add3A_423 = arith.addi %mul3A_214, %add3A_422 : i32
        %get3A_424 = arith.constant 0 : i32
        %get3A_425 = arith.index_cast %get3A_424 : i32 to index
        %get3A_426 = arith.index_cast %add3A_423 : i32 to index
        %get3A_427 = arith.constant 80 : index
        %get3A_428 = tpu.vector_load %arg8[%get3A_425, %get3A_426, %get3A_427] {strides = array<i32>} : memref<2x96x256xf32, #tpu.memory_space<vmem>>, vector<1x1x16xf32>,
        %get3A_429 = vector.shape_cast %get3A_428 : vector<1x1x16xf32> to vector<16xf32>
        %mul3A_430 = arith.mulf %get3A_429, %get3A_235 : vector<16xf32>
        %add3A_431 = arith.addf %add3A_421, %mul3A_430 : vector<16xf32>
        %swap3A_432 = arith.constant 0 : i32
        %swap3A_433 = arith.index_cast %swap3A_432 : i32 to index
        %swap3A_434 = arith.index_cast %scan3A_212 : i32 to index
        %swap3A_435 = arith.constant 80 : index
        %swap3A_436 = tpu.vector_load %arg9[%swap3A_433, %swap3A_434, %swap3A_435] {strides = array<i32>} : memref<2x32x256xf32, #tpu.memory_space<vmem>>, vector<1x1x16xf32>,
        %swap3A_437 = vector.shape_cast %swap3A_436 : vector<1x1x16xf32> to vector<16xf32>
        %swap3A_438 = vector.shape_cast %add3A_431 : vector<16xf32> to vector<1x1x16xf32>
        tpu.vector_store %arg9[%swap3A_433, %swap3A_434, %swap3A_435], %swap3A_438 {strides = array<i32>} : memref<2x32x256xf32, #tpu.memory_space<vmem>>, vector<1x1x16xf32>,
        %get3A_439 = arith.constant 0 : i32
        %get3A_440 = arith.index_cast %get3A_439 : i32 to index
        %get3A_441 = arith.index_cast %mul3A_214 : i32 to index
        %get3A_442 = arith.constant 96 : index
        %get3A_443 = tpu.vector_load %arg8[%get3A_440, %get3A_441, %get3A_442] {strides = array<i32>} : memref<2x96x256xf32, #tpu.memory_space<vmem>>, vector<1x1x16xf32>,
        %get3A_444 = vector.shape_cast %get3A_443 : vector<1x1x16xf32> to vector<16xf32>
        %mul3A_445 = arith.mulf %get3A_444, %get3A_219 : vector<16xf32>
        %add3A_446 = arith.constant 1 : i32
        %add3A_447 = arith.addi %mul3A_214, %add3A_446 : i32
        %get3A_448 = arith.constant 0 : i32
        %get3A_449 = arith.index_cast %get3A_448 : i32 to index
        %get3A_450 = arith.index_cast %add3A_447 : i32 to index
        %get3A_451 = arith.constant 96 : index
        %get3A_452 = tpu.vector_load %arg8[%get3A_449, %get3A_450, %get3A_451] {strides = array<i32>} : memref<2x96x256xf32, #tpu.memory_space<vmem>>, vector<1x1x16xf32>,
        %get3A_453 = vector.shape_cast %get3A_452 : vector<1x1x16xf32> to vector<16xf32>
        %mul3A_454 = arith.mulf %get3A_453, %get3A_227 : vector<16xf32>
        %add3A_455 = arith.addf %mul3A_445, %mul3A_454 : vector<16xf32>
        %add3A_456 = arith.constant 2 : i32
        %add3A_457 = arith.addi %mul3A_214, %add3A_456 : i32
        %get3A_458 = arith.constant 0 : i32
        %get3A_459 = arith.index_cast %get3A_458 : i32 to index
        %get3A_460 = arith.index_cast %add3A_457 : i32 to index
        %get3A_461 = arith.constant 96 : index
        %get3A_462 = tpu.vector_load %arg8[%get3A_459, %get3A_460, %get3A_461] {strides = array<i32>} : memref<2x96x256xf32, #tpu.memory_space<vmem>>, vector<1x1x16xf32>,
        %get3A_463 = vector.shape_cast %get3A_462 : vector<1x1x16xf32> to vector<16xf32>
        %mul3A_464 = arith.mulf %get3A_463, %get3A_235 : vector<16xf32>
        %add3A_465 = arith.addf %add3A_455, %mul3A_464 : vector<16xf32>
        %swap3A_466 = arith.constant 0 : i32
        %swap3A_467 = arith.index_cast %swap3A_466 : i32 to index
        %swap3A_468 = arith.index_cast %scan3A_212 : i32 to index
        %swap3A_469 = arith.constant 96 : index
        %swap3A_470 = tpu.vector_load %arg9[%swap3A_467, %swap3A_468, %swap3A_469] {strides = array<i32>} : memref<2x32x256xf32, #tpu.memory_space<vmem>>, vector<1x1x16xf32>,
        %swap3A_471 = vector.shape_cast %swap3A_470 : vector<1x1x16xf32> to vector<16xf32>
        %swap3A_472 = vector.shape_cast %add3A_465 : vector<16xf32> to vector<1x1x16xf32>
        tpu.vector_store %arg9[%swap3A_467, %swap3A_468, %swap3A_469], %swap3A_472 {strides = array<i32>} : memref<2x32x256xf32, #tpu.memory_space<vmem>>, vector<1x1x16xf32>,
        %get3A_473 = arith.constant 0 : i32
        %get3A_474 = arith.index_cast %get3A_473 : i32 to index
        %get3A_475 = arith.index_cast %mul3A_214 : i32 to index
        %get3A_476 = arith.constant 112 : index
        %get3A_477 = tpu.vector_load %arg8[%get3A_474, %get3A_475, %get3A_476] {strides = array<i32>} : memref<2x96x256xf32, #tpu.memory_space<vmem>>, vector<1x1x16xf32>,
        %get3A_478 = vector.shape_cast %get3A_477 : vector<1x1x16xf32> to vector<16xf32>
        %mul3A_479 = arith.mulf %get3A_478, %get3A_219 : vector<16xf32>
        %add3A_480 = arith.constant 1 : i32
        %add3A_481 = arith.addi %mul3A_214, %add3A_480 : i32
        %get3A_482 = arith.constant 0 : i32
        %get3A_483 = arith.index_cast %get3A_482 : i32 to index
        %get3A_484 = arith.index_cast %add3A_481 : i32 to index
        %get3A_485 = arith.constant 112 : index
        %get3A_486 = tpu.vector_load %arg8[%get3A_483, %get3A_484, %get3A_485] {strides = array<i32>} : memref<2x96x256xf32, #tpu.memory_space<vmem>>, vector<1x1x16xf32>,
        %get3A_487 = vector.shape_cast %get3A_486 : vector<1x1x16xf32> to vector<16xf32>
        %mul3A_488 = arith.mulf %get3A_487, %get3A_227 : vector<16xf32>
        %add3A_489 = arith.addf %mul3A_479, %mul3A_488 : vector<16xf32>
        %add3A_490 = arith.constant 2 : i32
        %add3A_491 = arith.addi %mul3A_214, %add3A_490 : i32
        %get3A_492 = arith.constant 0 : i32
        %get3A_493 = arith.index_cast %get3A_492 : i32 to index
        %get3A_494 = arith.index_cast %add3A_491 : i32 to index
        %get3A_495 = arith.constant 112 : index
        %get3A_496 = tpu.vector_load %arg8[%get3A_493, %get3A_494, %get3A_495] {strides = array<i32>} : memref<2x96x256xf32, #tpu.memory_space<vmem>>, vector<1x1x16xf32>,
        %get3A_497 = vector.shape_cast %get3A_496 : vector<1x1x16xf32> to vector<16xf32>
        %mul3A_498 = arith.mulf %get3A_497, %get3A_235 : vector<16xf32>
        %add3A_499 = arith.addf %add3A_489, %mul3A_498 : vector<16xf32>
        %swap3A_500 = arith.constant 0 : i32
        %swap3A_501 = arith.index_cast %swap3A_500 : i32 to index
        %swap3A_502 = arith.index_cast %scan3A_212 : i32 to index
        %swap3A_503 = arith.constant 112 : index
        %swap3A_504 = tpu.vector_load %arg9[%swap3A_501, %swap3A_502, %swap3A_503] {strides = array<i32>} : memref<2x32x256xf32, #tpu.memory_space<vmem>>, vector<1x1x16xf32>,
        %swap3A_505 = vector.shape_cast %swap3A_504 : vector<1x1x16xf32> to vector<16xf32>
        %swap3A_506 = vector.shape_cast %add3A_499 : vector<16xf32> to vector<1x1x16xf32>
        tpu.vector_store %arg9[%swap3A_501, %swap3A_502, %swap3A_503], %swap3A_506 {strides = array<i32>} : memref<2x32x256xf32, #tpu.memory_space<vmem>>, vector<1x1x16xf32>,
        %get3A_507 = arith.constant 0 : i32
        %get3A_508 = arith.index_cast %get3A_507 : i32 to index
        %get3A_509 = arith.index_cast %mul3A_214 : i32 to index
        %get3A_510 = arith.constant 128 : index
        %get3A_511 = tpu.vector_load %arg8[%get3A_508, %get3A_509, %get3A_510] {strides = array<i32>} : memref<2x96x256xf32, #tpu.memory_space<vmem>>, vector<1x1x16xf32>,
        %get3A_512 = vector.shape_cast %get3A_511 : vector<1x1x16xf32> to vector<16xf32>
        %mul3A_513 = arith.mulf %get3A_512, %get3A_219 : vector<16xf32>
        %add3A_514 = arith.constant 1 : i32
        %add3A_515 = arith.addi %mul3A_214, %add3A_514 : i32
        %get3A_516 = arith.constant 0 : i32
        %get3A_517 = arith.index_cast %get3A_516 : i32 to index
        %get3A_518 = arith.index_cast %add3A_515 : i32 to index
        %get3A_519 = arith.constant 128 : index
        %get3A_520 = tpu.vector_load %arg8[%get3A_517, %get3A_518, %get3A_519] {strides = array<i32>} : memref<2x96x256xf32, #tpu.memory_space<vmem>>, vector<1x1x16xf32>,
        %get3A_521 = vector.shape_cast %get3A_520 : vector<1x1x16xf32> to vector<16xf32>
        %mul3A_522 = arith.mulf %get3A_521, %get3A_227 : vector<16xf32>
        %add3A_523 = arith.addf %mul3A_513, %mul3A_522 : vector<16xf32>
        %add3A_524 = arith.constant 2 : i32
        %add3A_525 = arith.addi %mul3A_214, %add3A_524 : i32
        %get3A_526 = arith.constant 0 : i32
        %get3A_527 = arith.index_cast %get3A_526 : i32 to index
        %get3A_528 = arith.index_cast %add3A_525 : i32 to index
        %get3A_529 = arith.constant 128 : index
        %get3A_530 = tpu.vector_load %arg8[%get3A_527, %get3A_528, %get3A_529] {strides = array<i32>} : memref<2x96x256xf32, #tpu.memory_space<vmem>>, vector<1x1x16xf32>,
        %get3A_531 = vector.shape_cast %get3A_530 : vector<1x1x16xf32> to vector<16xf32>
        %mul3A_532 = arith.mulf %get3A_531, %get3A_235 : vector<16xf32>
        %add3A_533 = arith.addf %add3A_523, %mul3A_532 : vector<16xf32>
        %swap3A_534 = arith.constant 0 : i32
        %swap3A_535 = arith.index_cast %swap3A_534 : i32 to index
        %swap3A_536 = arith.index_cast %scan3A_212 : i32 to index
        %swap3A_537 = arith.constant 128 : index
        %swap3A_538 = tpu.vector_load %arg9[%swap3A_535, %swap3A_536, %swap3A_537] {strides = array<i32>} : memref<2x32x256xf32, #tpu.memory_space<vmem>>, vector<1x1x16xf32>,
        %swap3A_539 = vector.shape_cast %swap3A_538 : vector<1x1x16xf32> to vector<16xf32>
        %swap3A_540 = vector.shape_cast %add3A_533 : vector<16xf32> to vector<1x1x16xf32>
        tpu.vector_store %arg9[%swap3A_535, %swap3A_536, %swap3A_537], %swap3A_540 {strides = array<i32>} : memref<2x32x256xf32, #tpu.memory_space<vmem>>, vector<1x1x16xf32>,
        %get3A_541 = arith.constant 0 : i32
        %get3A_542 = arith.index_cast %get3A_541 : i32 to index
        %get3A_543 = arith.index_cast %mul3A_214 : i32 to index
        %get3A_544 = arith.constant 144 : index
        %get3A_545 = tpu.vector_load %arg8[%get3A_542, %get3A_543, %get3A_544] {strides = array<i32>} : memref<2x96x256xf32, #tpu.memory_space<vmem>>, vector<1x1x16xf32>,
        %get3A_546 = vector.shape_cast %get3A_545 : vector<1x1x16xf32> to vector<16xf32>
        %mul3A_547 = arith.mulf %get3A_546, %get3A_219 : vector<16xf32>
        %add3A_548 = arith.constant 1 : i32
        %add3A_549 = arith.addi %mul3A_214, %add3A_548 : i32
        %get3A_550 = arith.constant 0 : i32
        %get3A_551 = arith.index_cast %get3A_550 : i32 to index
        %get3A_552 = arith.index_cast %add3A_549 : i32 to index
        %get3A_553 = arith.constant 144 : index
        %get3A_554 = tpu.vector_load %arg8[%get3A_551, %get3A_552, %get3A_553] {strides = array<i32>} : memref<2x96x256xf32, #tpu.memory_space<vmem>>, vector<1x1x16xf32>,
        %get3A_555 = vector.shape_cast %get3A_554 : vector<1x1x16xf32> to vector<16xf32>
        %mul3A_556 = arith.mulf %get3A_555, %get3A_227 : vector<16xf32>
        %add3A_557 = arith.addf %mul3A_547, %mul3A_556 : vector<16xf32>
        %add3A_558 = arith.constant 2 : i32
        %add3A_559 = arith.addi %mul3A_214, %add3A_558 : i32
        %get3A_560 = arith.constant 0 : i32
        %get3A_561 = arith.index_cast %get3A_560 : i32 to index
        %get3A_562 = arith.index_cast %add3A_559 : i32 to index
        %get3A_563 = arith.constant 144 : index
        %get3A_564 = tpu.vector_load %arg8[%get3A_561, %get3A_562, %get3A_563] {strides = array<i32>} : memref<2x96x256xf32, #tpu.memory_space<vmem>>, vector<1x1x16xf32>,
        %get3A_565 = vector.shape_cast %get3A_564 : vector<1x1x16xf32> to vector<16xf32>
        %mul3A_566 = arith.mulf %get3A_565, %get3A_235 : vector<16xf32>
        %add3A_567 = arith.addf %add3A_557, %mul3A_566 : vector<16xf32>
        %swap3A_568 = arith.constant 0 : i32
        %swap3A_569 = arith.index_cast %swap3A_568 : i32 to index
        %swap3A_570 = arith.index_cast %scan3A_212 : i32 to index
        %swap3A_571 = arith.constant 144 : index
        %swap3A_572 = tpu.vector_load %arg9[%swap3A_569, %swap3A_570, %swap3A_571] {strides = array<i32>} : memref<2x32x256xf32, #tpu.memory_space<vmem>>, vector<1x1x16xf32>,
        %swap3A_573 = vector.shape_cast %swap3A_572 : vector<1x1x16xf32> to vector<16xf32>
        %swap3A_574 = vector.shape_cast %add3A_567 : vector<16xf32> to vector<1x1x16xf32>
        tpu.vector_store %arg9[%swap3A_569, %swap3A_570, %swap3A_571], %swap3A_574 {strides = array<i32>} : memref<2x32x256xf32, #tpu.memory_space<vmem>>, vector<1x1x16xf32>,
        %get3A_575 = arith.constant 0 : i32
        %get3A_576 = arith.index_cast %get3A_575 : i32 to index
        %get3A_577 = arith.index_cast %mul3A_214 : i32 to index
        %get3A_578 = arith.constant 160 : index
        %get3A_579 = tpu.vector_load %arg8[%get3A_576, %get3A_577, %get3A_578] {strides = array<i32>} : memref<2x96x256xf32, #tpu.memory_space<vmem>>, vector<1x1x16xf32>,
        %get3A_580 = vector.shape_cast %get3A_579 : vector<1x1x16xf32> to vector<16xf32>
        %mul3A_581 = arith.mulf %get3A_580, %get3A_219 : vector<16xf32>
        %add3A_582 = arith.constant 1 : i32
        %add3A_583 = arith.addi %mul3A_214, %add3A_582 : i32
        %get3A_584 = arith.constant 0 : i32
        %get3A_585 = arith.index_cast %get3A_584 : i32 to index
        %get3A_586 = arith.index_cast %add3A_583 : i32 to index
        %get3A_587 = arith.constant 160 : index
        %get3A_588 = tpu.vector_load %arg8[%get3A_585, %get3A_586, %get3A_587] {strides = array<i32>} : memref<2x96x256xf32, #tpu.memory_space<vmem>>, vector<1x1x16xf32>,
        %get3A_589 = vector.shape_cast %get3A_588 : vector<1x1x16xf32> to vector<16xf32>
        %mul3A_590 = arith.mulf %get3A_589, %get3A_227 : vector<16xf32>
        %add3A_591 = arith.addf %mul3A_581, %mul3A_590 : vector<16xf32>
        %add3A_592 = arith.constant 2 : i32
        %add3A_593 = arith.addi %mul3A_214, %add3A_592 : i32
        %get3A_594 = arith.constant 0 : i32
        %get3A_595 = arith.index_cast %get3A_594 : i32 to index
        %get3A_596 = arith.index_cast %add3A_593 : i32 to index
        %get3A_597 = arith.constant 160 : index
        %get3A_598 = tpu.vector_load %arg8[%get3A_595, %get3A_596, %get3A_597] {strides = array<i32>} : memref<2x96x256xf32, #tpu.memory_space<vmem>>, vector<1x1x16xf32>,
        %get3A_599 = vector.shape_cast %get3A_598 : vector<1x1x16xf32> to vector<16xf32>
        %mul3A_600 = arith.mulf %get3A_599, %get3A_235 : vector<16xf32>
        %add3A_601 = arith.addf %add3A_591, %mul3A_600 : vector<16xf32>
        %swap3A_602 = arith.constant 0 : i32
        %swap3A_603 = arith.index_cast %swap3A_602 : i32 to index
        %swap3A_604 = arith.index_cast %scan3A_212 : i32 to index
        %swap3A_605 = arith.constant 160 : index
        %swap3A_606 = tpu.vector_load %arg9[%swap3A_603, %swap3A_604, %swap3A_605] {strides = array<i32>} : memref<2x32x256xf32, #tpu.memory_space<vmem>>, vector<1x1x16xf32>,
        %swap3A_607 = vector.shape_cast %swap3A_606 : vector<1x1x16xf32> to vector<16xf32>
        %swap3A_608 = vector.shape_cast %add3A_601 : vector<16xf32> to vector<1x1x16xf32>
        tpu.vector_store %arg9[%swap3A_603, %swap3A_604, %swap3A_605], %swap3A_608 {strides = array<i32>} : memref<2x32x256xf32, #tpu.memory_space<vmem>>, vector<1x1x16xf32>,
        %get3A_609 = arith.constant 0 : i32
        %get3A_610 = arith.index_cast %get3A_609 : i32 to index
        %get3A_611 = arith.index_cast %mul3A_214 : i32 to index
        %get3A_612 = arith.constant 176 : index
        %get3A_613 = tpu.vector_load %arg8[%get3A_610, %get3A_611, %get3A_612] {strides = array<i32>} : memref<2x96x256xf32, #tpu.memory_space<vmem>>, vector<1x1x16xf32>,
        %get3A_614 = vector.shape_cast %get3A_613 : vector<1x1x16xf32> to vector<16xf32>
        %mul3A_615 = arith.mulf %get3A_614, %get3A_219 : vector<16xf32>
        %add3A_616 = arith.constant 1 : i32
        %add3A_617 = arith.addi %mul3A_214, %add3A_616 : i32
        %get3A_618 = arith.constant 0 : i32
        %get3A_619 = arith.index_cast %get3A_618 : i32 to index
        %get3A_620 = arith.index_cast %add3A_617 : i32 to index
        %get3A_621 = arith.constant 176 : index
        %get3A_622 = tpu.vector_load %arg8[%get3A_619, %get3A_620, %get3A_621] {strides = array<i32>} : memref<2x96x256xf32, #tpu.memory_space<vmem>>, vector<1x1x16xf32>,
        %get3A_623 = vector.shape_cast %get3A_622 : vector<1x1x16xf32> to vector<16xf32>
        %mul3A_624 = arith.mulf %get3A_623, %get3A_227 : vector<16xf32>
        %add3A_625 = arith.addf %mul3A_615, %mul3A_624 : vector<16xf32>
        %add3A_626 = arith.constant 2 : i32
        %add3A_627 = arith.addi %mul3A_214, %add3A_626 : i32
        %get3A_628 = arith.constant 0 : i32
        %get3A_629 = arith.index_cast %get3A_628 : i32 to index
        %get3A_630 = arith.index_cast %add3A_627 : i32 to index
        %get3A_631 = arith.constant 176 : index
        %get3A_632 = tpu.vector_load %arg8[%get3A_629, %get3A_630, %get3A_631] {strides = array<i32>} : memref<2x96x256xf32, #tpu.memory_space<vmem>>, vector<1x1x16xf32>,
        %get3A_633 = vector.shape_cast %get3A_632 : vector<1x1x16xf32> to vector<16xf32>
        %mul3A_634 = arith.mulf %get3A_633, %get3A_235 : vector<16xf32>
        %add3A_635 = arith.addf %add3A_625, %mul3A_634 : vector<16xf32>
        %swap3A_636 = arith.constant 0 : i32
        %swap3A_637 = arith.index_cast %swap3A_636 : i32 to index
        %swap3A_638 = arith.index_cast %scan3A_212 : i32 to index
        %swap3A_639 = arith.constant 176 : index
        %swap3A_640 = tpu.vector_load %arg9[%swap3A_637, %swap3A_638, %swap3A_639] {strides = array<i32>} : memref<2x32x256xf32, #tpu.memory_space<vmem>>, vector<1x1x16xf32>,
        %swap3A_641 = vector.shape_cast %swap3A_640 : vector<1x1x16xf32> to vector<16xf32>
        %swap3A_642 = vector.shape_cast %add3A_635 : vector<16xf32> to vector<1x1x16xf32>
        tpu.vector_store %arg9[%swap3A_637, %swap3A_638, %swap3A_639], %swap3A_642 {strides = array<i32>} : memref<2x32x256xf32, #tpu.memory_space<vmem>>, vector<1x1x16xf32>,
        %get3A_643 = arith.constant 0 : i32
        %get3A_644 = arith.index_cast %get3A_643 : i32 to index
        %get3A_645 = arith.index_cast %mul3A_214 : i32 to index
        %get3A_646 = arith.constant 192 : index
        %get3A_647 = tpu.vector_load %arg8[%get3A_644, %get3A_645, %get3A_646] {strides = array<i32>} : memref<2x96x256xf32, #tpu.memory_space<vmem>>, vector<1x1x16xf32>,
        %get3A_648 = vector.shape_cast %get3A_647 : vector<1x1x16xf32> to vector<16xf32>
        %mul3A_649 = arith.mulf %get3A_648, %get3A_219 : vector<16xf32>
        %add3A_650 = arith.constant 1 : i32
        %add3A_651 = arith.addi %mul3A_214, %add3A_650 : i32
        %get3A_652 = arith.constant 0 : i32
        %get3A_653 = arith.index_cast %get3A_652 : i32 to index
        %get3A_654 = arith.index_cast %add3A_651 : i32 to index
        %get3A_655 = arith.constant 192 : index
        %get3A_656 = tpu.vector_load %arg8[%get3A_653, %get3A_654, %get3A_655] {strides = array<i32>} : memref<2x96x256xf32, #tpu.memory_space<vmem>>, vector<1x1x16xf32>,
        %get3A_657 = vector.shape_cast %get3A_656 : vector<1x1x16xf32> to vector<16xf32>
        %mul3A_658 = arith.mulf %get3A_657, %get3A_227 : vector<16xf32>
        %add3A_659 = arith.addf %mul3A_649, %mul3A_658 : vector<16xf32>
        %add3A_660 = arith.constant 2 : i32
        %add3A_661 = arith.addi %mul3A_214, %add3A_660 : i32
        %get3A_662 = arith.constant 0 : i32
        %get3A_663 = arith.index_cast %get3A_662 : i32 to index
        %get3A_664 = arith.index_cast %add3A_661 : i32 to index
        %get3A_665 = arith.constant 192 : index
        %get3A_666 = tpu.vector_load %arg8[%get3A_663, %get3A_664, %get3A_665] {strides = array<i32>} : memref<2x96x256xf32, #tpu.memory_space<vmem>>, vector<1x1x16xf32>,
        %get3A_667 = vector.shape_cast %get3A_666 : vector<1x1x16xf32> to vector<16xf32>
        %mul3A_668 = arith.mulf %get3A_667, %get3A_235 : vector<16xf32>
        %add3A_669 = arith.addf %add3A_659, %mul3A_668 : vector<16xf32>
        %swap3A_670 = arith.constant 0 : i32
        %swap3A_671 = arith.index_cast %swap3A_670 : i32 to index
        %swap3A_672 = arith.index_cast %scan3A_212 : i32 to index
        %swap3A_673 = arith.constant 192 : index
        %swap3A_674 = tpu.vector_load %arg9[%swap3A_671, %swap3A_672, %swap3A_673] {strides = array<i32>} : memref<2x32x256xf32, #tpu.memory_space<vmem>>, vector<1x1x16xf32>,
        %swap3A_675 = vector.shape_cast %swap3A_674 : vector<1x1x16xf32> to vector<16xf32>
        %swap3A_676 = vector.shape_cast %add3A_669 : vector<16xf32> to vector<1x1x16xf32>
        tpu.vector_store %arg9[%swap3A_671, %swap3A_672, %swap3A_673], %swap3A_676 {strides = array<i32>} : memref<2x32x256xf32, #tpu.memory_space<vmem>>, vector<1x1x16xf32>,
        %get3A_677 = arith.constant 0 : i32
        %get3A_678 = arith.index_cast %get3A_677 : i32 to index
        %get3A_679 = arith.index_cast %mul3A_214 : i32 to index
        %get3A_680 = arith.constant 208 : index
        %get3A_681 = tpu.vector_load %arg8[%get3A_678, %get3A_679, %get3A_680] {strides = array<i32>} : memref<2x96x256xf32, #tpu.memory_space<vmem>>, vector<1x1x16xf32>,
        %get3A_682 = vector.shape_cast %get3A_681 : vector<1x1x16xf32> to vector<16xf32>
        %mul3A_683 = arith.mulf %get3A_682, %get3A_219 : vector<16xf32>
        %add3A_684 = arith.constant 1 : i32
        %add3A_685 = arith.addi %mul3A_214, %add3A_684 : i32
        %get3A_686 = arith.constant 0 : i32
        %get3A_687 = arith.index_cast %get3A_686 : i32 to index
        %get3A_688 = arith.index_cast %add3A_685 : i32 to index
        %get3A_689 = arith.constant 208 : index
        %get3A_690 = tpu.vector_load %arg8[%get3A_687, %get3A_688, %get3A_689] {strides = array<i32>} : memref<2x96x256xf32, #tpu.memory_space<vmem>>, vector<1x1x16xf32>,
        %get3A_691 = vector.shape_cast %get3A_690 : vector<1x1x16xf32> to vector<16xf32>
        %mul3A_692 = arith.mulf %get3A_691, %get3A_227 : vector<16xf32>
        %add3A_693 = arith.addf %mul3A_683, %mul3A_692 : vector<16xf32>
        %add3A_694 = arith.constant 2 : i32
        %add3A_695 = arith.addi %mul3A_214, %add3A_694 : i32
        %get3A_696 = arith.constant 0 : i32
        %get3A_697 = arith.index_cast %get3A_696 : i32 to index
        %get3A_698 = arith.index_cast %add3A_695 : i32 to index
        %get3A_699 = arith.constant 208 : index
        %get3A_700 = tpu.vector_load %arg8[%get3A_697, %get3A_698, %get3A_699] {strides = array<i32>} : memref<2x96x256xf32, #tpu.memory_space<vmem>>, vector<1x1x16xf32>,
        %get3A_701 = vector.shape_cast %get3A_700 : vector<1x1x16xf32> to vector<16xf32>
        %mul3A_702 = arith.mulf %get3A_701, %get3A_235 : vector<16xf32>
        %add3A_703 = arith.addf %add3A_693, %mul3A_702 : vector<16xf32>
        %swap3A_704 = arith.constant 0 : i32
        %swap3A_705 = arith.index_cast %swap3A_704 : i32 to index
        %swap3A_706 = arith.index_cast %scan3A_212 : i32 to index
        %swap3A_707 = arith.constant 208 : index
        %swap3A_708 = tpu.vector_load %arg9[%swap3A_705, %swap3A_706, %swap3A_707] {strides = array<i32>} : memref<2x32x256xf32, #tpu.memory_space<vmem>>, vector<1x1x16xf32>,
        %swap3A_709 = vector.shape_cast %swap3A_708 : vector<1x1x16xf32> to vector<16xf32>
        %swap3A_710 = vector.shape_cast %add3A_703 : vector<16xf32> to vector<1x1x16xf32>
        tpu.vector_store %arg9[%swap3A_705, %swap3A_706, %swap3A_707], %swap3A_710 {strides = array<i32>} : memref<2x32x256xf32, #tpu.memory_space<vmem>>, vector<1x1x16xf32>,
        %get3A_711 = arith.constant 0 : i32
        %get3A_712 = arith.index_cast %get3A_711 : i32 to index
        %get3A_713 = arith.index_cast %mul3A_214 : i32 to index
        %get3A_714 = arith.constant 224 : index
        %get3A_715 = tpu.vector_load %arg8[%get3A_712, %get3A_713, %get3A_714] {strides = array<i32>} : memref<2x96x256xf32, #tpu.memory_space<vmem>>, vector<1x1x16xf32>,
        %get3A_716 = vector.shape_cast %get3A_715 : vector<1x1x16xf32> to vector<16xf32>
        %mul3A_717 = arith.mulf %get3A_716, %get3A_219 : vector<16xf32>
        %add3A_718 = arith.constant 1 : i32
        %add3A_719 = arith.addi %mul3A_214, %add3A_718 : i32
        %get3A_720 = arith.constant 0 : i32
        %get3A_721 = arith.index_cast %get3A_720 : i32 to index
        %get3A_722 = arith.index_cast %add3A_719 : i32 to index
        %get3A_723 = arith.constant 224 : index
        %get3A_724 = tpu.vector_load %arg8[%get3A_721, %get3A_722, %get3A_723] {strides = array<i32>} : memref<2x96x256xf32, #tpu.memory_space<vmem>>, vector<1x1x16xf32>,
        %get3A_725 = vector.shape_cast %get3A_724 : vector<1x1x16xf32> to vector<16xf32>
        %mul3A_726 = arith.mulf %get3A_725, %get3A_227 : vector<16xf32>
        %add3A_727 = arith.addf %mul3A_717, %mul3A_726 : vector<16xf32>
        %add3A_728 = arith.constant 2 : i32
        %add3A_729 = arith.addi %mul3A_214, %add3A_728 : i32
        %get3A_730 = arith.constant 0 : i32
        %get3A_731 = arith.index_cast %get3A_730 : i32 to index
        %get3A_732 = arith.index_cast %add3A_729 : i32 to index
        %get3A_733 = arith.constant 224 : index
        %get3A_734 = tpu.vector_load %arg8[%get3A_731, %get3A_732, %get3A_733] {strides = array<i32>} : memref<2x96x256xf32, #tpu.memory_space<vmem>>, vector<1x1x16xf32>,
        %get3A_735 = vector.shape_cast %get3A_734 : vector<1x1x16xf32> to vector<16xf32>
        %mul3A_736 = arith.mulf %get3A_735, %get3A_235 : vector<16xf32>
        %add3A_737 = arith.addf %add3A_727, %mul3A_736 : vector<16xf32>
        %swap3A_738 = arith.constant 0 : i32
        %swap3A_739 = arith.index_cast %swap3A_738 : i32 to index
        %swap3A_740 = arith.index_cast %scan3A_212 : i32 to index
        %swap3A_741 = arith.constant 224 : index
        %swap3A_742 = tpu.vector_load %arg9[%swap3A_739, %swap3A_740, %swap3A_741] {strides = array<i32>} : memref<2x32x256xf32, #tpu.memory_space<vmem>>, vector<1x1x16xf32>,
        %swap3A_743 = vector.shape_cast %swap3A_742 : vector<1x1x16xf32> to vector<16xf32>
        %swap3A_744 = vector.shape_cast %add3A_737 : vector<16xf32> to vector<1x1x16xf32>
        tpu.vector_store %arg9[%swap3A_739, %swap3A_740, %swap3A_741], %swap3A_744 {strides = array<i32>} : memref<2x32x256xf32, #tpu.memory_space<vmem>>, vector<1x1x16xf32>,
        %get3A_745 = arith.constant 0 : i32
        %get3A_746 = arith.index_cast %get3A_745 : i32 to index
        %get3A_747 = arith.index_cast %mul3A_214 : i32 to index
        %get3A_748 = arith.constant 240 : index
        %get3A_749 = tpu.vector_load %arg8[%get3A_746, %get3A_747, %get3A_748] {strides = array<i32>} : memref<2x96x256xf32, #tpu.memory_space<vmem>>, vector<1x1x16xf32>,
        %get3A_750 = vector.shape_cast %get3A_749 : vector<1x1x16xf32> to vector<16xf32>
        %mul3A_751 = arith.mulf %get3A_750, %get3A_219 : vector<16xf32>
        %add3A_752 = arith.constant 1 : i32
        %add3A_753 = arith.addi %mul3A_214, %add3A_752 : i32
        %get3A_754 = arith.constant 0 : i32
        %get3A_755 = arith.index_cast %get3A_754 : i32 to index
        %get3A_756 = arith.index_cast %add3A_753 : i32 to index
        %get3A_757 = arith.constant 240 : index
        %get3A_758 = tpu.vector_load %arg8[%get3A_755, %get3A_756, %get3A_757] {strides = array<i32>} : memref<2x96x256xf32, #tpu.memory_space<vmem>>, vector<1x1x16xf32>,
        %get3A_759 = vector.shape_cast %get3A_758 : vector<1x1x16xf32> to vector<16xf32>
        %mul3A_760 = arith.mulf %get3A_759, %get3A_227 : vector<16xf32>
        %add3A_761 = arith.addf %mul3A_751, %mul3A_760 : vector<16xf32>
        %add3A_762 = arith.constant 2 : i32
        %add3A_763 = arith.addi %mul3A_214, %add3A_762 : i32
        %get3A_764 = arith.constant 0 : i32
        %get3A_765 = arith.index_cast %get3A_764 : i32 to index
        %get3A_766 = arith.index_cast %add3A_763 : i32 to index
        %get3A_767 = arith.constant 240 : index
        %get3A_768 = tpu.vector_load %arg8[%get3A_765, %get3A_766, %get3A_767] {strides = array<i32>} : memref<2x96x256xf32, #tpu.memory_space<vmem>>, vector<1x1x16xf32>,
        %get3A_769 = vector.shape_cast %get3A_768 : vector<1x1x16xf32> to vector<16xf32>
        %mul3A_770 = arith.mulf %get3A_769, %get3A_235 : vector<16xf32>
        %add3A_771 = arith.addf %add3A_761, %mul3A_770 : vector<16xf32>
        %swap3A_772 = arith.constant 0 : i32
        %swap3A_773 = arith.index_cast %swap3A_772 : i32 to index
        %swap3A_774 = arith.index_cast %scan3A_212 : i32 to index
        %swap3A_775 = arith.constant 240 : index
        %swap3A_776 = tpu.vector_load %arg9[%swap3A_773, %swap3A_774, %swap3A_775] {strides = array<i32>} : memref<2x32x256xf32, #tpu.memory_space<vmem>>, vector<1x1x16xf32>,
        %swap3A_777 = vector.shape_cast %swap3A_776 : vector<1x1x16xf32> to vector<16xf32>
        %swap3A_778 = vector.shape_cast %add3A_771 : vector<16xf32> to vector<1x1x16xf32>
        tpu.vector_store %arg9[%swap3A_773, %swap3A_774, %swap3A_775], %swap3A_778 {strides = array<i32>} : memref<2x32x256xf32, #tpu.memory_space<vmem>>, vector<1x1x16xf32>,
      }
      %scan3A_133 = arith.constant 32 : i32
      %mul3A_134 = arith.constant 32 : i32
      %mul3A_135 = arith.muli %mul3A_69, %mul3A_134 : i32
      %add3A_136 = arith.addi %mul3A_2, %mul3A_135 : i32
      %dma_start3A_137 = arith.constant 0 : i32
      %dma_start3A_138 = arith.constant 0 : i32
      %dma_start3A_139 = arith.constant 0 : i32
      %dma_start3A_140 = tpu.memref_slice %arg9[%dma_start3A_137, %dma_start3A_138, %dma_start3A_139] : memref<2x32x256xf32, #tpu.memory_space<vmem>> -> memref<1x32x256xf32, #tpu.memory_space<vmem>>
      %dma_start3A_141 = tpu.memref_squeeze %dma_start3A_140 : memref<1x32x256xf32, #tpu.memory_space<vmem>> -> memref<32x256xf32, #tpu.memory_space<vmem>>
      %dma_start3A_142 = arith.constant 0 : i32
      %dma_start3A_143 = tpu.memref_slice %arg5[%add3A_136, %dma_start3A_142] : memref<32768x256xf32, #tpu.memory_space<hbm>> -> memref<32x256xf32, #tpu.memory_space<hbm>>
      %dma_start3A_144 = arith.constant 0 : i32
      %dma_start3A_145 = tpu.memref_slice %arg5[%add3A_136, %dma_start3A_144] : memref<32768x256xf32, #tpu.memory_space<hbm>> -> memref<32x256xf32, #tpu.memory_space<hbm>>
      %dma_start3A_146 = arith.constant 0 : i32
      %dma_start3A_147 = arith.constant 0 : i32
      %dma_start3A_148 = tpu.memref_slice %arg9[%dma_start3A_137, %dma_start3A_146, %dma_start3A_147] : memref<2x32x256xf32, #tpu.memory_space<vmem>> -> memref<1x32x256xf32, #tpu.memory_space<vmem>>
      %dma_start3A_149 = tpu.memref_squeeze %dma_start3A_148 : memref<1x32x256xf32, #tpu.memory_space<vmem>> -> memref<32x256xf32, #tpu.memory_space<vmem>>
      tpu.enqueue_dma source(%dma_start3A_149 : memref<32x256xf32, #tpu.memory_space<vmem>>) target(%dma_start3A_145 : memref<32x256xf32, #tpu.memory_space<hbm>>) target_semaphore(%arg14 : memref<!tpu.dma_semaphore, #tpu.memory_space<semaphore_mem>>)
      %add3A_150 = arith.constant 2 : i32
      %add3A_151 = arith.addi %mul3A_69, %add3A_150 : i32
      %lt3A = arith.constant 32 : i32
      %lt3A_152 = arith.cmpi slt, %add3A_151, %lt3A : i32
      %convert_element_type3A_153 = arith.extui %lt3A_152 : i1 to i32
      %cond3A_154 = arith.constant 0 : i32
      %cond3A_155 = arith.cmpi ne, %convert_element_type3A_153, %cond3A_154 : i32
      scf.if %cond3A_155 {
        %add3A_212 = arith.constant 2 : i32
        %add3A_213 = arith.addi %mul3A_69, %add3A_212 : i32
        %dma_start3A_214 = arith.constant 0 : i32
        %dma_start3A_215 = arith.constant 0 : i32
        %dma_start3A_216 = arith.constant 0 : i32
        %dma_start3A_217 = tpu.memref_slice %arg8[%dma_start3A_214, %dma_start3A_215, %dma_start3A_216] : memref<2x96x256xf32, #tpu.memory_space<vmem>> -> memref<1x96x256xf32, #tpu.memory_space<vmem>>
        %dma_start3A_218 = tpu.memref_squeeze %dma_start3A_217 : memref<1x96x256xf32, #tpu.memory_space<vmem>> -> memref<96x256xf32, #tpu.memory_space<vmem>>
        %dma_start3A_219 = arith.constant 0 : i32
        %dma_start3A_220 = tpu.memref_slice %arg6[%add3A_213, %dma_start3A_219] : memref<32x96xi32, #tpu.memory_space<vmem>> -> memref<1x96xi32, #tpu.memory_space<vmem>>
        %dma_start3A_221 = tpu.memref_squeeze %dma_start3A_220 : memref<1x96xi32, #tpu.memory_space<vmem>> -> memref<96xi32, #tpu.memory_space<vmem>>
        %dma_start3A_222 = arith.constant 0 : i32
        %dma_start3A_223 = arith.constant 0 : i32
        %dma_start3A_224 = tpu.memref_slice %arg2[%dma_start3A_222, %dma_start3A_223] : memref<8192x256xf32, #tpu.memory_space<hbm>> -> memref<8192x256xf32, #tpu.memory_space<hbm>>
        tpu.enqueue_indirect_dma source(%dma_start3A_224 : memref<8192x256xf32, #tpu.memory_space<hbm>>) target(%dma_start3A_218 : memref<96x256xf32, #tpu.memory_space<vmem>>) offsets(%dma_start3A_221 : memref<96xi32, #tpu.memory_space<vmem>>) semaphore(%arg10 : memref<!tpu.dma_semaphore, #tpu.memory_space<semaphore_mem>>)
        %add3A_225 = arith.addi %mul3A_4, %add3A_213 : i32
        %mul3A_226 = arith.constant 96 : i32
        %mul3A_227 = arith.muli %add3A_225, %mul3A_226 : i32
        %dma_start3A_228 = arith.constant 0 : i32
        %dma_start3A_229 = arith.constant 0 : i32
        %dma_start3A_230 = arith.constant 0 : i32
        %dma_start3A_231 = tpu.memref_slice %arg7[%dma_start3A_228, %dma_start3A_229, %dma_start3A_230] : memref<2x96x16xf32, #tpu.memory_space<vmem>> -> memref<1x96x16xf32, #tpu.memory_space<vmem>>
        %dma_start3A_232 = tpu.memref_squeeze %dma_start3A_231 : memref<1x96x16xf32, #tpu.memory_space<vmem>> -> memref<96x16xf32, #tpu.memory_space<vmem>>
        %dma_start3A_233 = arith.constant 0 : i32
        %dma_start3A_234 = tpu.memref_slice %arg4[%mul3A_227, %dma_start3A_233] : memref<98304x16xf32, #tpu.memory_space<hbm>> -> memref<96x16xf32, #tpu.memory_space<hbm>>
        %dma_start3A_235 = arith.constant 0 : i32
        %dma_start3A_236 = arith.constant 0 : i32
        %dma_start3A_237 = tpu.memref_slice %arg7[%dma_start3A_228, %dma_start3A_235, %dma_start3A_236] : memref<2x96x16xf32, #tpu.memory_space<vmem>> -> memref<1x96x16xf32, #tpu.memory_space<vmem>>
        %dma_start3A_238 = tpu.memref_squeeze %dma_start3A_237 : memref<1x96x16xf32, #tpu.memory_space<vmem>> -> memref<96x16xf32, #tpu.memory_space<vmem>>
        %dma_start3A_239 = arith.constant 0 : i32
        %dma_start3A_240 = tpu.memref_slice %arg4[%mul3A_227, %dma_start3A_239] : memref<98304x16xf32, #tpu.memory_space<hbm>> -> memref<96x16xf32, #tpu.memory_space<hbm>>
        tpu.enqueue_dma source(%dma_start3A_240 : memref<96x16xf32, #tpu.memory_space<hbm>>) target(%dma_start3A_238 : memref<96x16xf32, #tpu.memory_space<vmem>>) target_semaphore(%arg12 : memref<!tpu.dma_semaphore, #tpu.memory_space<semaphore_mem>>)
      } else {
      }
      %dma_wait3A_156 = arith.constant 0 : i32
      %dma_wait3A_157 = arith.constant 1 : i32
      %dma_wait3A_158 = arith.constant 0 : i32
      %dma_wait3A_159 = arith.constant 0 : i32
      %dma_wait3A_160 = tpu.memref_slice %arg8[%dma_wait3A_157, %dma_wait3A_158, %dma_wait3A_159] : memref<2x96x256xf32, #tpu.memory_space<vmem>> -> memref<1x96x256xf32, #tpu.memory_space<vmem>>
      %dma_wait3A_161 = tpu.memref_squeeze %dma_wait3A_160 : memref<1x96x256xf32, #tpu.memory_space<vmem>> -> memref<96x256xf32, #tpu.memory_space<vmem>>
      %dma_wait3A_162 = arith.constant 0 : i32
      %dma_wait3A_163 = tpu.memref_slice %arg6[%dma_wait3A_156, %dma_wait3A_162] : memref<32x96xi32, #tpu.memory_space<vmem>> -> memref<1x96xi32, #tpu.memory_space<vmem>>
      %dma_wait3A_164 = tpu.memref_squeeze %dma_wait3A_163 : memref<1x96xi32, #tpu.memory_space<vmem>> -> memref<96xi32, #tpu.memory_space<vmem>>
      %dma_wait3A_165 = arith.constant 0 : i32
      %dma_wait3A_166 = arith.constant 0 : i32
      %dma_wait3A_167 = tpu.memref_slice %arg2[%dma_wait3A_165, %dma_wait3A_166] : memref<8192x256xf32, #tpu.memory_space<hbm>> -> memref<8192x256xf32, #tpu.memory_space<hbm>>
      tpu.wait_indirect_dma semaphore(%arg11 : memref<!tpu.dma_semaphore, #tpu.memory_space<semaphore_mem>>) src(%dma_wait3A_167 : memref<8192x256xf32, #tpu.memory_space<hbm>>) dst(%dma_wait3A_161 : memref<96x256xf32, #tpu.memory_space<vmem>>)
      %dma_wait3A_168 = arith.constant 1 : i32
      %dma_wait3A_169 = arith.constant 0 : i32
      %dma_wait3A_170 = arith.constant 0 : i32
      %dma_wait3A_171 = tpu.memref_slice %arg7[%dma_wait3A_168, %dma_wait3A_169, %dma_wait3A_170] : memref<2x96x16xf32, #tpu.memory_space<vmem>> -> memref<1x96x16xf32, #tpu.memory_space<vmem>>
      %dma_wait3A_172 = tpu.memref_squeeze %dma_wait3A_171 : memref<1x96x16xf32, #tpu.memory_space<vmem>> -> memref<96x16xf32, #tpu.memory_space<vmem>>
      %dma_wait3A_173 = arith.constant 0 : i32
      %dma_wait3A_174 = arith.constant 0 : i32
      %dma_wait3A_175 = tpu.memref_slice %arg4[%dma_wait3A_173, %dma_wait3A_174] : memref<98304x16xf32, #tpu.memory_space<hbm>> -> memref<96x16xf32, #tpu.memory_space<hbm>>
      %dma_wait3A_176 = arith.constant 0 : i32
      %dma_wait3A_177 = arith.constant 0 : i32
      %dma_wait3A_178 = tpu.memref_slice %arg7[%dma_wait3A_168, %dma_wait3A_176, %dma_wait3A_177] : memref<2x96x16xf32, #tpu.memory_space<vmem>> -> memref<1x96x16xf32, #tpu.memory_space<vmem>>
      %dma_wait3A_179 = tpu.memref_squeeze %dma_wait3A_178 : memref<1x96x16xf32, #tpu.memory_space<vmem>> -> memref<96x16xf32, #tpu.memory_space<vmem>>
      %dma_wait3A_180 = arith.constant 0 : i32
      %dma_wait3A_181 = arith.constant 0 : i32
      %dma_wait3A_182 = tpu.memref_slice %arg4[%dma_wait3A_180, %dma_wait3A_181] : memref<98304x16xf32, #tpu.memory_space<hbm>> -> memref<96x16xf32, #tpu.memory_space<hbm>>
      tpu.wait_dma2 semaphore(%arg13 : memref<!tpu.dma_semaphore, #tpu.memory_space<semaphore_mem>>) src(%dma_wait3A_182 : memref<96x16xf32, #tpu.memory_space<hbm>>) dst(%dma_wait3A_179 : memref<96x16xf32, #tpu.memory_space<vmem>>)
      %gt3A_183 = arith.constant 0 : i32
      %gt3A_184 = arith.cmpi sgt, %scan3A_67, %gt3A_183 : i32
      %convert_element_type3A_185 = arith.extui %gt3A_184 : i1 to i32
      %cond3A_186 = arith.constant 0 : i32
      %cond3A_187 = arith.cmpi ne, %convert_element_type3A_185, %cond3A_186 : i32
      scf.if %cond3A_187 {
        %dma_wait3A_212 = arith.constant 1 : i32
        %dma_wait3A_213 = arith.constant 0 : i32
        %dma_wait3A_214 = arith.constant 0 : i32
        %dma_wait3A_215 = tpu.memref_slice %arg9[%dma_wait3A_212, %dma_wait3A_213, %dma_wait3A_214] : memref<2x32x256xf32, #tpu.memory_space<vmem>> -> memref<1x32x256xf32, #tpu.memory_space<vmem>>
        %dma_wait3A_216 = tpu.memref_squeeze %dma_wait3A_215 : memref<1x32x256xf32, #tpu.memory_space<vmem>> -> memref<32x256xf32, #tpu.memory_space<vmem>>
        %dma_wait3A_217 = arith.constant 0 : i32
        %dma_wait3A_218 = arith.constant 0 : i32
        %dma_wait3A_219 = tpu.memref_slice %arg5[%dma_wait3A_217, %dma_wait3A_218] : memref<32768x256xf32, #tpu.memory_space<hbm>> -> memref<32x256xf32, #tpu.memory_space<hbm>>
        %dma_wait3A_220 = arith.constant 0 : i32
        %dma_wait3A_221 = arith.constant 0 : i32
        %dma_wait3A_222 = tpu.memref_slice %arg5[%dma_wait3A_220, %dma_wait3A_221] : memref<32768x256xf32, #tpu.memory_space<hbm>> -> memref<32x256xf32, #tpu.memory_space<hbm>>
        %dma_wait3A_223 = arith.constant 0 : i32
        %dma_wait3A_224 = arith.constant 0 : i32
        %dma_wait3A_225 = tpu.memref_slice %arg9[%dma_wait3A_212, %dma_wait3A_223, %dma_wait3A_224] : memref<2x32x256xf32, #tpu.memory_space<vmem>> -> memref<1x32x256xf32, #tpu.memory_space<vmem>>
        %dma_wait3A_226 = tpu.memref_squeeze %dma_wait3A_225 : memref<1x32x256xf32, #tpu.memory_space<vmem>> -> memref<32x256xf32, #tpu.memory_space<vmem>>
        tpu.wait_dma2 semaphore(%arg15 : memref<!tpu.dma_semaphore, #tpu.memory_space<semaphore_mem>>) src(%dma_wait3A_226 : memref<32x256xf32, #tpu.memory_space<vmem>>) dst(%dma_wait3A_222 : memref<32x256xf32, #tpu.memory_space<hbm>>)
      } else {
      }
      %add3A_188 = arith.constant 1 : i32
      %add3A_189 = arith.addi %mul3A_69, %add3A_188 : i32
      %scan3A_190 = arith.constant 0 : i32
      %scan3A_191 = arith.constant 0 : i32
      %scan3A_192 = arith.constant 32 : i32
      %scan3A_193 = arith.addi %scan3A_191, %scan3A_192 : i32
      %scan3A_194 = arith.constant 1 : i32
      scf.for %scan3A_212 = %scan3A_191 to %scan3A_193 step %scan3A_194  : i32 {
        %mul3A_213 = arith.constant 3 : i32
        %mul3A_214 = arith.muli %mul3A_213, %scan3A_212 : i32
        %get3A = arith.constant 1 : i32
        %get3A_215 = arith.index_cast %get3A : i32 to index
        %get3A_216 = arith.index_cast %mul3A_214 : i32 to index
        %get3A_217 = arith.constant 0 : index
        %get3A_218 = tpu.vector_load %arg7[%get3A_215, %get3A_216, %get3A_217] {strides = array<i32>} : memref<2x96x16xf32, #tpu.memory_space<vmem>>, vector<1x1x16xf32>,
        %get3A_219 = vector.shape_cast %get3A_218 : vector<1x1x16xf32> to vector<16xf32>
        %add3A_220 = arith.constant 1 : i32
        %add3A_221 = arith.addi %mul3A_214, %add3A_220 : i32
        %get3A_222 = arith.constant 1 : i32
        %get3A_223 = arith.index_cast %get3A_222 : i32 to index
        %get3A_224 = arith.index_cast %add3A_221 : i32 to index
        %get3A_225 = arith.constant 0 : index
        %get3A_226 = tpu.vector_load %arg7[%get3A_223, %get3A_224, %get3A_225] {strides = array<i32>} : memref<2x96x16xf32, #tpu.memory_space<vmem>>, vector<1x1x16xf32>,
        %get3A_227 = vector.shape_cast %get3A_226 : vector<1x1x16xf32> to vector<16xf32>
        %add3A_228 = arith.constant 2 : i32
        %add3A_229 = arith.addi %mul3A_214, %add3A_228 : i32
        %get3A_230 = arith.constant 1 : i32
        %get3A_231 = arith.index_cast %get3A_230 : i32 to index
        %get3A_232 = arith.index_cast %add3A_229 : i32 to index
        %get3A_233 = arith.constant 0 : index
        %get3A_234 = tpu.vector_load %arg7[%get3A_231, %get3A_232, %get3A_233] {strides = array<i32>} : memref<2x96x16xf32, #tpu.memory_space<vmem>>, vector<1x1x16xf32>,
        %get3A_235 = vector.shape_cast %get3A_234 : vector<1x1x16xf32> to vector<16xf32>
        %get3A_236 = arith.constant 1 : i32
        %get3A_237 = arith.index_cast %get3A_236 : i32 to index
        %get3A_238 = arith.index_cast %mul3A_214 : i32 to index
        %get3A_239 = arith.constant 0 : index
        %get3A_240 = tpu.vector_load %arg8[%get3A_237, %get3A_238, %get3A_239] {strides = array<i32>} : memref<2x96x256xf32, #tpu.memory_space<vmem>>, vector<1x1x16xf32>,
        %get3A_241 = vector.shape_cast %get3A_240 : vector<1x1x16xf32> to vector<16xf32>
        %mul3A_242 = arith.mulf %get3A_241, %get3A_219 : vector<16xf32>
        %add3A_243 = arith.constant 1 : i32
        %add3A_244 = arith.addi %mul3A_214, %add3A_243 : i32
        %get3A_245 = arith.constant 1 : i32
        %get3A_246 = arith.index_cast %get3A_245 : i32 to index
        %get3A_247 = arith.index_cast %add3A_244 : i32 to index
        %get3A_248 = arith.constant 0 : index
        %get3A_249 = tpu.vector_load %arg8[%get3A_246, %get3A_247, %get3A_248] {strides = array<i32>} : memref<2x96x256xf32, #tpu.memory_space<vmem>>, vector<1x1x16xf32>,
        %get3A_250 = vector.shape_cast %get3A_249 : vector<1x1x16xf32> to vector<16xf32>
        %mul3A_251 = arith.mulf %get3A_250, %get3A_227 : vector<16xf32>
        %add3A_252 = arith.addf %mul3A_242, %mul3A_251 : vector<16xf32>
        %add3A_253 = arith.constant 2 : i32
        %add3A_254 = arith.addi %mul3A_214, %add3A_253 : i32
        %get3A_255 = arith.constant 1 : i32
        %get3A_256 = arith.index_cast %get3A_255 : i32 to index
        %get3A_257 = arith.index_cast %add3A_254 : i32 to index
        %get3A_258 = arith.constant 0 : index
        %get3A_259 = tpu.vector_load %arg8[%get3A_256, %get3A_257, %get3A_258] {strides = array<i32>} : memref<2x96x256xf32, #tpu.memory_space<vmem>>, vector<1x1x16xf32>,
        %get3A_260 = vector.shape_cast %get3A_259 : vector<1x1x16xf32> to vector<16xf32>
        %mul3A_261 = arith.mulf %get3A_260, %get3A_235 : vector<16xf32>
        %add3A_262 = arith.addf %add3A_252, %mul3A_261 : vector<16xf32>
        %swap3A = arith.constant 1 : i32
        %swap3A_263 = arith.index_cast %swap3A : i32 to index
        %swap3A_264 = arith.index_cast %scan3A_212 : i32 to index
        %swap3A_265 = arith.constant 0 : index
        %swap3A_266 = tpu.vector_load %arg9[%swap3A_263, %swap3A_264, %swap3A_265] {strides = array<i32>} : memref<2x32x256xf32, #tpu.memory_space<vmem>>, vector<1x1x16xf32>,
        %swap3A_267 = vector.shape_cast %swap3A_266 : vector<1x1x16xf32> to vector<16xf32>
        %swap3A_268 = vector.shape_cast %add3A_262 : vector<16xf32> to vector<1x1x16xf32>
        tpu.vector_store %arg9[%swap3A_263, %swap3A_264, %swap3A_265], %swap3A_268 {strides = array<i32>} : memref<2x32x256xf32, #tpu.memory_space<vmem>>, vector<1x1x16xf32>,
        %get3A_269 = arith.constant 1 : i32
        %get3A_270 = arith.index_cast %get3A_269 : i32 to index
        %get3A_271 = arith.index_cast %mul3A_214 : i32 to index
        %get3A_272 = arith.constant 16 : index
        %get3A_273 = tpu.vector_load %arg8[%get3A_270, %get3A_271, %get3A_272] {strides = array<i32>} : memref<2x96x256xf32, #tpu.memory_space<vmem>>, vector<1x1x16xf32>,
        %get3A_274 = vector.shape_cast %get3A_273 : vector<1x1x16xf32> to vector<16xf32>
        %mul3A_275 = arith.mulf %get3A_274, %get3A_219 : vector<16xf32>
        %add3A_276 = arith.constant 1 : i32
        %add3A_277 = arith.addi %mul3A_214, %add3A_276 : i32
        %get3A_278 = arith.constant 1 : i32
        %get3A_279 = arith.index_cast %get3A_278 : i32 to index
        %get3A_280 = arith.index_cast %add3A_277 : i32 to index
        %get3A_281 = arith.constant 16 : index
        %get3A_282 = tpu.vector_load %arg8[%get3A_279, %get3A_280, %get3A_281] {strides = array<i32>} : memref<2x96x256xf32, #tpu.memory_space<vmem>>, vector<1x1x16xf32>,
        %get3A_283 = vector.shape_cast %get3A_282 : vector<1x1x16xf32> to vector<16xf32>
        %mul3A_284 = arith.mulf %get3A_283, %get3A_227 : vector<16xf32>
        %add3A_285 = arith.addf %mul3A_275, %mul3A_284 : vector<16xf32>
        %add3A_286 = arith.constant 2 : i32
        %add3A_287 = arith.addi %mul3A_214, %add3A_286 : i32
        %get3A_288 = arith.constant 1 : i32
        %get3A_289 = arith.index_cast %get3A_288 : i32 to index
        %get3A_290 = arith.index_cast %add3A_287 : i32 to index
        %get3A_291 = arith.constant 16 : index
        %get3A_292 = tpu.vector_load %arg8[%get3A_289, %get3A_290, %get3A_291] {strides = array<i32>} : memref<2x96x256xf32, #tpu.memory_space<vmem>>, vector<1x1x16xf32>,
        %get3A_293 = vector.shape_cast %get3A_292 : vector<1x1x16xf32> to vector<16xf32>
        %mul3A_294 = arith.mulf %get3A_293, %get3A_235 : vector<16xf32>
        %add3A_295 = arith.addf %add3A_285, %mul3A_294 : vector<16xf32>
        %swap3A_296 = arith.constant 1 : i32
        %swap3A_297 = arith.index_cast %swap3A_296 : i32 to index
        %swap3A_298 = arith.index_cast %scan3A_212 : i32 to index
        %swap3A_299 = arith.constant 16 : index
        %swap3A_300 = tpu.vector_load %arg9[%swap3A_297, %swap3A_298, %swap3A_299] {strides = array<i32>} : memref<2x32x256xf32, #tpu.memory_space<vmem>>, vector<1x1x16xf32>,
        %swap3A_301 = vector.shape_cast %swap3A_300 : vector<1x1x16xf32> to vector<16xf32>
        %swap3A_302 = vector.shape_cast %add3A_295 : vector<16xf32> to vector<1x1x16xf32>
        tpu.vector_store %arg9[%swap3A_297, %swap3A_298, %swap3A_299], %swap3A_302 {strides = array<i32>} : memref<2x32x256xf32, #tpu.memory_space<vmem>>, vector<1x1x16xf32>,
        %get3A_303 = arith.constant 1 : i32
        %get3A_304 = arith.index_cast %get3A_303 : i32 to index
        %get3A_305 = arith.index_cast %mul3A_214 : i32 to index
        %get3A_306 = arith.constant 32 : index
        %get3A_307 = tpu.vector_load %arg8[%get3A_304, %get3A_305, %get3A_306] {strides = array<i32>} : memref<2x96x256xf32, #tpu.memory_space<vmem>>, vector<1x1x16xf32>,
        %get3A_308 = vector.shape_cast %get3A_307 : vector<1x1x16xf32> to vector<16xf32>
        %mul3A_309 = arith.mulf %get3A_308, %get3A_219 : vector<16xf32>
        %add3A_310 = arith.constant 1 : i32
        %add3A_311 = arith.addi %mul3A_214, %add3A_310 : i32
        %get3A_312 = arith.constant 1 : i32
        %get3A_313 = arith.index_cast %get3A_312 : i32 to index
        %get3A_314 = arith.index_cast %add3A_311 : i32 to index
        %get3A_315 = arith.constant 32 : index
        %get3A_316 = tpu.vector_load %arg8[%get3A_313, %get3A_314, %get3A_315] {strides = array<i32>} : memref<2x96x256xf32, #tpu.memory_space<vmem>>, vector<1x1x16xf32>,
        %get3A_317 = vector.shape_cast %get3A_316 : vector<1x1x16xf32> to vector<16xf32>
        %mul3A_318 = arith.mulf %get3A_317, %get3A_227 : vector<16xf32>
        %add3A_319 = arith.addf %mul3A_309, %mul3A_318 : vector<16xf32>
        %add3A_320 = arith.constant 2 : i32
        %add3A_321 = arith.addi %mul3A_214, %add3A_320 : i32
        %get3A_322 = arith.constant 1 : i32
        %get3A_323 = arith.index_cast %get3A_322 : i32 to index
        %get3A_324 = arith.index_cast %add3A_321 : i32 to index
        %get3A_325 = arith.constant 32 : index
        %get3A_326 = tpu.vector_load %arg8[%get3A_323, %get3A_324, %get3A_325] {strides = array<i32>} : memref<2x96x256xf32, #tpu.memory_space<vmem>>, vector<1x1x16xf32>,
        %get3A_327 = vector.shape_cast %get3A_326 : vector<1x1x16xf32> to vector<16xf32>
        %mul3A_328 = arith.mulf %get3A_327, %get3A_235 : vector<16xf32>
        %add3A_329 = arith.addf %add3A_319, %mul3A_328 : vector<16xf32>
        %swap3A_330 = arith.constant 1 : i32
        %swap3A_331 = arith.index_cast %swap3A_330 : i32 to index
        %swap3A_332 = arith.index_cast %scan3A_212 : i32 to index
        %swap3A_333 = arith.constant 32 : index
        %swap3A_334 = tpu.vector_load %arg9[%swap3A_331, %swap3A_332, %swap3A_333] {strides = array<i32>} : memref<2x32x256xf32, #tpu.memory_space<vmem>>, vector<1x1x16xf32>,
        %swap3A_335 = vector.shape_cast %swap3A_334 : vector<1x1x16xf32> to vector<16xf32>
        %swap3A_336 = vector.shape_cast %add3A_329 : vector<16xf32> to vector<1x1x16xf32>
        tpu.vector_store %arg9[%swap3A_331, %swap3A_332, %swap3A_333], %swap3A_336 {strides = array<i32>} : memref<2x32x256xf32, #tpu.memory_space<vmem>>, vector<1x1x16xf32>,
        %get3A_337 = arith.constant 1 : i32
        %get3A_338 = arith.index_cast %get3A_337 : i32 to index
        %get3A_339 = arith.index_cast %mul3A_214 : i32 to index
        %get3A_340 = arith.constant 48 : index
        %get3A_341 = tpu.vector_load %arg8[%get3A_338, %get3A_339, %get3A_340] {strides = array<i32>} : memref<2x96x256xf32, #tpu.memory_space<vmem>>, vector<1x1x16xf32>,
        %get3A_342 = vector.shape_cast %get3A_341 : vector<1x1x16xf32> to vector<16xf32>
        %mul3A_343 = arith.mulf %get3A_342, %get3A_219 : vector<16xf32>
        %add3A_344 = arith.constant 1 : i32
        %add3A_345 = arith.addi %mul3A_214, %add3A_344 : i32
        %get3A_346 = arith.constant 1 : i32
        %get3A_347 = arith.index_cast %get3A_346 : i32 to index
        %get3A_348 = arith.index_cast %add3A_345 : i32 to index
        %get3A_349 = arith.constant 48 : index
        %get3A_350 = tpu.vector_load %arg8[%get3A_347, %get3A_348, %get3A_349] {strides = array<i32>} : memref<2x96x256xf32, #tpu.memory_space<vmem>>, vector<1x1x16xf32>,
        %get3A_351 = vector.shape_cast %get3A_350 : vector<1x1x16xf32> to vector<16xf32>
        %mul3A_352 = arith.mulf %get3A_351, %get3A_227 : vector<16xf32>
        %add3A_353 = arith.addf %mul3A_343, %mul3A_352 : vector<16xf32>
        %add3A_354 = arith.constant 2 : i32
        %add3A_355 = arith.addi %mul3A_214, %add3A_354 : i32
        %get3A_356 = arith.constant 1 : i32
        %get3A_357 = arith.index_cast %get3A_356 : i32 to index
        %get3A_358 = arith.index_cast %add3A_355 : i32 to index
        %get3A_359 = arith.constant 48 : index
        %get3A_360 = tpu.vector_load %arg8[%get3A_357, %get3A_358, %get3A_359] {strides = array<i32>} : memref<2x96x256xf32, #tpu.memory_space<vmem>>, vector<1x1x16xf32>,
        %get3A_361 = vector.shape_cast %get3A_360 : vector<1x1x16xf32> to vector<16xf32>
        %mul3A_362 = arith.mulf %get3A_361, %get3A_235 : vector<16xf32>
        %add3A_363 = arith.addf %add3A_353, %mul3A_362 : vector<16xf32>
        %swap3A_364 = arith.constant 1 : i32
        %swap3A_365 = arith.index_cast %swap3A_364 : i32 to index
        %swap3A_366 = arith.index_cast %scan3A_212 : i32 to index
        %swap3A_367 = arith.constant 48 : index
        %swap3A_368 = tpu.vector_load %arg9[%swap3A_365, %swap3A_366, %swap3A_367] {strides = array<i32>} : memref<2x32x256xf32, #tpu.memory_space<vmem>>, vector<1x1x16xf32>,
        %swap3A_369 = vector.shape_cast %swap3A_368 : vector<1x1x16xf32> to vector<16xf32>
        %swap3A_370 = vector.shape_cast %add3A_363 : vector<16xf32> to vector<1x1x16xf32>
        tpu.vector_store %arg9[%swap3A_365, %swap3A_366, %swap3A_367], %swap3A_370 {strides = array<i32>} : memref<2x32x256xf32, #tpu.memory_space<vmem>>, vector<1x1x16xf32>,
        %get3A_371 = arith.constant 1 : i32
        %get3A_372 = arith.index_cast %get3A_371 : i32 to index
        %get3A_373 = arith.index_cast %mul3A_214 : i32 to index
        %get3A_374 = arith.constant 64 : index
        %get3A_375 = tpu.vector_load %arg8[%get3A_372, %get3A_373, %get3A_374] {strides = array<i32>} : memref<2x96x256xf32, #tpu.memory_space<vmem>>, vector<1x1x16xf32>,
        %get3A_376 = vector.shape_cast %get3A_375 : vector<1x1x16xf32> to vector<16xf32>
        %mul3A_377 = arith.mulf %get3A_376, %get3A_219 : vector<16xf32>
        %add3A_378 = arith.constant 1 : i32
        %add3A_379 = arith.addi %mul3A_214, %add3A_378 : i32
        %get3A_380 = arith.constant 1 : i32
        %get3A_381 = arith.index_cast %get3A_380 : i32 to index
        %get3A_382 = arith.index_cast %add3A_379 : i32 to index
        %get3A_383 = arith.constant 64 : index
        %get3A_384 = tpu.vector_load %arg8[%get3A_381, %get3A_382, %get3A_383] {strides = array<i32>} : memref<2x96x256xf32, #tpu.memory_space<vmem>>, vector<1x1x16xf32>,
        %get3A_385 = vector.shape_cast %get3A_384 : vector<1x1x16xf32> to vector<16xf32>
        %mul3A_386 = arith.mulf %get3A_385, %get3A_227 : vector<16xf32>
        %add3A_387 = arith.addf %mul3A_377, %mul3A_386 : vector<16xf32>
        %add3A_388 = arith.constant 2 : i32
        %add3A_389 = arith.addi %mul3A_214, %add3A_388 : i32
        %get3A_390 = arith.constant 1 : i32
        %get3A_391 = arith.index_cast %get3A_390 : i32 to index
        %get3A_392 = arith.index_cast %add3A_389 : i32 to index
        %get3A_393 = arith.constant 64 : index
        %get3A_394 = tpu.vector_load %arg8[%get3A_391, %get3A_392, %get3A_393] {strides = array<i32>} : memref<2x96x256xf32, #tpu.memory_space<vmem>>, vector<1x1x16xf32>,
        %get3A_395 = vector.shape_cast %get3A_394 : vector<1x1x16xf32> to vector<16xf32>
        %mul3A_396 = arith.mulf %get3A_395, %get3A_235 : vector<16xf32>
        %add3A_397 = arith.addf %add3A_387, %mul3A_396 : vector<16xf32>
        %swap3A_398 = arith.constant 1 : i32
        %swap3A_399 = arith.index_cast %swap3A_398 : i32 to index
        %swap3A_400 = arith.index_cast %scan3A_212 : i32 to index
        %swap3A_401 = arith.constant 64 : index
        %swap3A_402 = tpu.vector_load %arg9[%swap3A_399, %swap3A_400, %swap3A_401] {strides = array<i32>} : memref<2x32x256xf32, #tpu.memory_space<vmem>>, vector<1x1x16xf32>,
        %swap3A_403 = vector.shape_cast %swap3A_402 : vector<1x1x16xf32> to vector<16xf32>
        %swap3A_404 = vector.shape_cast %add3A_397 : vector<16xf32> to vector<1x1x16xf32>
        tpu.vector_store %arg9[%swap3A_399, %swap3A_400, %swap3A_401], %swap3A_404 {strides = array<i32>} : memref<2x32x256xf32, #tpu.memory_space<vmem>>, vector<1x1x16xf32>,
        %get3A_405 = arith.constant 1 : i32
        %get3A_406 = arith.index_cast %get3A_405 : i32 to index
        %get3A_407 = arith.index_cast %mul3A_214 : i32 to index
        %get3A_408 = arith.constant 80 : index
        %get3A_409 = tpu.vector_load %arg8[%get3A_406, %get3A_407, %get3A_408] {strides = array<i32>} : memref<2x96x256xf32, #tpu.memory_space<vmem>>, vector<1x1x16xf32>,
        %get3A_410 = vector.shape_cast %get3A_409 : vector<1x1x16xf32> to vector<16xf32>
        %mul3A_411 = arith.mulf %get3A_410, %get3A_219 : vector<16xf32>
        %add3A_412 = arith.constant 1 : i32
        %add3A_413 = arith.addi %mul3A_214, %add3A_412 : i32
        %get3A_414 = arith.constant 1 : i32
        %get3A_415 = arith.index_cast %get3A_414 : i32 to index
        %get3A_416 = arith.index_cast %add3A_413 : i32 to index
        %get3A_417 = arith.constant 80 : index
        %get3A_418 = tpu.vector_load %arg8[%get3A_415, %get3A_416, %get3A_417] {strides = array<i32>} : memref<2x96x256xf32, #tpu.memory_space<vmem>>, vector<1x1x16xf32>,
        %get3A_419 = vector.shape_cast %get3A_418 : vector<1x1x16xf32> to vector<16xf32>
        %mul3A_420 = arith.mulf %get3A_419, %get3A_227 : vector<16xf32>
        %add3A_421 = arith.addf %mul3A_411, %mul3A_420 : vector<16xf32>
        %add3A_422 = arith.constant 2 : i32
        %add3A_423 = arith.addi %mul3A_214, %add3A_422 : i32
        %get3A_424 = arith.constant 1 : i32
        %get3A_425 = arith.index_cast %get3A_424 : i32 to index
        %get3A_426 = arith.index_cast %add3A_423 : i32 to index
        %get3A_427 = arith.constant 80 : index
        %get3A_428 = tpu.vector_load %arg8[%get3A_425, %get3A_426, %get3A_427] {strides = array<i32>} : memref<2x96x256xf32, #tpu.memory_space<vmem>>, vector<1x1x16xf32>,
        %get3A_429 = vector.shape_cast %get3A_428 : vector<1x1x16xf32> to vector<16xf32>
        %mul3A_430 = arith.mulf %get3A_429, %get3A_235 : vector<16xf32>
        %add3A_431 = arith.addf %add3A_421, %mul3A_430 : vector<16xf32>
        %swap3A_432 = arith.constant 1 : i32
        %swap3A_433 = arith.index_cast %swap3A_432 : i32 to index
        %swap3A_434 = arith.index_cast %scan3A_212 : i32 to index
        %swap3A_435 = arith.constant 80 : index
        %swap3A_436 = tpu.vector_load %arg9[%swap3A_433, %swap3A_434, %swap3A_435] {strides = array<i32>} : memref<2x32x256xf32, #tpu.memory_space<vmem>>, vector<1x1x16xf32>,
        %swap3A_437 = vector.shape_cast %swap3A_436 : vector<1x1x16xf32> to vector<16xf32>
        %swap3A_438 = vector.shape_cast %add3A_431 : vector<16xf32> to vector<1x1x16xf32>
        tpu.vector_store %arg9[%swap3A_433, %swap3A_434, %swap3A_435], %swap3A_438 {strides = array<i32>} : memref<2x32x256xf32, #tpu.memory_space<vmem>>, vector<1x1x16xf32>,
        %get3A_439 = arith.constant 1 : i32
        %get3A_440 = arith.index_cast %get3A_439 : i32 to index
        %get3A_441 = arith.index_cast %mul3A_214 : i32 to index
        %get3A_442 = arith.constant 96 : index
        %get3A_443 = tpu.vector_load %arg8[%get3A_440, %get3A_441, %get3A_442] {strides = array<i32>} : memref<2x96x256xf32, #tpu.memory_space<vmem>>, vector<1x1x16xf32>,
        %get3A_444 = vector.shape_cast %get3A_443 : vector<1x1x16xf32> to vector<16xf32>
        %mul3A_445 = arith.mulf %get3A_444, %get3A_219 : vector<16xf32>
        %add3A_446 = arith.constant 1 : i32
        %add3A_447 = arith.addi %mul3A_214, %add3A_446 : i32
        %get3A_448 = arith.constant 1 : i32
        %get3A_449 = arith.index_cast %get3A_448 : i32 to index
        %get3A_450 = arith.index_cast %add3A_447 : i32 to index
        %get3A_451 = arith.constant 96 : index
        %get3A_452 = tpu.vector_load %arg8[%get3A_449, %get3A_450, %get3A_451] {strides = array<i32>} : memref<2x96x256xf32, #tpu.memory_space<vmem>>, vector<1x1x16xf32>,
        %get3A_453 = vector.shape_cast %get3A_452 : vector<1x1x16xf32> to vector<16xf32>
        %mul3A_454 = arith.mulf %get3A_453, %get3A_227 : vector<16xf32>
        %add3A_455 = arith.addf %mul3A_445, %mul3A_454 : vector<16xf32>
        %add3A_456 = arith.constant 2 : i32
        %add3A_457 = arith.addi %mul3A_214, %add3A_456 : i32
        %get3A_458 = arith.constant 1 : i32
        %get3A_459 = arith.index_cast %get3A_458 : i32 to index
        %get3A_460 = arith.index_cast %add3A_457 : i32 to index
        %get3A_461 = arith.constant 96 : index
        %get3A_462 = tpu.vector_load %arg8[%get3A_459, %get3A_460, %get3A_461] {strides = array<i32>} : memref<2x96x256xf32, #tpu.memory_space<vmem>>, vector<1x1x16xf32>,
        %get3A_463 = vector.shape_cast %get3A_462 : vector<1x1x16xf32> to vector<16xf32>
        %mul3A_464 = arith.mulf %get3A_463, %get3A_235 : vector<16xf32>
        %add3A_465 = arith.addf %add3A_455, %mul3A_464 : vector<16xf32>
        %swap3A_466 = arith.constant 1 : i32
        %swap3A_467 = arith.index_cast %swap3A_466 : i32 to index
        %swap3A_468 = arith.index_cast %scan3A_212 : i32 to index
        %swap3A_469 = arith.constant 96 : index
        %swap3A_470 = tpu.vector_load %arg9[%swap3A_467, %swap3A_468, %swap3A_469] {strides = array<i32>} : memref<2x32x256xf32, #tpu.memory_space<vmem>>, vector<1x1x16xf32>,
        %swap3A_471 = vector.shape_cast %swap3A_470 : vector<1x1x16xf32> to vector<16xf32>
        %swap3A_472 = vector.shape_cast %add3A_465 : vector<16xf32> to vector<1x1x16xf32>
        tpu.vector_store %arg9[%swap3A_467, %swap3A_468, %swap3A_469], %swap3A_472 {strides = array<i32>} : memref<2x32x256xf32, #tpu.memory_space<vmem>>, vector<1x1x16xf32>,
        %get3A_473 = arith.constant 1 : i32
        %get3A_474 = arith.index_cast %get3A_473 : i32 to index
        %get3A_475 = arith.index_cast %mul3A_214 : i32 to index
        %get3A_476 = arith.constant 112 : index
        %get3A_477 = tpu.vector_load %arg8[%get3A_474, %get3A_475, %get3A_476] {strides = array<i32>} : memref<2x96x256xf32, #tpu.memory_space<vmem>>, vector<1x1x16xf32>,
        %get3A_478 = vector.shape_cast %get3A_477 : vector<1x1x16xf32> to vector<16xf32>
        %mul3A_479 = arith.mulf %get3A_478, %get3A_219 : vector<16xf32>
        %add3A_480 = arith.constant 1 : i32
        %add3A_481 = arith.addi %mul3A_214, %add3A_480 : i32
        %get3A_482 = arith.constant 1 : i32
        %get3A_483 = arith.index_cast %get3A_482 : i32 to index
        %get3A_484 = arith.index_cast %add3A_481 : i32 to index
        %get3A_485 = arith.constant 112 : index
        %get3A_486 = tpu.vector_load %arg8[%get3A_483, %get3A_484, %get3A_485] {strides = array<i32>} : memref<2x96x256xf32, #tpu.memory_space<vmem>>, vector<1x1x16xf32>,
        %get3A_487 = vector.shape_cast %get3A_486 : vector<1x1x16xf32> to vector<16xf32>
        %mul3A_488 = arith.mulf %get3A_487, %get3A_227 : vector<16xf32>
        %add3A_489 = arith.addf %mul3A_479, %mul3A_488 : vector<16xf32>
        %add3A_490 = arith.constant 2 : i32
        %add3A_491 = arith.addi %mul3A_214, %add3A_490 : i32
        %get3A_492 = arith.constant 1 : i32
        %get3A_493 = arith.index_cast %get3A_492 : i32 to index
        %get3A_494 = arith.index_cast %add3A_491 : i32 to index
        %get3A_495 = arith.constant 112 : index
        %get3A_496 = tpu.vector_load %arg8[%get3A_493, %get3A_494, %get3A_495] {strides = array<i32>} : memref<2x96x256xf32, #tpu.memory_space<vmem>>, vector<1x1x16xf32>,
        %get3A_497 = vector.shape_cast %get3A_496 : vector<1x1x16xf32> to vector<16xf32>
        %mul3A_498 = arith.mulf %get3A_497, %get3A_235 : vector<16xf32>
        %add3A_499 = arith.addf %add3A_489, %mul3A_498 : vector<16xf32>
        %swap3A_500 = arith.constant 1 : i32
        %swap3A_501 = arith.index_cast %swap3A_500 : i32 to index
        %swap3A_502 = arith.index_cast %scan3A_212 : i32 to index
        %swap3A_503 = arith.constant 112 : index
        %swap3A_504 = tpu.vector_load %arg9[%swap3A_501, %swap3A_502, %swap3A_503] {strides = array<i32>} : memref<2x32x256xf32, #tpu.memory_space<vmem>>, vector<1x1x16xf32>,
        %swap3A_505 = vector.shape_cast %swap3A_504 : vector<1x1x16xf32> to vector<16xf32>
        %swap3A_506 = vector.shape_cast %add3A_499 : vector<16xf32> to vector<1x1x16xf32>
        tpu.vector_store %arg9[%swap3A_501, %swap3A_502, %swap3A_503], %swap3A_506 {strides = array<i32>} : memref<2x32x256xf32, #tpu.memory_space<vmem>>, vector<1x1x16xf32>,
        %get3A_507 = arith.constant 1 : i32
        %get3A_508 = arith.index_cast %get3A_507 : i32 to index
        %get3A_509 = arith.index_cast %mul3A_214 : i32 to index
        %get3A_510 = arith.constant 128 : index
        %get3A_511 = tpu.vector_load %arg8[%get3A_508, %get3A_509, %get3A_510] {strides = array<i32>} : memref<2x96x256xf32, #tpu.memory_space<vmem>>, vector<1x1x16xf32>,
        %get3A_512 = vector.shape_cast %get3A_511 : vector<1x1x16xf32> to vector<16xf32>
        %mul3A_513 = arith.mulf %get3A_512, %get3A_219 : vector<16xf32>
        %add3A_514 = arith.constant 1 : i32
        %add3A_515 = arith.addi %mul3A_214, %add3A_514 : i32
        %get3A_516 = arith.constant 1 : i32
        %get3A_517 = arith.index_cast %get3A_516 : i32 to index
        %get3A_518 = arith.index_cast %add3A_515 : i32 to index
        %get3A_519 = arith.constant 128 : index
        %get3A_520 = tpu.vector_load %arg8[%get3A_517, %get3A_518, %get3A_519] {strides = array<i32>} : memref<2x96x256xf32, #tpu.memory_space<vmem>>, vector<1x1x16xf32>,
        %get3A_521 = vector.shape_cast %get3A_520 : vector<1x1x16xf32> to vector<16xf32>
        %mul3A_522 = arith.mulf %get3A_521, %get3A_227 : vector<16xf32>
        %add3A_523 = arith.addf %mul3A_513, %mul3A_522 : vector<16xf32>
        %add3A_524 = arith.constant 2 : i32
        %add3A_525 = arith.addi %mul3A_214, %add3A_524 : i32
        %get3A_526 = arith.constant 1 : i32
        %get3A_527 = arith.index_cast %get3A_526 : i32 to index
        %get3A_528 = arith.index_cast %add3A_525 : i32 to index
        %get3A_529 = arith.constant 128 : index
        %get3A_530 = tpu.vector_load %arg8[%get3A_527, %get3A_528, %get3A_529] {strides = array<i32>} : memref<2x96x256xf32, #tpu.memory_space<vmem>>, vector<1x1x16xf32>,
        %get3A_531 = vector.shape_cast %get3A_530 : vector<1x1x16xf32> to vector<16xf32>
        %mul3A_532 = arith.mulf %get3A_531, %get3A_235 : vector<16xf32>
        %add3A_533 = arith.addf %add3A_523, %mul3A_532 : vector<16xf32>
        %swap3A_534 = arith.constant 1 : i32
        %swap3A_535 = arith.index_cast %swap3A_534 : i32 to index
        %swap3A_536 = arith.index_cast %scan3A_212 : i32 to index
        %swap3A_537 = arith.constant 128 : index
        %swap3A_538 = tpu.vector_load %arg9[%swap3A_535, %swap3A_536, %swap3A_537] {strides = array<i32>} : memref<2x32x256xf32, #tpu.memory_space<vmem>>, vector<1x1x16xf32>,
        %swap3A_539 = vector.shape_cast %swap3A_538 : vector<1x1x16xf32> to vector<16xf32>
        %swap3A_540 = vector.shape_cast %add3A_533 : vector<16xf32> to vector<1x1x16xf32>
        tpu.vector_store %arg9[%swap3A_535, %swap3A_536, %swap3A_537], %swap3A_540 {strides = array<i32>} : memref<2x32x256xf32, #tpu.memory_space<vmem>>, vector<1x1x16xf32>,
        %get3A_541 = arith.constant 1 : i32
        %get3A_542 = arith.index_cast %get3A_541 : i32 to index
        %get3A_543 = arith.index_cast %mul3A_214 : i32 to index
        %get3A_544 = arith.constant 144 : index
        %get3A_545 = tpu.vector_load %arg8[%get3A_542, %get3A_543, %get3A_544] {strides = array<i32>} : memref<2x96x256xf32, #tpu.memory_space<vmem>>, vector<1x1x16xf32>,
        %get3A_546 = vector.shape_cast %get3A_545 : vector<1x1x16xf32> to vector<16xf32>
        %mul3A_547 = arith.mulf %get3A_546, %get3A_219 : vector<16xf32>
        %add3A_548 = arith.constant 1 : i32
        %add3A_549 = arith.addi %mul3A_214, %add3A_548 : i32
        %get3A_550 = arith.constant 1 : i32
        %get3A_551 = arith.index_cast %get3A_550 : i32 to index
        %get3A_552 = arith.index_cast %add3A_549 : i32 to index
        %get3A_553 = arith.constant 144 : index
        %get3A_554 = tpu.vector_load %arg8[%get3A_551, %get3A_552, %get3A_553] {strides = array<i32>} : memref<2x96x256xf32, #tpu.memory_space<vmem>>, vector<1x1x16xf32>,
        %get3A_555 = vector.shape_cast %get3A_554 : vector<1x1x16xf32> to vector<16xf32>
        %mul3A_556 = arith.mulf %get3A_555, %get3A_227 : vector<16xf32>
        %add3A_557 = arith.addf %mul3A_547, %mul3A_556 : vector<16xf32>
        %add3A_558 = arith.constant 2 : i32
        %add3A_559 = arith.addi %mul3A_214, %add3A_558 : i32
        %get3A_560 = arith.constant 1 : i32
        %get3A_561 = arith.index_cast %get3A_560 : i32 to index
        %get3A_562 = arith.index_cast %add3A_559 : i32 to index
        %get3A_563 = arith.constant 144 : index
        %get3A_564 = tpu.vector_load %arg8[%get3A_561, %get3A_562, %get3A_563] {strides = array<i32>} : memref<2x96x256xf32, #tpu.memory_space<vmem>>, vector<1x1x16xf32>,
        %get3A_565 = vector.shape_cast %get3A_564 : vector<1x1x16xf32> to vector<16xf32>
        %mul3A_566 = arith.mulf %get3A_565, %get3A_235 : vector<16xf32>
        %add3A_567 = arith.addf %add3A_557, %mul3A_566 : vector<16xf32>
        %swap3A_568 = arith.constant 1 : i32
        %swap3A_569 = arith.index_cast %swap3A_568 : i32 to index
        %swap3A_570 = arith.index_cast %scan3A_212 : i32 to index
        %swap3A_571 = arith.constant 144 : index
        %swap3A_572 = tpu.vector_load %arg9[%swap3A_569, %swap3A_570, %swap3A_571] {strides = array<i32>} : memref<2x32x256xf32, #tpu.memory_space<vmem>>, vector<1x1x16xf32>,
        %swap3A_573 = vector.shape_cast %swap3A_572 : vector<1x1x16xf32> to vector<16xf32>
        %swap3A_574 = vector.shape_cast %add3A_567 : vector<16xf32> to vector<1x1x16xf32>
        tpu.vector_store %arg9[%swap3A_569, %swap3A_570, %swap3A_571], %swap3A_574 {strides = array<i32>} : memref<2x32x256xf32, #tpu.memory_space<vmem>>, vector<1x1x16xf32>,
        %get3A_575 = arith.constant 1 : i32
        %get3A_576 = arith.index_cast %get3A_575 : i32 to index
        %get3A_577 = arith.index_cast %mul3A_214 : i32 to index
        %get3A_578 = arith.constant 160 : index
        %get3A_579 = tpu.vector_load %arg8[%get3A_576, %get3A_577, %get3A_578] {strides = array<i32>} : memref<2x96x256xf32, #tpu.memory_space<vmem>>, vector<1x1x16xf32>,
        %get3A_580 = vector.shape_cast %get3A_579 : vector<1x1x16xf32> to vector<16xf32>
        %mul3A_581 = arith.mulf %get3A_580, %get3A_219 : vector<16xf32>
        %add3A_582 = arith.constant 1 : i32
        %add3A_583 = arith.addi %mul3A_214, %add3A_582 : i32
        %get3A_584 = arith.constant 1 : i32
        %get3A_585 = arith.index_cast %get3A_584 : i32 to index
        %get3A_586 = arith.index_cast %add3A_583 : i32 to index
        %get3A_587 = arith.constant 160 : index
        %get3A_588 = tpu.vector_load %arg8[%get3A_585, %get3A_586, %get3A_587] {strides = array<i32>} : memref<2x96x256xf32, #tpu.memory_space<vmem>>, vector<1x1x16xf32>,
        %get3A_589 = vector.shape_cast %get3A_588 : vector<1x1x16xf32> to vector<16xf32>
        %mul3A_590 = arith.mulf %get3A_589, %get3A_227 : vector<16xf32>
        %add3A_591 = arith.addf %mul3A_581, %mul3A_590 : vector<16xf32>
        %add3A_592 = arith.constant 2 : i32
        %add3A_593 = arith.addi %mul3A_214, %add3A_592 : i32
        %get3A_594 = arith.constant 1 : i32
        %get3A_595 = arith.index_cast %get3A_594 : i32 to index
        %get3A_596 = arith.index_cast %add3A_593 : i32 to index
        %get3A_597 = arith.constant 160 : index
        %get3A_598 = tpu.vector_load %arg8[%get3A_595, %get3A_596, %get3A_597] {strides = array<i32>} : memref<2x96x256xf32, #tpu.memory_space<vmem>>, vector<1x1x16xf32>,
        %get3A_599 = vector.shape_cast %get3A_598 : vector<1x1x16xf32> to vector<16xf32>
        %mul3A_600 = arith.mulf %get3A_599, %get3A_235 : vector<16xf32>
        %add3A_601 = arith.addf %add3A_591, %mul3A_600 : vector<16xf32>
        %swap3A_602 = arith.constant 1 : i32
        %swap3A_603 = arith.index_cast %swap3A_602 : i32 to index
        %swap3A_604 = arith.index_cast %scan3A_212 : i32 to index
        %swap3A_605 = arith.constant 160 : index
        %swap3A_606 = tpu.vector_load %arg9[%swap3A_603, %swap3A_604, %swap3A_605] {strides = array<i32>} : memref<2x32x256xf32, #tpu.memory_space<vmem>>, vector<1x1x16xf32>,
        %swap3A_607 = vector.shape_cast %swap3A_606 : vector<1x1x16xf32> to vector<16xf32>
        %swap3A_608 = vector.shape_cast %add3A_601 : vector<16xf32> to vector<1x1x16xf32>
        tpu.vector_store %arg9[%swap3A_603, %swap3A_604, %swap3A_605], %swap3A_608 {strides = array<i32>} : memref<2x32x256xf32, #tpu.memory_space<vmem>>, vector<1x1x16xf32>,
        %get3A_609 = arith.constant 1 : i32
        %get3A_610 = arith.index_cast %get3A_609 : i32 to index
        %get3A_611 = arith.index_cast %mul3A_214 : i32 to index
        %get3A_612 = arith.constant 176 : index
        %get3A_613 = tpu.vector_load %arg8[%get3A_610, %get3A_611, %get3A_612] {strides = array<i32>} : memref<2x96x256xf32, #tpu.memory_space<vmem>>, vector<1x1x16xf32>,
        %get3A_614 = vector.shape_cast %get3A_613 : vector<1x1x16xf32> to vector<16xf32>
        %mul3A_615 = arith.mulf %get3A_614, %get3A_219 : vector<16xf32>
        %add3A_616 = arith.constant 1 : i32
        %add3A_617 = arith.addi %mul3A_214, %add3A_616 : i32
        %get3A_618 = arith.constant 1 : i32
        %get3A_619 = arith.index_cast %get3A_618 : i32 to index
        %get3A_620 = arith.index_cast %add3A_617 : i32 to index
        %get3A_621 = arith.constant 176 : index
        %get3A_622 = tpu.vector_load %arg8[%get3A_619, %get3A_620, %get3A_621] {strides = array<i32>} : memref<2x96x256xf32, #tpu.memory_space<vmem>>, vector<1x1x16xf32>,
        %get3A_623 = vector.shape_cast %get3A_622 : vector<1x1x16xf32> to vector<16xf32>
        %mul3A_624 = arith.mulf %get3A_623, %get3A_227 : vector<16xf32>
        %add3A_625 = arith.addf %mul3A_615, %mul3A_624 : vector<16xf32>
        %add3A_626 = arith.constant 2 : i32
        %add3A_627 = arith.addi %mul3A_214, %add3A_626 : i32
        %get3A_628 = arith.constant 1 : i32
        %get3A_629 = arith.index_cast %get3A_628 : i32 to index
        %get3A_630 = arith.index_cast %add3A_627 : i32 to index
        %get3A_631 = arith.constant 176 : index
        %get3A_632 = tpu.vector_load %arg8[%get3A_629, %get3A_630, %get3A_631] {strides = array<i32>} : memref<2x96x256xf32, #tpu.memory_space<vmem>>, vector<1x1x16xf32>,
        %get3A_633 = vector.shape_cast %get3A_632 : vector<1x1x16xf32> to vector<16xf32>
        %mul3A_634 = arith.mulf %get3A_633, %get3A_235 : vector<16xf32>
        %add3A_635 = arith.addf %add3A_625, %mul3A_634 : vector<16xf32>
        %swap3A_636 = arith.constant 1 : i32
        %swap3A_637 = arith.index_cast %swap3A_636 : i32 to index
        %swap3A_638 = arith.index_cast %scan3A_212 : i32 to index
        %swap3A_639 = arith.constant 176 : index
        %swap3A_640 = tpu.vector_load %arg9[%swap3A_637, %swap3A_638, %swap3A_639] {strides = array<i32>} : memref<2x32x256xf32, #tpu.memory_space<vmem>>, vector<1x1x16xf32>,
        %swap3A_641 = vector.shape_cast %swap3A_640 : vector<1x1x16xf32> to vector<16xf32>
        %swap3A_642 = vector.shape_cast %add3A_635 : vector<16xf32> to vector<1x1x16xf32>
        tpu.vector_store %arg9[%swap3A_637, %swap3A_638, %swap3A_639], %swap3A_642 {strides = array<i32>} : memref<2x32x256xf32, #tpu.memory_space<vmem>>, vector<1x1x16xf32>,
        %get3A_643 = arith.constant 1 : i32
        %get3A_644 = arith.index_cast %get3A_643 : i32 to index
        %get3A_645 = arith.index_cast %mul3A_214 : i32 to index
        %get3A_646 = arith.constant 192 : index
        %get3A_647 = tpu.vector_load %arg8[%get3A_644, %get3A_645, %get3A_646] {strides = array<i32>} : memref<2x96x256xf32, #tpu.memory_space<vmem>>, vector<1x1x16xf32>,
        %get3A_648 = vector.shape_cast %get3A_647 : vector<1x1x16xf32> to vector<16xf32>
        %mul3A_649 = arith.mulf %get3A_648, %get3A_219 : vector<16xf32>
        %add3A_650 = arith.constant 1 : i32
        %add3A_651 = arith.addi %mul3A_214, %add3A_650 : i32
        %get3A_652 = arith.constant 1 : i32
        %get3A_653 = arith.index_cast %get3A_652 : i32 to index
        %get3A_654 = arith.index_cast %add3A_651 : i32 to index
        %get3A_655 = arith.constant 192 : index
        %get3A_656 = tpu.vector_load %arg8[%get3A_653, %get3A_654, %get3A_655] {strides = array<i32>} : memref<2x96x256xf32, #tpu.memory_space<vmem>>, vector<1x1x16xf32>,
        %get3A_657 = vector.shape_cast %get3A_656 : vector<1x1x16xf32> to vector<16xf32>
        %mul3A_658 = arith.mulf %get3A_657, %get3A_227 : vector<16xf32>
        %add3A_659 = arith.addf %mul3A_649, %mul3A_658 : vector<16xf32>
        %add3A_660 = arith.constant 2 : i32
        %add3A_661 = arith.addi %mul3A_214, %add3A_660 : i32
        %get3A_662 = arith.constant 1 : i32
        %get3A_663 = arith.index_cast %get3A_662 : i32 to index
        %get3A_664 = arith.index_cast %add3A_661 : i32 to index
        %get3A_665 = arith.constant 192 : index
        %get3A_666 = tpu.vector_load %arg8[%get3A_663, %get3A_664, %get3A_665] {strides = array<i32>} : memref<2x96x256xf32, #tpu.memory_space<vmem>>, vector<1x1x16xf32>,
        %get3A_667 = vector.shape_cast %get3A_666 : vector<1x1x16xf32> to vector<16xf32>
        %mul3A_668 = arith.mulf %get3A_667, %get3A_235 : vector<16xf32>
        %add3A_669 = arith.addf %add3A_659, %mul3A_668 : vector<16xf32>
        %swap3A_670 = arith.constant 1 : i32
        %swap3A_671 = arith.index_cast %swap3A_670 : i32 to index
        %swap3A_672 = arith.index_cast %scan3A_212 : i32 to index
        %swap3A_673 = arith.constant 192 : index
        %swap3A_674 = tpu.vector_load %arg9[%swap3A_671, %swap3A_672, %swap3A_673] {strides = array<i32>} : memref<2x32x256xf32, #tpu.memory_space<vmem>>, vector<1x1x16xf32>,
        %swap3A_675 = vector.shape_cast %swap3A_674 : vector<1x1x16xf32> to vector<16xf32>
        %swap3A_676 = vector.shape_cast %add3A_669 : vector<16xf32> to vector<1x1x16xf32>
        tpu.vector_store %arg9[%swap3A_671, %swap3A_672, %swap3A_673], %swap3A_676 {strides = array<i32>} : memref<2x32x256xf32, #tpu.memory_space<vmem>>, vector<1x1x16xf32>,
        %get3A_677 = arith.constant 1 : i32
        %get3A_678 = arith.index_cast %get3A_677 : i32 to index
        %get3A_679 = arith.index_cast %mul3A_214 : i32 to index
        %get3A_680 = arith.constant 208 : index
        %get3A_681 = tpu.vector_load %arg8[%get3A_678, %get3A_679, %get3A_680] {strides = array<i32>} : memref<2x96x256xf32, #tpu.memory_space<vmem>>, vector<1x1x16xf32>,
        %get3A_682 = vector.shape_cast %get3A_681 : vector<1x1x16xf32> to vector<16xf32>
        %mul3A_683 = arith.mulf %get3A_682, %get3A_219 : vector<16xf32>
        %add3A_684 = arith.constant 1 : i32
        %add3A_685 = arith.addi %mul3A_214, %add3A_684 : i32
        %get3A_686 = arith.constant 1 : i32
        %get3A_687 = arith.index_cast %get3A_686 : i32 to index
        %get3A_688 = arith.index_cast %add3A_685 : i32 to index
        %get3A_689 = arith.constant 208 : index
        %get3A_690 = tpu.vector_load %arg8[%get3A_687, %get3A_688, %get3A_689] {strides = array<i32>} : memref<2x96x256xf32, #tpu.memory_space<vmem>>, vector<1x1x16xf32>,
        %get3A_691 = vector.shape_cast %get3A_690 : vector<1x1x16xf32> to vector<16xf32>
        %mul3A_692 = arith.mulf %get3A_691, %get3A_227 : vector<16xf32>
        %add3A_693 = arith.addf %mul3A_683, %mul3A_692 : vector<16xf32>
        %add3A_694 = arith.constant 2 : i32
        %add3A_695 = arith.addi %mul3A_214, %add3A_694 : i32
        %get3A_696 = arith.constant 1 : i32
        %get3A_697 = arith.index_cast %get3A_696 : i32 to index
        %get3A_698 = arith.index_cast %add3A_695 : i32 to index
        %get3A_699 = arith.constant 208 : index
        %get3A_700 = tpu.vector_load %arg8[%get3A_697, %get3A_698, %get3A_699] {strides = array<i32>} : memref<2x96x256xf32, #tpu.memory_space<vmem>>, vector<1x1x16xf32>,
        %get3A_701 = vector.shape_cast %get3A_700 : vector<1x1x16xf32> to vector<16xf32>
        %mul3A_702 = arith.mulf %get3A_701, %get3A_235 : vector<16xf32>
        %add3A_703 = arith.addf %add3A_693, %mul3A_702 : vector<16xf32>
        %swap3A_704 = arith.constant 1 : i32
        %swap3A_705 = arith.index_cast %swap3A_704 : i32 to index
        %swap3A_706 = arith.index_cast %scan3A_212 : i32 to index
        %swap3A_707 = arith.constant 208 : index
        %swap3A_708 = tpu.vector_load %arg9[%swap3A_705, %swap3A_706, %swap3A_707] {strides = array<i32>} : memref<2x32x256xf32, #tpu.memory_space<vmem>>, vector<1x1x16xf32>,
        %swap3A_709 = vector.shape_cast %swap3A_708 : vector<1x1x16xf32> to vector<16xf32>
        %swap3A_710 = vector.shape_cast %add3A_703 : vector<16xf32> to vector<1x1x16xf32>
        tpu.vector_store %arg9[%swap3A_705, %swap3A_706, %swap3A_707], %swap3A_710 {strides = array<i32>} : memref<2x32x256xf32, #tpu.memory_space<vmem>>, vector<1x1x16xf32>,
        %get3A_711 = arith.constant 1 : i32
        %get3A_712 = arith.index_cast %get3A_711 : i32 to index
        %get3A_713 = arith.index_cast %mul3A_214 : i32 to index
        %get3A_714 = arith.constant 224 : index
        %get3A_715 = tpu.vector_load %arg8[%get3A_712, %get3A_713, %get3A_714] {strides = array<i32>} : memref<2x96x256xf32, #tpu.memory_space<vmem>>, vector<1x1x16xf32>,
        %get3A_716 = vector.shape_cast %get3A_715 : vector<1x1x16xf32> to vector<16xf32>
        %mul3A_717 = arith.mulf %get3A_716, %get3A_219 : vector<16xf32>
        %add3A_718 = arith.constant 1 : i32
        %add3A_719 = arith.addi %mul3A_214, %add3A_718 : i32
        %get3A_720 = arith.constant 1 : i32
        %get3A_721 = arith.index_cast %get3A_720 : i32 to index
        %get3A_722 = arith.index_cast %add3A_719 : i32 to index
        %get3A_723 = arith.constant 224 : index
        %get3A_724 = tpu.vector_load %arg8[%get3A_721, %get3A_722, %get3A_723] {strides = array<i32>} : memref<2x96x256xf32, #tpu.memory_space<vmem>>, vector<1x1x16xf32>,
        %get3A_725 = vector.shape_cast %get3A_724 : vector<1x1x16xf32> to vector<16xf32>
        %mul3A_726 = arith.mulf %get3A_725, %get3A_227 : vector<16xf32>
        %add3A_727 = arith.addf %mul3A_717, %mul3A_726 : vector<16xf32>
        %add3A_728 = arith.constant 2 : i32
        %add3A_729 = arith.addi %mul3A_214, %add3A_728 : i32
        %get3A_730 = arith.constant 1 : i32
        %get3A_731 = arith.index_cast %get3A_730 : i32 to index
        %get3A_732 = arith.index_cast %add3A_729 : i32 to index
        %get3A_733 = arith.constant 224 : index
        %get3A_734 = tpu.vector_load %arg8[%get3A_731, %get3A_732, %get3A_733] {strides = array<i32>} : memref<2x96x256xf32, #tpu.memory_space<vmem>>, vector<1x1x16xf32>,
        %get3A_735 = vector.shape_cast %get3A_734 : vector<1x1x16xf32> to vector<16xf32>
        %mul3A_736 = arith.mulf %get3A_735, %get3A_235 : vector<16xf32>
        %add3A_737 = arith.addf %add3A_727, %mul3A_736 : vector<16xf32>
        %swap3A_738 = arith.constant 1 : i32
        %swap3A_739 = arith.index_cast %swap3A_738 : i32 to index
        %swap3A_740 = arith.index_cast %scan3A_212 : i32 to index
        %swap3A_741 = arith.constant 224 : index
        %swap3A_742 = tpu.vector_load %arg9[%swap3A_739, %swap3A_740, %swap3A_741] {strides = array<i32>} : memref<2x32x256xf32, #tpu.memory_space<vmem>>, vector<1x1x16xf32>,
        %swap3A_743 = vector.shape_cast %swap3A_742 : vector<1x1x16xf32> to vector<16xf32>
        %swap3A_744 = vector.shape_cast %add3A_737 : vector<16xf32> to vector<1x1x16xf32>
        tpu.vector_store %arg9[%swap3A_739, %swap3A_740, %swap3A_741], %swap3A_744 {strides = array<i32>} : memref<2x32x256xf32, #tpu.memory_space<vmem>>, vector<1x1x16xf32>,
        %get3A_745 = arith.constant 1 : i32
        %get3A_746 = arith.index_cast %get3A_745 : i32 to index
        %get3A_747 = arith.index_cast %mul3A_214 : i32 to index
        %get3A_748 = arith.constant 240 : index
        %get3A_749 = tpu.vector_load %arg8[%get3A_746, %get3A_747, %get3A_748] {strides = array<i32>} : memref<2x96x256xf32, #tpu.memory_space<vmem>>, vector<1x1x16xf32>,
        %get3A_750 = vector.shape_cast %get3A_749 : vector<1x1x16xf32> to vector<16xf32>
        %mul3A_751 = arith.mulf %get3A_750, %get3A_219 : vector<16xf32>
        %add3A_752 = arith.constant 1 : i32
        %add3A_753 = arith.addi %mul3A_214, %add3A_752 : i32
        %get3A_754 = arith.constant 1 : i32
        %get3A_755 = arith.index_cast %get3A_754 : i32 to index
        %get3A_756 = arith.index_cast %add3A_753 : i32 to index
        %get3A_757 = arith.constant 240 : index
        %get3A_758 = tpu.vector_load %arg8[%get3A_755, %get3A_756, %get3A_757] {strides = array<i32>} : memref<2x96x256xf32, #tpu.memory_space<vmem>>, vector<1x1x16xf32>,
        %get3A_759 = vector.shape_cast %get3A_758 : vector<1x1x16xf32> to vector<16xf32>
        %mul3A_760 = arith.mulf %get3A_759, %get3A_227 : vector<16xf32>
        %add3A_761 = arith.addf %mul3A_751, %mul3A_760 : vector<16xf32>
        %add3A_762 = arith.constant 2 : i32
        %add3A_763 = arith.addi %mul3A_214, %add3A_762 : i32
        %get3A_764 = arith.constant 1 : i32
        %get3A_765 = arith.index_cast %get3A_764 : i32 to index
        %get3A_766 = arith.index_cast %add3A_763 : i32 to index
        %get3A_767 = arith.constant 240 : index
        %get3A_768 = tpu.vector_load %arg8[%get3A_765, %get3A_766, %get3A_767] {strides = array<i32>} : memref<2x96x256xf32, #tpu.memory_space<vmem>>, vector<1x1x16xf32>,
        %get3A_769 = vector.shape_cast %get3A_768 : vector<1x1x16xf32> to vector<16xf32>
        %mul3A_770 = arith.mulf %get3A_769, %get3A_235 : vector<16xf32>
        %add3A_771 = arith.addf %add3A_761, %mul3A_770 : vector<16xf32>
        %swap3A_772 = arith.constant 1 : i32
        %swap3A_773 = arith.index_cast %swap3A_772 : i32 to index
        %swap3A_774 = arith.index_cast %scan3A_212 : i32 to index
        %swap3A_775 = arith.constant 240 : index
        %swap3A_776 = tpu.vector_load %arg9[%swap3A_773, %swap3A_774, %swap3A_775] {strides = array<i32>} : memref<2x32x256xf32, #tpu.memory_space<vmem>>, vector<1x1x16xf32>,
        %swap3A_777 = vector.shape_cast %swap3A_776 : vector<1x1x16xf32> to vector<16xf32>
        %swap3A_778 = vector.shape_cast %add3A_771 : vector<16xf32> to vector<1x1x16xf32>
        tpu.vector_store %arg9[%swap3A_773, %swap3A_774, %swap3A_775], %swap3A_778 {strides = array<i32>} : memref<2x32x256xf32, #tpu.memory_space<vmem>>, vector<1x1x16xf32>,
      }
      %scan3A_195 = arith.constant 32 : i32
      %mul3A_196 = arith.constant 32 : i32
      %mul3A_197 = arith.muli %add3A_189, %mul3A_196 : i32
      %add3A_198 = arith.addi %mul3A_2, %mul3A_197 : i32
      %dma_start3A_199 = arith.constant 1 : i32
      %dma_start3A_200 = arith.constant 0 : i32
      %dma_start3A_201 = arith.constant 0 : i32
      %dma_start3A_202 = tpu.memref_slice %arg9[%dma_start3A_199, %dma_start3A_200, %dma_start3A_201] : memref<2x32x256xf32, #tpu.memory_space<vmem>> -> memref<1x32x256xf32, #tpu.memory_space<vmem>>
      %dma_start3A_203 = tpu.memref_squeeze %dma_start3A_202 : memref<1x32x256xf32, #tpu.memory_space<vmem>> -> memref<32x256xf32, #tpu.memory_space<vmem>>
      %dma_start3A_204 = arith.constant 0 : i32
      %dma_start3A_205 = tpu.memref_slice %arg5[%add3A_198, %dma_start3A_204] : memref<32768x256xf32, #tpu.memory_space<hbm>> -> memref<32x256xf32, #tpu.memory_space<hbm>>
      %dma_start3A_206 = arith.constant 0 : i32
      %dma_start3A_207 = tpu.memref_slice %arg5[%add3A_198, %dma_start3A_206] : memref<32768x256xf32, #tpu.memory_space<hbm>> -> memref<32x256xf32, #tpu.memory_space<hbm>>
      %dma_start3A_208 = arith.constant 0 : i32
      %dma_start3A_209 = arith.constant 0 : i32
      %dma_start3A_210 = tpu.memref_slice %arg9[%dma_start3A_199, %dma_start3A_208, %dma_start3A_209] : memref<2x32x256xf32, #tpu.memory_space<vmem>> -> memref<1x32x256xf32, #tpu.memory_space<vmem>>
      %dma_start3A_211 = tpu.memref_squeeze %dma_start3A_210 : memref<1x32x256xf32, #tpu.memory_space<vmem>> -> memref<32x256xf32, #tpu.memory_space<vmem>>
      tpu.enqueue_dma source(%dma_start3A_211 : memref<32x256xf32, #tpu.memory_space<vmem>>) target(%dma_start3A_207 : memref<32x256xf32, #tpu.memory_space<hbm>>) target_semaphore(%arg15 : memref<!tpu.dma_semaphore, #tpu.memory_space<semaphore_mem>>)
    }
    %scan3A_37 = arith.constant 16 : i32
    %dma_wait3A = arith.constant 0 : i32
    %dma_wait3A_38 = arith.constant 0 : i32
    %dma_wait3A_39 = arith.constant 0 : i32
    %dma_wait3A_40 = tpu.memref_slice %arg9[%dma_wait3A, %dma_wait3A_38, %dma_wait3A_39] : memref<2x32x256xf32, #tpu.memory_space<vmem>> -> memref<1x32x256xf32, #tpu.memory_space<vmem>>
    %dma_wait3A_41 = tpu.memref_squeeze %dma_wait3A_40 : memref<1x32x256xf32, #tpu.memory_space<vmem>> -> memref<32x256xf32, #tpu.memory_space<vmem>>
    %dma_wait3A_42 = arith.constant 0 : i32
    %dma_wait3A_43 = arith.constant 0 : i32
    %dma_wait3A_44 = tpu.memref_slice %arg5[%dma_wait3A_42, %dma_wait3A_43] : memref<32768x256xf32, #tpu.memory_space<hbm>> -> memref<32x256xf32, #tpu.memory_space<hbm>>
    %dma_wait3A_45 = arith.constant 0 : i32
    %dma_wait3A_46 = arith.constant 0 : i32
    %dma_wait3A_47 = tpu.memref_slice %arg5[%dma_wait3A_45, %dma_wait3A_46] : memref<32768x256xf32, #tpu.memory_space<hbm>> -> memref<32x256xf32, #tpu.memory_space<hbm>>
    %dma_wait3A_48 = arith.constant 0 : i32
    %dma_wait3A_49 = arith.constant 0 : i32
    %dma_wait3A_50 = tpu.memref_slice %arg9[%dma_wait3A, %dma_wait3A_48, %dma_wait3A_49] : memref<2x32x256xf32, #tpu.memory_space<vmem>> -> memref<1x32x256xf32, #tpu.memory_space<vmem>>
    %dma_wait3A_51 = tpu.memref_squeeze %dma_wait3A_50 : memref<1x32x256xf32, #tpu.memory_space<vmem>> -> memref<32x256xf32, #tpu.memory_space<vmem>>
    tpu.wait_dma2 semaphore(%arg14 : memref<!tpu.dma_semaphore, #tpu.memory_space<semaphore_mem>>) src(%dma_wait3A_51 : memref<32x256xf32, #tpu.memory_space<vmem>>) dst(%dma_wait3A_47 : memref<32x256xf32, #tpu.memory_space<hbm>>)
    %dma_wait3A_52 = arith.constant 1 : i32
    %dma_wait3A_53 = arith.constant 0 : i32
    %dma_wait3A_54 = arith.constant 0 : i32
    %dma_wait3A_55 = tpu.memref_slice %arg9[%dma_wait3A_52, %dma_wait3A_53, %dma_wait3A_54] : memref<2x32x256xf32, #tpu.memory_space<vmem>> -> memref<1x32x256xf32, #tpu.memory_space<vmem>>
    %dma_wait3A_56 = tpu.memref_squeeze %dma_wait3A_55 : memref<1x32x256xf32, #tpu.memory_space<vmem>> -> memref<32x256xf32, #tpu.memory_space<vmem>>
    %dma_wait3A_57 = arith.constant 0 : i32
    %dma_wait3A_58 = arith.constant 0 : i32
    %dma_wait3A_59 = tpu.memref_slice %arg5[%dma_wait3A_57, %dma_wait3A_58] : memref<32768x256xf32, #tpu.memory_space<hbm>> -> memref<32x256xf32, #tpu.memory_space<hbm>>
    %dma_wait3A_60 = arith.constant 0 : i32
    %dma_wait3A_61 = arith.constant 0 : i32
    %dma_wait3A_62 = tpu.memref_slice %arg5[%dma_wait3A_60, %dma_wait3A_61] : memref<32768x256xf32, #tpu.memory_space<hbm>> -> memref<32x256xf32, #tpu.memory_space<hbm>>
    %dma_wait3A_63 = arith.constant 0 : i32
    %dma_wait3A_64 = arith.constant 0 : i32
    %dma_wait3A_65 = tpu.memref_slice %arg9[%dma_wait3A_52, %dma_wait3A_63, %dma_wait3A_64] : memref<2x32x256xf32, #tpu.memory_space<vmem>> -> memref<1x32x256xf32, #tpu.memory_space<vmem>>
    %dma_wait3A_66 = tpu.memref_squeeze %dma_wait3A_65 : memref<1x32x256xf32, #tpu.memory_space<vmem>> -> memref<32x256xf32, #tpu.memory_space<vmem>>
    tpu.wait_dma2 semaphore(%arg15 : memref<!tpu.dma_semaphore, #tpu.memory_space<semaphore_mem>>) src(%dma_wait3A_66 : memref<32x256xf32, #tpu.memory_space<vmem>>) dst(%dma_wait3A_62 : memref<32x256xf32, #tpu.memory_space<hbm>>)
    return
  }
}

module attributes {stable_mosaic.version = 14 : i64} {
  func.func @_knn_block_kernel(%arg0: i32, %arg1: i32, %arg2: memref<1x1x1x1024xf32, #tpu.memory_space<vmem>>, %arg3: memref<1x1x1x1024xf32, #tpu.memory_space<vmem>>, %arg4: memref<1x1x1x1024xf32, #tpu.memory_space<vmem>>, %arg5: memref<1x1x2048xf32, #tpu.memory_space<vmem>>, %arg6: memref<1x1x2048xf32, #tpu.memory_space<vmem>>, %arg7: memref<1x1x2048xf32, #tpu.memory_space<vmem>>, %arg8: memref<1x1024x3xi32, #tpu.memory_space<vmem>>, %arg9: memref<1x1024x3x16xf32, #tpu.memory_space<vmem>>) attributes {dimension_semantics = [#tpu.dimension_semantics<parallel>, #tpu.dimension_semantics<arbitrary>], iteration_bounds = array<i64: 4, 8>, scalar_prefetch = 0 : i64, scratch_operands = 0 : i64, tpu.core_type = #tpu.core_type<tc>, window_params = [{transform_indices = @transform_0, window_bounds = array<i64: 1, 1, 1, 1024>}, {transform_indices = @transform_1, window_bounds = array<i64: 1, 1, 1, 1024>}, {transform_indices = @transform_2, window_bounds = array<i64: 1, 1, 1, 1024>}, {transform_indices = @transform_3, window_bounds = array<i64: 1, 1, 2048>}, {transform_indices = @transform_4, window_bounds = array<i64: 1, 1, 2048>}, {transform_indices = @transform_5, window_bounds = array<i64: 1, 1, 2048>}, {transform_indices = @transform_6, window_bounds = array<i64: 1, 1024, 3>}, {transform_indices = @transform_7, window_bounds = array<i64: 1, 1024, 3, 16>}]} {
    %get3A = arith.constant 0 : index
    %get3A_0 = arith.constant 0 : index
    %get3A_1 = arith.constant 0 : index
    %get3A_2 = arith.constant 0 : index
    %get3A_3 = vector.load %arg2[%get3A, %get3A_0, %get3A_1, %get3A_2] : memref<1x1x1x1024xf32, #tpu.memory_space<vmem>>, vector<1x1x1x1024xf32>
    %get3A_4 = vector.shape_cast %get3A_3 : vector<1x1x1x1024xf32> to vector<1024xf32>
    %broadcast_in_dim3A = vector.shape_cast %get3A_4 : vector<1024xf32> to vector<1024x1xf32>
    %get3A_5 = arith.constant 0 : index
    %get3A_6 = arith.constant 0 : index
    %get3A_7 = arith.constant 0 : index
    %get3A_8 = vector.load %arg5[%get3A_5, %get3A_6, %get3A_7] : memref<1x1x2048xf32, #tpu.memory_space<vmem>>, vector<1x1x2048xf32>
    %get3A_9 = vector.shape_cast %get3A_8 : vector<1x1x2048xf32> to vector<2048xf32>
    %broadcast_in_dim3A_10 = vector.shape_cast %get3A_9 : vector<2048xf32> to vector<1x2048xf32>
    %sub3A = vector.broadcast %broadcast_in_dim3A : vector<1024x1xf32> to vector<1024x2048xf32>
    %sub3A_11 = vector.broadcast %broadcast_in_dim3A_10 : vector<1x2048xf32> to vector<1024x2048xf32>
    %sub3A_12 = arith.subf %sub3A, %sub3A_11 : vector<1024x2048xf32>
    %integer_pow3A = arith.mulf %sub3A_12, %sub3A_12 : vector<1024x2048xf32>
    %get3A_13 = arith.constant 0 : index
    %get3A_14 = arith.constant 0 : index
    %get3A_15 = arith.constant 0 : index
    %get3A_16 = arith.constant 0 : index
    %get3A_17 = vector.load %arg3[%get3A_13, %get3A_14, %get3A_15, %get3A_16] : memref<1x1x1x1024xf32, #tpu.memory_space<vmem>>, vector<1x1x1x1024xf32>
    %get3A_18 = vector.shape_cast %get3A_17 : vector<1x1x1x1024xf32> to vector<1024xf32>
    %broadcast_in_dim3A_19 = vector.shape_cast %get3A_18 : vector<1024xf32> to vector<1024x1xf32>
    %get3A_20 = arith.constant 0 : index
    %get3A_21 = arith.constant 0 : index
    %get3A_22 = arith.constant 0 : index
    %get3A_23 = vector.load %arg6[%get3A_20, %get3A_21, %get3A_22] : memref<1x1x2048xf32, #tpu.memory_space<vmem>>, vector<1x1x2048xf32>
    %get3A_24 = vector.shape_cast %get3A_23 : vector<1x1x2048xf32> to vector<2048xf32>
    %broadcast_in_dim3A_25 = vector.shape_cast %get3A_24 : vector<2048xf32> to vector<1x2048xf32>
    %sub3A_26 = vector.broadcast %broadcast_in_dim3A_19 : vector<1024x1xf32> to vector<1024x2048xf32>
    %sub3A_27 = vector.broadcast %broadcast_in_dim3A_25 : vector<1x2048xf32> to vector<1024x2048xf32>
    %sub3A_28 = arith.subf %sub3A_26, %sub3A_27 : vector<1024x2048xf32>
    %integer_pow3A_29 = arith.mulf %sub3A_28, %sub3A_28 : vector<1024x2048xf32>
    %add3A = arith.addf %integer_pow3A, %integer_pow3A_29 : vector<1024x2048xf32>
    %get3A_30 = arith.constant 0 : index
    %get3A_31 = arith.constant 0 : index
    %get3A_32 = arith.constant 0 : index
    %get3A_33 = arith.constant 0 : index
    %get3A_34 = vector.load %arg4[%get3A_30, %get3A_31, %get3A_32, %get3A_33] : memref<1x1x1x1024xf32, #tpu.memory_space<vmem>>, vector<1x1x1x1024xf32>
    %get3A_35 = vector.shape_cast %get3A_34 : vector<1x1x1x1024xf32> to vector<1024xf32>
    %broadcast_in_dim3A_36 = vector.shape_cast %get3A_35 : vector<1024xf32> to vector<1024x1xf32>
    %get3A_37 = arith.constant 0 : index
    %get3A_38 = arith.constant 0 : index
    %get3A_39 = arith.constant 0 : index
    %get3A_40 = vector.load %arg7[%get3A_37, %get3A_38, %get3A_39] : memref<1x1x2048xf32, #tpu.memory_space<vmem>>, vector<1x1x2048xf32>
    %get3A_41 = vector.shape_cast %get3A_40 : vector<1x1x2048xf32> to vector<2048xf32>
    %broadcast_in_dim3A_42 = vector.shape_cast %get3A_41 : vector<2048xf32> to vector<1x2048xf32>
    %sub3A_43 = vector.broadcast %broadcast_in_dim3A_36 : vector<1024x1xf32> to vector<1024x2048xf32>
    %sub3A_44 = vector.broadcast %broadcast_in_dim3A_42 : vector<1x2048xf32> to vector<1024x2048xf32>
    %sub3A_45 = arith.subf %sub3A_43, %sub3A_44 : vector<1024x2048xf32>
    %integer_pow3A_46 = arith.mulf %sub3A_45, %sub3A_45 : vector<1024x2048xf32>
    %add3A_47 = arith.addf %add3A, %integer_pow3A_46 : vector<1024x2048xf32>
    %bitcast_convert_type3A = tpu.bitcast %add3A_47 : vector<1024x2048xf32> -> vector<1024x2048xi32>
    %iota3A = tpu.iota {dimensions = array<i32: 1>} : vector<1024x2048xi32>
    %and3A = arith.constant -2048 : i32
    %and3A_48 = vector.broadcast %and3A : i32 to vector<1024x2048xi32>
    %and3A_49 = arith.andi %bitcast_convert_type3A, %and3A_48 : vector<1024x2048xi32>
    %or3A = arith.ori %and3A_49, %iota3A : vector<1024x2048xi32>
    %bitcast_convert_type3A_50 = tpu.bitcast %or3A : vector<1024x2048xi32> -> vector<1024x2048xf32>
    %reduce_min3A = arith.constant dense<0x7F800000> : vector<1024xf32>
    %reduce_min3A_51 = vector.multi_reduction <minimumf>, %bitcast_convert_type3A_50, %reduce_min3A [1] : vector<1024x2048xf32> to vector<1024xf32>
    %broadcast_in_dim3A_52 = vector.shape_cast %reduce_min3A_51 : vector<1024xf32> to vector<1024x1xf32>
    %eq3A = vector.broadcast %broadcast_in_dim3A_52 : vector<1024x1xf32> to vector<1024x2048xf32>
    %eq3A_53 = arith.cmpf oeq, %bitcast_convert_type3A_50, %eq3A : vector<1024x2048xf32>
    %jit3A = arith.constant 0x7F800000 : f32
    %broadcast_in_dim3A_54 = vector.broadcast %jit3A : f32 to vector<1024x2048xf32>
    %select_n3A = arith.select %eq3A_53, %broadcast_in_dim3A_54, %bitcast_convert_type3A_50 : vector<1024x2048xi1>, vector<1024x2048xf32>
    %reduce_min3A_55 = arith.constant dense<0x7F800000> : vector<1024xf32>
    %reduce_min3A_56 = vector.multi_reduction <minimumf>, %select_n3A, %reduce_min3A_55 [1] : vector<1024x2048xf32> to vector<1024xf32>
    %broadcast_in_dim3A_57 = vector.shape_cast %reduce_min3A_56 : vector<1024xf32> to vector<1024x1xf32>
    %eq3A_58 = vector.broadcast %broadcast_in_dim3A_57 : vector<1024x1xf32> to vector<1024x2048xf32>
    %eq3A_59 = arith.cmpf oeq, %select_n3A, %eq3A_58 : vector<1024x2048xf32>
    %jit3A_60 = arith.constant 0x7F800000 : f32
    %broadcast_in_dim3A_61 = vector.broadcast %jit3A_60 : f32 to vector<1024x2048xf32>
    %select_n3A_62 = arith.select %eq3A_59, %broadcast_in_dim3A_61, %select_n3A : vector<1024x2048xi1>, vector<1024x2048xf32>
    %reduce_min3A_63 = arith.constant dense<0x7F800000> : vector<1024xf32>
    %reduce_min3A_64 = vector.multi_reduction <minimumf>, %select_n3A_62, %reduce_min3A_63 [1] : vector<1024x2048xf32> to vector<1024xf32>
    %broadcast_in_dim3A_65 = vector.shape_cast %reduce_min3A_64 : vector<1024xf32> to vector<1024x1xf32>
    %concatenate3A = tpu.concatenate %broadcast_in_dim3A_52, %broadcast_in_dim3A_57, %broadcast_in_dim3A_65 in 1 : vector<1024x1xf32>, vector<1024x1xf32>, vector<1024x1xf32> -> vector<1024x3xf32>
    %bitcast_convert_type3A_66 = tpu.bitcast %concatenate3A : vector<1024x3xf32> -> vector<1024x3xi32>
    %and3A_67 = arith.constant 2047 : i32
    %and3A_68 = vector.broadcast %and3A_67 : i32 to vector<1024x3xi32>
    %and3A_69 = arith.andi %bitcast_convert_type3A_66, %and3A_68 : vector<1024x3xi32>
    %and3A_70 = arith.constant -2048 : i32
    %and3A_71 = vector.broadcast %and3A_70 : i32 to vector<1024x3xi32>
    %and3A_72 = arith.andi %bitcast_convert_type3A_66, %and3A_71 : vector<1024x3xi32>
    %bitcast_convert_type3A_73 = tpu.bitcast %and3A_72 : vector<1024x3xi32> -> vector<1024x3xf32>
    %add3A_74 = arith.constant 9.99999993E-9 : f32
    %add3A_75 = vector.broadcast %add3A_74 : f32 to vector<1024x3xf32>
    %add3A_76 = arith.addf %bitcast_convert_type3A_73, %add3A_75 : vector<1024x3xf32>
    %div3A = arith.constant 1.000000e+00 : f32
    %div3A_77 = vector.broadcast %div3A : f32 to vector<1024x3xf32>
    %div3A_78 = arith.divf %div3A_77, %add3A_76 : vector<1024x3xf32>
    %reduce_sum3A = arith.constant dense<0.000000e+00> : vector<1024xf32>
    %reduce_sum3A_79 = vector.multi_reduction <add>, %div3A_78, %reduce_sum3A [1] : vector<1024x3xf32> to vector<1024xf32>
    %broadcast_in_dim3A_80 = vector.shape_cast %reduce_sum3A_79 : vector<1024xf32> to vector<1024x1xf32>
    %div3A_81 = vector.broadcast %broadcast_in_dim3A_80 : vector<1024x1xf32> to vector<1024x3xf32>
    %div3A_82 = arith.divf %div3A_78, %div3A_81 : vector<1024x3xf32>
    %broadcast_in_dim3A_83 = vector.shape_cast %div3A_82 : vector<1024x3xf32> to vector<1024x3x1xf32>
    %broadcast_in_dim3A_84 = vector.shape_cast %broadcast_in_dim3A_83 : vector<1024x3x1xf32> to vector<1024x3x1xf32>
    %broadcast_in_dim3A_85 = vector.broadcast %broadcast_in_dim3A_84 : vector<1024x3x1xf32> to vector<1024x3x16xf32>
    %swap3A = arith.constant 0 : index
    %swap3A_86 = arith.constant 0 : index
    %swap3A_87 = arith.constant 0 : index
    %swap3A_88 = arith.constant 0 : index
    %swap3A_89 = vector.load %arg9[%swap3A, %swap3A_86, %swap3A_87, %swap3A_88] : memref<1x1024x3x16xf32, #tpu.memory_space<vmem>>, vector<1x1024x3x16xf32>
    %swap3A_90 = vector.shape_cast %swap3A_89 : vector<1x1024x3x16xf32> to vector<1024x3x16xf32>
    %swap3A_91 = vector.shape_cast %broadcast_in_dim3A_85 : vector<1024x3x16xf32> to vector<1x1024x3x16xf32>
    tpu.vector_store %arg9[%swap3A, %swap3A_86, %swap3A_87, %swap3A_88], %swap3A_91 {strides = array<i32>} : memref<1x1024x3x16xf32, #tpu.memory_space<vmem>>, vector<1x1024x3x16xf32>,
    %mul3A = arith.constant 2048 : i32
    %mul3A_92 = arith.muli %arg0, %mul3A : i32
    %add3A_93 = vector.broadcast %mul3A_92 : i32 to vector<1024x3xi32>
    %add3A_94 = arith.addi %and3A_69, %add3A_93 : vector<1024x3xi32>
    %swap3A_95 = arith.constant 0 : index
    %swap3A_96 = arith.constant 0 : index
    %swap3A_97 = arith.constant 0 : index
    %swap3A_98 = vector.load %arg8[%swap3A_95, %swap3A_96, %swap3A_97] : memref<1x1024x3xi32, #tpu.memory_space<vmem>>, vector<1x1024x3xi32>
    %swap3A_99 = vector.shape_cast %swap3A_98 : vector<1x1024x3xi32> to vector<1024x3xi32>
    %swap3A_100 = vector.shape_cast %add3A_94 : vector<1024x3xi32> to vector<1x1024x3xi32>
    tpu.vector_store %arg8[%swap3A_95, %swap3A_96, %swap3A_97], %swap3A_100 {strides = array<i32>} : memref<1x1024x3xi32, #tpu.memory_space<vmem>>, vector<1x1024x3xi32>,
    return
  }
  func.func @transform_0(%arg0: i32, %arg1: i32) -> (i32, i32, i32, i32) {
    %c0_i32 = arith.constant 0 : i32
    %c0_i32_0 = arith.constant 0 : i32
    %c0_i32_1 = arith.constant 0 : i32
    return %arg0, %arg1, %c0_i32, %c0_i32_0 : i32, i32, i32, i32
  }
  func.func @transform_1(%arg0: i32, %arg1: i32) -> (i32, i32, i32, i32) {
    %c0_i32 = arith.constant 0 : i32
    %c0_i32_0 = arith.constant 0 : i32
    %c0_i32_1 = arith.constant 0 : i32
    return %arg0, %arg1, %c0_i32, %c0_i32_0 : i32, i32, i32, i32
  }
  func.func @transform_2(%arg0: i32, %arg1: i32) -> (i32, i32, i32, i32) {
    %c0_i32 = arith.constant 0 : i32
    %c0_i32_0 = arith.constant 0 : i32
    %c0_i32_1 = arith.constant 0 : i32
    return %arg0, %arg1, %c0_i32, %c0_i32_0 : i32, i32, i32, i32
  }
  func.func @transform_3(%arg0: i32, %arg1: i32) -> (i32, i32, i32) {
    %c0_i32 = arith.constant 0 : i32
    %c0_i32_0 = arith.constant 0 : i32
    %c0_i32_1 = arith.constant 0 : i32
    return %arg0, %c0_i32, %c0_i32_0 : i32, i32, i32
  }
  func.func @transform_4(%arg0: i32, %arg1: i32) -> (i32, i32, i32) {
    %c0_i32 = arith.constant 0 : i32
    %c0_i32_0 = arith.constant 0 : i32
    %c0_i32_1 = arith.constant 0 : i32
    return %arg0, %c0_i32, %c0_i32_0 : i32, i32, i32
  }
  func.func @transform_5(%arg0: i32, %arg1: i32) -> (i32, i32, i32) {
    %c0_i32 = arith.constant 0 : i32
    %c0_i32_0 = arith.constant 0 : i32
    %c0_i32_1 = arith.constant 0 : i32
    return %arg0, %c0_i32, %c0_i32_0 : i32, i32, i32
  }
  func.func @transform_6(%arg0: i32, %arg1: i32) -> (i32, i32, i32) {
    %c0_i32 = arith.constant 0 : i32
    %c0_i32_0 = arith.constant 0 : i32
    return %arg0, %arg1, %c0_i32 : i32, i32, i32
  }
  func.func @transform_7(%arg0: i32, %arg1: i32) -> (i32, i32, i32, i32) {
    %c0_i32 = arith.constant 0 : i32
    %c0_i32_0 = arith.constant 0 : i32
    %c0_i32_1 = arith.constant 0 : i32
    return %arg0, %arg1, %c0_i32, %c0_i32_0 : i32, i32, i32, i32
  }
}

</mosaic_0001>

<sc_bundles>
// kernel: kernel.4.cloned.1.call-start
scs
__scs_entry_jumppad:
0x0: {  	(pc) =	sbr.rel $0x88, $3  }
0x1: {  	(tag) =	ssettag $0x0;
	lr =	simm.s32 $0x1  }
0x2: {  	[smem:$0x3F9E] =	sst lr;
	_ =	strace $0xD0000000  }
0x3: {  	_ = 	snop  }
0x4: {  	_ = 	snop  }
0x5: {  	_ = 	snop  }
0x6: {  	_ = 	snop  }
0x7: {  	_ = 	snop  }
__scs_overlays_trampoline_lowered:
0x8: {  	[smem:$0x3FAD] =	sst s0  }
0x9: {  	[smem:$0x3FAE] =	sst s1  }
0xa: {  	[smem:$0x3FAF] =	sst s2  }
0xb: {  	[smem:$0x3FB0] =	sst s3  }
0xc: {  	[smem:$0x3FB1] =	sst s4  }
0xd: {  	[smem:$0x3FB2] =	sst s5  }
0xe: {  	[smem:$0x3FB3] =	sst s6  }
0xf: {  	[smem:$0x3FB4] =	sst s7  }
0x10: {  	[smem:$0x3FB5] =	sst s8  }
0x11: {  	[smem:$0x3FB6] =	sst s9;
	s0 =	simm.s32 @!p0 $0x0  }
0x12: {  	s1 =	sld [smem:$0x3F9C];
	s0 =	simm.s32 @p0 $0x1  }
0x13: {  	[smem:$0x3FB7] =	sst s0;
	s0 =	simm.s32 @!p1 $0x0  }
0x14: {  	s2 =	sld [smem:$0x3F9B];
	s0 =	simm.s32 @p1 $0x1  }
0x15: {  	[smem:$0x3FB8] =	sst s0;
	s0 =	simm.s32 @!p2 $0x0  }
0x16: {  	s3 =	sld [smem:$0x3FDB];
	s0 =	simm.s32 @p2 $0x1  }
0x17: {  	s4 =	simm.s32 $0x1BF5;
	[smem:$0x3FBA] =	sst s0  }
0x18: {  	s0 =	sld [smem:$0x3F9D];
	_ =	swait.ge [sflag:s4], $0x0  }
0x19: {  	s7 =	sld [smem:$0x3F9E]  }
0x1a: {  	s8 =	sadd.s32 $0xFFFFE003, lr  }
0x1b: {  	s9 =	sadd.s32 $0xFFFFFEF7, lr;
	s5 =	simm.s32 $0xFFFFFFFF;
	p2 =	slt.u32 s8, $0xFFFFF086  }
0x1c: {  	p1 =	slt.u32 s9, $0xF7A;
	s5 =	simm.s32 @!p2 $0x0  }
0x1d: {  	s5 =	simm.s32 @p1 $0x1;
	p0 =	seq.s32 s7, s2  }
0x1e: {  	s7 =	smul.u32 @!p0 $0xF7A, s2;
	p2 =	seq.s32 @!p0 s5, $0x0  }
0x1f: {  	s9 =	smul.u32 $0xF7A, s1;
	s8 =	simm.s32 @!p0 $0x1BF5;
	p2 =	por !p2, p0  }
0x20: {  	[sflag:s8] =	ssyncset.s32 @!p0 $0xFFFFF086;
	s6 =	sadd.s32 @!p0 s3, s7;
	s7 =	simm.s32 @!p0 $0x108  }
0x21: {  	s3 =	sadd.s32 s3, s9;
	s6 =	sadd.s32 @!p0 $0x88, s6;
	s7 =	simm.s32 @p2 $0x1082  }
0x22: {  	[simem:s7], [sflag:s8] =	dma.local @!p0 [hbm:s6], $0xF7A  }
0x23: {  	s9 =	sor.u32 $0xD0000000, s2;
	s6 =	simm.s32 $0x108;
	_ =	swait.ge @!p0 [sflag:s8], $0x0  }
0x24: {  	s3 =	sadd.s32 $0x88, s3;
	s6 =	simm.s32 @!p1 $0x1082;
	[sflag:s4] =	ssyncset.s32 $0xFFFFF086  }
0x25: {  	[simem:s6], [sflag:s4] =	dma.local [hbm:s3], $0xF7A  }
0x26: {  	[smem:$0x3F9E] =	sst s1;
	(tag) =	ssettag s2;
	_ =	strace s9  }
0x27: {  	s1 =	sld [smem:$0x3FAE]  }
0x28: {  	s2 =	sld [smem:$0x3FAF]  }
0x29: {  	s4 =	sld [smem:$0x3FB1]  }
0x2a: {  	p0 =	seq.s32 s5, $0x0;
	s5 =	sld [smem:$0x3FB2]  }
0x2b: {  	s6 =	sld [smem:$0x3FB3]  }
0x2c: {  	s7 =	sld [smem:$0x3FB4]  }
0x2d: {  	s3 =	simm.s32 $0x108;
	s8 =	sld [smem:$0x3FB5]  }
0x2e: {  	s3 =	simm.s32 @!p0 $0x1082;
	s9 =	sld [smem:$0x3FB6]  }
0x2f: {  	lr =	sadd.s32 s0, s3;
	s0 =	sld [smem:$0x3FAD]  }
0x30: {  	s3 =	sld [smem:$0x3FB0]  }
0x31: {  	[smem:$0x3FB9] =	sst s10  }
0x32: {  	s10 =	sld [smem:$0x3FB7];
	_ =	sdelay $0x3  }
0x33: {  	p0 =	seq.s32 s10, $0x1;
	s10 =	sld [smem:$0x3FB9];
	_ =	sdelay $0x3  }
0x34: {  	[smem:$0x3FB9] =	sst s10  }
0x35: {  	s10 =	sld [smem:$0x3FB8];
	_ =	sdelay $0x3  }
0x36: {  	p1 =	seq.s32 s10, $0x1;
	s10 =	sld [smem:$0x3FB9];
	_ =	sdelay $0x3  }
0x37: {  	[smem:$0x3FB9] =	sst s10  }
0x38: {  	s10 =	sld [smem:$0x3FBA]  }
0x39: {  	_ = 	snop;
	(pc) =	sbr.ind lr, $3  }
0x3a: {  	_ = 	snop  }
0x3b: {  	_ = 	snop  }
0x3c: {  	p2 =	seq.s32 s10, $0x1;
	s10 =	sld [smem:$0x3FB9]  }
0x3d: {  	_ =	shalt  }
0x3e: {  	_ =	shalt  }
0x3f: {  	_ =	shalt  }
0x40: {  	_ =	shalt  }
0x41: {  	_ =	shalt  }
0x42: {  	_ =	shalt  }
0x43: {  	_ =	shalt  }
0x44: {  	_ =	shalt  }
0x45: {  	_ =	shalt  }
0x46: {  	_ =	shalt  }
0x47: {  	_ =	shalt  }
0x48: {  	_ =	shalt  }
0x49: {  	_ =	shalt  }
0x4a: {  	_ =	shalt  }
0x4b: {  	_ =	shalt  }
0x4c: {  	_ =	shalt  }
0x4d: {  	_ =	shalt  }
0x4e: {  	_ =	shalt  }
0x4f: {  	_ =	shalt  }
0x50: {  	_ =	shalt  }
0x51: {  	_ =	shalt  }
0x52: {  	_ =	shalt  }
0x53: {  	_ =	shalt  }
0x54: {  	_ =	shalt  }
0x55: {  	_ =	shalt  }
0x56: {  	_ =	shalt  }
0x57: {  	_ =	shalt  }
0x58: {  	_ =	shalt  }
0x59: {  	_ =	shalt  }
0x5a: {  	_ =	shalt  }
0x5b: {  	_ =	shalt  }
0x5c: {  	_ =	shalt  }
0x5d: {  	_ =	shalt  }
0x5e: {  	_ =	shalt  }
0x5f: {  	_ =	shalt  }
0x60: {  	_ =	shalt  }
0x61: {  	_ =	shalt  }
0x62: {  	_ =	shalt  }
0x63: {  	_ =	shalt  }
0x64: {  	_ =	shalt  }
0x65: {  	_ =	shalt  }
0x66: {  	_ =	shalt  }
0x67: {  	_ =	shalt  }
0x68: {  	_ =	shalt  }
0x69: {  	_ =	shalt  }
0x6a: {  	_ =	shalt  }
0x6b: {  	_ =	shalt  }
0x6c: {  	_ =	shalt  }
0x6d: {  	_ =	shalt  }
0x6e: {  	_ =	shalt  }
0x6f: {  	_ =	shalt  }
0x70: {  	_ =	shalt  }
0x71: {  	_ =	shalt  }
0x72: {  	_ =	shalt  }
0x73: {  	_ =	shalt  }
0x74: {  	_ =	shalt  }
0x75: {  	_ =	shalt  }
0x76: {  	_ =	shalt  }
0x77: {  	_ =	shalt  }
0x78: {  	_ =	shalt  }
0x79: {  	_ =	shalt  }
0x7a: {  	_ =	shalt  }
0x7b: {  	_ =	shalt  }
0x7c: {  	_ =	shalt  }
0x7d: {  	_ =	shalt  }
0x7e: {  	_ =	shalt  }
0x7f: {  	_ =	shalt  }
0x80: {  	_ =	shalt  }
0x81: {  	_ =	shalt  }
0x82: {  	_ =	shalt  }
0x83: {  	_ =	shalt  }
0x84: {  	_ =	shalt  }
0x85: {  	_ =	shalt  }
0x86: {  	_ =	shalt  }
0x87: {  	_ =	shalt  }
.Lfunc_end0:
.L_simem_size_0:
called_computation.1_lowered:
.L_overlay_start_0:
0x88: {  	s2 =	sld [smem:$0x3FD9]  }
0x89: {  	s3 =	sld [smem:$0x3FFE];
	_ =	sdelay $0x1  }
0x8a: {  	s1 =	srdreg.scid  }
0x8b: {  	s0 =	sand.u32 $0x1, s1  }
0x8c: {  	s17 =	sshll.u32 s0, $0xA;
	s2 =	sadd.s32 s3, s2  }
0x8d: {  	s2 =	sadd.s32 s2, s17  }
0x8e: {  	[smem:$0x3FC5] =	sst s2  }
0x8f: {  	_ = 	snop  }
0x90: {  	s2 =	sld [smem:$0x3FD0];
	(tm) =	ssettm $0x1  }
0x91: {  	s18 =	sld [smem:$0x3FFB];
	_ =	sdelay $0x3  }
0x92: {  	_ =	strace s18  }
0x93: {  	s3 =	sld [smem:$0x3FFC];
	_ =	sdelay $0x3  }
0x94: {  	_ =	strace s3  }
0x95: {  	s3 =	sld [smem:$0x3FFD];
	_ =	sdelay $0x3  }
0x96: {  	_ =	strace s3  }
0x97: {  	_ =	strace $0x8FFFFFFF  }
0x98: {  	s19 =	sld [smem:$0x3FDB];
	_ =	sdelay $0x1  }
0x99: {  	s4 =	simm.s32 $_scs_section_size  }
0x9a: {  	s5 =	simm.s32 $_size__tile_overlayer_lowered;
	s6 =	simm.s32 $_tile_overlayer_lowered  }
0x9b: {  	s22 =	simm.s32 $0x1BFF;
	s21 =	sshll.u32 s6, $0x1;
	s3 =	sadd.s32 s4, s19  }
0x9c: {  	s7 =	simm.s32 $0x0;
	s20 =	sshll.u32 s5, $0x1;
	s5 =	sadd.s32 s21, s3  }
0x9d: {  	[timem:s7], [sflag:s22] =	dma.local [hbm:s5], s20  }
0x9e: {  	_ =	swait.ge [sflag:s22], s20  }
0x9f: {  	s4 =	ssub.s32 $0x0, s20;
	[sflag:s22] =	ssyncset.done $0x0  }
0xa0: {  	[sflag:s22] =	ssyncadd.s32 s4;
	_ =	sdelay $0x1  }
0xa1: {  	s23 =	simm.s32 $0x1B8B  }
0xa2: {  	_ =	swait.ge [sflag:s23], $0x1  }
0xa3: {  	[sflag:s23] =	ssyncset.done $0x0  }
0xa4: {  	s25 =	simm.s32 $0x1B8E;
	s24 =	sld [smem:$0x3FFE];
	[sflag:s23] =	ssyncadd.s32 $0xFFFFFFFF  }
0xa5: {  	s26 =	simm.s32 $execute0_lowered;
	[smem:$0x3FD2] =	sst s25  }
0xa6: {  	s5 =	sshll.u32 s26, $0x1;
	_ =	strace $0x80000046;
	[dreg:$0x1] =	wrdreg $0xFFFFFFFF  }
0xa7: {  	s28 =	simm.s32 $_size_execute0_lowered;
	s3 =	sadd.s32 s3, s5;
	[dreg:$0x0] =	wrdreg $0x0  }
0xa8: {  	s5 =	sshll.u32 s28, $0x1;
	[dreg:$0x2] =	wrdreg s3  }
0xa9: {  	[dreg:$0x3] =	wrdreg s5  }
0xaa: {  	[dreg:$0x4] =	wrdreg $0xC0  }
0xab: {  	_ =	task [dreg:s7], $0x5FFFF  }
0xac: {  	[dreg:$0x1] =	wrdreg $0xFFFFFFFF  }
0xad: {  	[dreg:$0x0] =	wrdreg $0x60  }
0xae: {  	[dreg:$0x2] =	wrdreg s2  }
0xaf: {  	[dreg:$0x3] =	wrdreg s24  }
0xb0: {  	[dreg:$0x4] =	wrdreg $0x9  }
0xb1: {  	_ =	task.clear_ibuf [dreg:s7], $0x5FFFF;
	_ =	strace $0x90000046  }
0xb2: {  	s29 =	simm.s32 $0x9;
	_ =	strace $0x80000048  }
0xb3: {  	_ =	swait.ge [sflag:s29], $0x1  }
0xb4: {  	[sflag:s29] =	ssyncadd.s32 $0xFFFFFFFF  }
0xb5: {  	_ =	strace $0x90000048  }
0xb6: {  	_ =	sfence  }
0xb7: {  	s30 =	sld [smem:$0x0];
	_ =	sdelay $0x2  }
0xb8: {  	s31 =	sshll.u32 s1, $0xD;
	s1 =	sshrl.u32 s1, $0x2  }
0xb9: {  	s3 =	sand.u32 $0x4000, s31;
	s1 =	sadd.s32 s1, s30  }
0xba: {  	s0 =	sor.u32 s3, s0;
	s1 =	sshll.u32 s1, $0x11  }
0xbb: {  	s0 =	sor.u32 s1, s0  }
0xbc: {  	s0 =	sadd.s32 $0x8F2B, s0  }
0xbd: {  	[sflag:s0] =	ssyncadd.remote.s32 $0x1  }
0xbe: {  	_ =	sfence.sel $0xFFFF  }
0xbf: {  	[dreg:$0x0] =	wrdreg $0xFFFFFFFF;
	(pc) =	sbr.abs _section_cstart, $3  }
0xc0: {  	[dreg:$0x1] =	wrdreg $0xFFFFFFFF  }
0xc1: {  	_ =	task.clear_ibuf [dreg:s7], $0x2FFFF;
	_ =	strace $0x9FFFFFFF  }
0xc2: {  	(tm) =	ssettm $0x7FFFFFFF  }
0xc3: {  	_ =	shalt  }
tec
execute0_lowered:
.L_overlay_start_1:
0x0: {  	(tag) =	ssettag $0x1  }
0x1: {  	s2 =	rddreg [dreg:$0x0]  }
0x2: {  	s0 =	srdreg.scid;
	s3 =	stileid.u32  }
0x3: {  	s1 =	rddreg [dreg:$0x1];
	s9 =	simm.s32 $0x12800;
	s10 =	simm.s32 $0x4000  }
0x4: {  	s11 =	simm.s32 $0x1;
	s12 =	simm.s32 $0x3;
	s13 =	simm.s32 $0x13000  }
0x5: {  	s14 =	simm.s32 $0x2;
	s15 =	simm.s32 $0x4;
	s16 =	simm.s32 $0x15000  }
0x6: {  	s0 =	sand.u32 $0x1, s0;
	s4 =	sshll.u32 s3, $0x1;
	s3 =	simm.s32 $0x0  }
0x7: {  	s5 =	sor.u32 s0, s4;
	[smem:$0x7FF] =	sst s3;
	s0 =	ssub.s32 $0x2, s0  }
0x8: {  	s4 =	sshll.u32 s5, $0x9;
	_ =	strace $0x80000047;
	s7 =	sshll.u32 s5, $0xF  }
0x9: {  	s30 =	sshrl.u32 s0, $0x1;
	s8 =	smul.u32 $0xC000, s5;
	s6 =	sadd.s32 s4, s1  }
0xa: {  	s5 =	sshll.u32 s5, $0x5;
	s4 =	sadd.s32 $0x205000, s1;
	s6 =	sadd.s32 $0x201000, s6  }
0xb: {  	v2 =	vlaneseq.u32;
	s0 =	ssub.s32 s0, s30;
	s31 =	sadd.s32 s4, s8;
	[dreg:$0x3] =	wrdreg s6  }
0xc: {  	vm0 =	vmmov $0xffff;
	v1 =	vshrl.u32 v2, $0x3;
	s1 =	sadd.s32 s7, s1;
	s0 =	smax.u32 s0, $0x1;
	[dreg:$0x4] =	wrdreg s31  }
0xd: {  	v0 =	vand.u32 $0x7, v2;
	v2 =	vor.u32 $0x8, v2;
	v1 =	vmul.u32 $0x8, v1;
	s8 =	sadd.s32 $0x1000, s1;
	[dreg:$0x5] =	wrdreg s0;
	s6 =	simm.s32 $0x0  }
.LBB2_1:
0xe: {  	[dreg:$0x6] =	wrdreg s6  }
0xf: {  	s0 =	rddreg [dreg:$0x3];
	s17 =	simm.s32 $0x7  }
0x10: {  	[tilespmem:s3], [sflag:$0x7] =	stream.linear.gather [hbm4b:s0+s3], $0x1000, $0x38;
	[tilespmem:$0x17000] =	vst v63  }
0x11: {  	_ =	swait.ge [sflag:s17], $0x1000  }
0x12: {  	[sflag:s17] =	ssyncset.done $0x0  }
0x13: {  	[sflag:s17] =	ssyncadd.s32 $0xFFFFF000  }
0x14: {  	v3 =	vld [tilespmem:$0x0];
	_ =	sdelay $0x4  }
0x15: {  	v4 =	vshll.u32 v3, $0x1  }
0x16: {  	v3 =	vand.u32 $0x7, v3;
	v4 =	vand.u32 $0xFFFFFFF0, v4  }
0x17: {  	v3 =	vor.u32 v3, v4  }
0x18: {  	v4 =	vperm.xlane v3, v0;
	_ =	sdelay $0x1  }
0x19: {  	v3 =	vperm.xlane v3, v2;
	v4 =	vadd.s32 v1, v4;
	_ =	sdelay $0x1  }
0x1a: {  	v3 =	vadd.s32 v1, v3;
	_ =	sdelay $0x1  }
0x1b: {  	s18 =	simm.s32 $0x7000  }
0x1c: {  	[tilespmem:s18], [sflag:$0x1] =	stream.indirect_vreg.gather [hbm4b:s2+s3], $0x80, v4, vm0, $0xb8;
	[tilespmem:$0x17000] =	vst v63  }
0x1d: {  	s19 =	simm.s32 $0x7800  }
0x1e: {  	[tilespmem:s19], [sflag:$0x1] =	stream.indirect_vreg.gather [hbm4b:s2+s3], $0x80, v3, vm0, $0xb8;
	[tilespmem:$0x17000] =	vst v63  }
0x1f: {  	v3 =	vld [tilespmem:$0x10];
	_ =	sdelay $0x4  }
0x20: {  	v59 =	vshll.u32 v3, $0x1  }
0x21: {  	v3 =	vand.u32 $0x7, v3;
	v4 =	vand.u32 $0xFFFFFFF0, v59  }
0x22: {  	v3 =	vor.u32 v3, v4  }
0x23: {  	v4 =	vperm.xlane v3, v0;
	_ =	sdelay $0x1  }
0x24: {  	v3 =	vperm.xlane v3, v2;
	v4 =	vadd.s32 v1, v4;
	_ =	sdelay $0x1  }
0x25: {  	v3 =	vadd.s32 v1, v3;
	_ =	sdelay $0x1  }
0x26: {  	s20 =	simm.s32 $0x8000  }
0x27: {  	[tilespmem:s20], [sflag:$0x1] =	stream.indirect_vreg.gather [hbm4b:s2+s3], $0x80, v4, vm0, $0xb8;
	[tilespmem:$0x17000] =	vst v63  }
0x28: {  	s21 =	simm.s32 $0x8800  }
0x29: {  	[tilespmem:s21], [sflag:$0x1] =	stream.indirect_vreg.gather [hbm4b:s2+s3], $0x80, v3, vm0, $0xb8;
	[tilespmem:$0x17000] =	vst v63  }
0x2a: {  	v3 =	vld [tilespmem:$0x20];
	_ =	sdelay $0x4  }
0x2b: {  	v60 =	vshll.u32 v3, $0x1  }
0x2c: {  	v3 =	vand.u32 $0x7, v3;
	v4 =	vand.u32 $0xFFFFFFF0, v60  }
0x2d: {  	v3 =	vor.u32 v3, v4  }
0x2e: {  	v4 =	vperm.xlane v3, v0;
	_ =	sdelay $0x1  }
0x2f: {  	v3 =	vperm.xlane v3, v2;
	v4 =	vadd.s32 v1, v4;
	_ =	sdelay $0x1  }
0x30: {  	v3 =	vadd.s32 v1, v3;
	_ =	sdelay $0x1  }
0x31: {  	s22 =	simm.s32 $0x9000  }
0x32: {  	[tilespmem:s22], [sflag:$0x1] =	stream.indirect_vreg.gather [hbm4b:s2+s3], $0x80, v4, vm0, $0xb8;
	[tilespmem:$0x17000] =	vst v63  }
0x33: {  	s23 =	simm.s32 $0x9800  }
0x34: {  	[tilespmem:s23], [sflag:$0x1] =	stream.indirect_vreg.gather [hbm4b:s2+s3], $0x80, v3, vm0, $0xb8;
	[tilespmem:$0x17000] =	vst v63  }
0x35: {  	v3 =	vld [tilespmem:$0x30];
	_ =	sdelay $0x4  }
0x36: {  	v61 =	vshll.u32 v3, $0x1  }
0x37: {  	v3 =	vand.u32 $0x7, v3;
	v4 =	vand.u32 $0xFFFFFFF0, v61  }
0x38: {  	v3 =	vor.u32 v3, v4  }
0x39: {  	v4 =	vperm.xlane v3, v0;
	_ =	sdelay $0x1  }
0x3a: {  	v3 =	vperm.xlane v3, v2;
	v4 =	vadd.s32 v1, v4;
	_ =	sdelay $0x1  }
0x3b: {  	v3 =	vadd.s32 v1, v3;
	_ =	sdelay $0x1  }
0x3c: {  	s24 =	simm.s32 $0xA000  }
0x3d: {  	[tilespmem:s24], [sflag:$0x1] =	stream.indirect_vreg.gather [hbm4b:s2+s3], $0x80, v4, vm0, $0xb8;
	[tilespmem:$0x17000] =	vst v63  }
0x3e: {  	s25 =	simm.s32 $0xA800  }
0x3f: {  	[tilespmem:s25], [sflag:$0x1] =	stream.indirect_vreg.gather [hbm4b:s2+s3], $0x80, v3, vm0, $0xb8;
	[tilespmem:$0x17000] =	vst v63  }
0x40: {  	v3 =	vld [tilespmem:$0x40];
	_ =	sdelay $0x4  }
0x41: {  	v62 =	vshll.u32 v3, $0x1  }
0x42: {  	v3 =	vand.u32 $0x7, v3;
	v4 =	vand.u32 $0xFFFFFFF0, v62  }
0x43: {  	v3 =	vor.u32 v3, v4  }
0x44: {  	v4 =	vperm.xlane v3, v0;
	_ =	sdelay $0x1  }
0x45: {  	v3 =	vperm.xlane v3, v2;
	v4 =	vadd.s32 v1, v4;
	_ =	sdelay $0x1  }
0x46: {  	v3 =	vadd.s32 v1, v3;
	_ =	sdelay $0x1  }
0x47: {  	s26 =	simm.s32 $0xB000  }
0x48: {  	[tilespmem:s26], [sflag:$0x1] =	stream.indirect_vreg.gather [hbm4b:s2+s3], $0x80, v4, vm0, $0xb8;
	[tilespmem:$0x17000] =	vst v63  }
0x49: {  	s28 =	simm.s32 $0xB800  }
0x4a: {  	[tilespmem:s28], [sflag:$0x1] =	stream.indirect_vreg.gather [hbm4b:s2+s3], $0x80, v3, vm0, $0xb8;
	[tilespmem:$0x17000] =	vst v63  }
0x4b: {  	v3 =	vld [tilespmem:$0x50];
	_ =	sdelay $0x4  }
0x4c: {  	v63 =	vshll.u32 v3, $0x1  }
0x4d: {  	v3 =	vand.u32 $0x7, v3;
	v4 =	vand.u32 $0xFFFFFFF0, v63  }
0x4e: {  	v3 =	vor.u32 v3, v4  }
0x4f: {  	v4 =	vperm.xlane v3, v0;
	_ =	sdelay $0x1  }
0x50: {  	v3 =	vperm.xlane v3, v2;
	v4 =	vadd.s32 v1, v4;
	_ =	sdelay $0x1  }
0x51: {  	v3 =	vadd.s32 v1, v3;
	_ =	sdelay $0x1  }
0x52: {  	s29 =	simm.s32 $0xC000  }
0x53: {  	[tilespmem:s29], [sflag:$0x1] =	stream.indirect_vreg.gather [hbm4b:s2+s3], $0x80, v4, vm0, $0xb8;
	[tilespmem:$0x17000] =	vst v63  }
0x54: {  	s30 =	simm.s32 $0xC800  }
0x55: {  	[tilespmem:s30], [sflag:$0x1] =	stream.indirect_vreg.gather [hbm4b:s2+s3], $0x80, v3, vm0, $0xb8;
	[tilespmem:$0x17000] =	vst v63  }
0x56: {  	s1 =	simm.s32 $0x1000;
	s31 =	rddreg [dreg:$0x4];
	s17 =	simm.s32 $0x0  }
0x57: {  	[tilespmem:s1], [sflag:$0x3] =	stream.linear.gather [hbm4b:s31+s3], $0x3000, $0x38;
	[tilespmem:$0x17000] =	vst v63  }
.LBB2_2:
0x58: {  	s18 =	sshllo.u32 s17, $0x1  }
0x59: {  	s19 =	sshll.u32 s18, $0x7  }
0x5a: {  	s19 =	sand.u32 $0x3FFFFF80, s19  }
0x5b: {  	v3 =	vld [tilespmem:s19+$0x0];
	_ =	sdelay $0x4  }
0x5c: {  	v4 =	vshll.u32 v3, $0x1  }
0x5d: {  	v3 =	vand.u32 $0x7, v3;
	v4 =	vand.u32 $0xFFFFFFF0, v4  }
0x5e: {  	v3 =	vor.u32 v3, v4  }
0x5f: {  	v4 =	vperm.xlane v3, v0;
	_ =	sdelay $0x1  }
0x60: {  	v3 =	vperm.xlane v3, v2;
	v4 =	vadd.s32 v1, v4;
	_ =	sdelay $0x1  }
0x61: {  	v3 =	vadd.s32 v1, v3;
	_ =	sdelay $0x1  }
0x62: {  	s0 =	simm.s32 $0xD000  }
0x63: {  	[tilespmem:s0], [sflag:$0x2] =	stream.indirect_vreg.gather [hbm4b:s2+s3], $0x80, v4, vm0, $0xb8;
	[tilespmem:$0x17000] =	vst v63  }
0x64: {  	s20 =	simm.s32 $0xD800  }
0x65: {  	[tilespmem:s20], [sflag:$0x2] =	stream.indirect_vreg.gather [hbm4b:s2+s3], $0x80, v3, vm0, $0xb8;
	[tilespmem:$0x17000] =	vst v63  }
0x66: {  	v3 =	vld [tilespmem:s19+$0x10];
	_ =	sdelay $0x4  }
0x67: {  	v4 =	vshll.u32 v3, $0x1  }
0x68: {  	v3 =	vand.u32 $0x7, v3;
	v4 =	vand.u32 $0xFFFFFFF0, v4  }
0x69: {  	v3 =	vor.u32 v3, v4  }
0x6a: {  	v4 =	vperm.xlane v3, v0;
	_ =	sdelay $0x1  }
0x6b: {  	v3 =	vperm.xlane v3, v2;
	v4 =	vadd.s32 v1, v4;
	_ =	sdelay $0x1  }
0x6c: {  	v3 =	vadd.s32 v1, v3;
	_ =	sdelay $0x1  }
0x6d: {  	s21 =	simm.s32 $0xE000  }
0x6e: {  	[tilespmem:s21], [sflag:$0x2] =	stream.indirect_vreg.gather [hbm4b:s2+s3], $0x80, v4, vm0, $0xb8;
	[tilespmem:$0x17000] =	vst v63  }
0x6f: {  	s22 =	simm.s32 $0xE800  }
0x70: {  	[tilespmem:s22], [sflag:$0x2] =	stream.indirect_vreg.gather [hbm4b:s2+s3], $0x80, v3, vm0, $0xb8;
	[tilespmem:$0x17000] =	vst v63  }
0x71: {  	v3 =	vld [tilespmem:s19+$0x20];
	_ =	sdelay $0x4  }
0x72: {  	v4 =	vshll.u32 v3, $0x1  }
0x73: {  	v3 =	vand.u32 $0x7, v3;
	v4 =	vand.u32 $0xFFFFFFF0, v4  }
0x74: {  	v3 =	vor.u32 v3, v4  }
0x75: {  	v4 =	vperm.xlane v3, v0;
	_ =	sdelay $0x1  }
0x76: {  	v3 =	vperm.xlane v3, v2;
	v4 =	vadd.s32 v1, v4;
	_ =	sdelay $0x1  }
0x77: {  	v3 =	vadd.s32 v1, v3;
	_ =	sdelay $0x1  }
0x78: {  	s23 =	simm.s32 $0xF000  }
0x79: {  	[tilespmem:s23], [sflag:$0x2] =	stream.indirect_vreg.gather [hbm4b:s2+s3], $0x80, v4, vm0, $0xb8;
	[tilespmem:$0x17000] =	vst v63  }
0x7a: {  	s24 =	simm.s32 $0xF800  }
0x7b: {  	[tilespmem:s24], [sflag:$0x2] =	stream.indirect_vreg.gather [hbm4b:s2+s3], $0x80, v3, vm0, $0xb8;
	[tilespmem:$0x17000] =	vst v63  }
0x7c: {  	v3 =	vld [tilespmem:s19+$0x30];
	_ =	sdelay $0x4  }
0x7d: {  	v4 =	vshll.u32 v3, $0x1  }
0x7e: {  	v3 =	vand.u32 $0x7, v3;
	v4 =	vand.u32 $0xFFFFFFF0, v4  }
0x7f: {  	v3 =	vor.u32 v3, v4  }
0x80: {  	v4 =	vperm.xlane v3, v0;
	_ =	sdelay $0x1  }
0x81: {  	v3 =	vperm.xlane v3, v2;
	v4 =	vadd.s32 v1, v4;
	_ =	sdelay $0x1  }
0x82: {  	v3 =	vadd.s32 v1, v3;
	_ =	sdelay $0x1  }
0x83: {  	s25 =	simm.s32 $0x10000  }
0x84: {  	[tilespmem:s25], [sflag:$0x2] =	stream.indirect_vreg.gather [hbm4b:s2+s3], $0x80, v4, vm0, $0xb8;
	[tilespmem:$0x17000] =	vst v63  }
0x85: {  	s26 =	simm.s32 $0x10800  }
0x86: {  	[tilespmem:s26], [sflag:$0x2] =	stream.indirect_vreg.gather [hbm4b:s2+s3], $0x80, v3, vm0, $0xb8;
	[tilespmem:$0x17000] =	vst v63  }
0x87: {  	v3 =	vld [tilespmem:s19+$0x40];
	_ =	sdelay $0x4  }
0x88: {  	v4 =	vshll.u32 v3, $0x1  }
0x89: {  	v3 =	vand.u32 $0x7, v3;
	v4 =	vand.u32 $0xFFFFFFF0, v4  }
0x8a: {  	v3 =	vor.u32 v3, v4  }
0x8b: {  	v4 =	vperm.xlane v3, v0;
	_ =	sdelay $0x1  }
0x8c: {  	v3 =	vperm.xlane v3, v2;
	v4 =	vadd.s32 v1, v4;
	_ =	sdelay $0x1  }
0x8d: {  	v3 =	vadd.s32 v1, v3;
	_ =	sdelay $0x1  }
0x8e: {  	s30 =	simm.s32 $0x11000  }
0x8f: {  	[tilespmem:s30], [sflag:$0x2] =	stream.indirect_vreg.gather [hbm4b:s2+s3], $0x80, v4, vm0, $0xb8;
	[tilespmem:$0x17000] =	vst v63  }
0x90: {  	s31 =	simm.s32 $0x11800  }
0x91: {  	[tilespmem:s31], [sflag:$0x2] =	stream.indirect_vreg.gather [hbm4b:s2+s3], $0x80, v3, vm0, $0xb8;
	[tilespmem:$0x17000] =	vst v63  }
0x92: {  	v3 =	vld [tilespmem:s19+$0x50];
	_ =	sdelay $0x4  }
0x93: {  	v4 =	vshll.u32 v3, $0x1  }
0x94: {  	v3 =	vand.u32 $0x7, v3;
	v4 =	vand.u32 $0xFFFFFFF0, v4  }
0x95: {  	v3 =	vor.u32 v3, v4  }
0x96: {  	v4 =	vperm.xlane v3, v0;
	_ =	sdelay $0x1  }
0x97: {  	v3 =	vperm.xlane v3, v2;
	v4 =	vadd.s32 v1, v4;
	_ =	sdelay $0x1  }
0x98: {  	v3 =	vadd.s32 v1, v3;
	_ =	sdelay $0x1  }
0x99: {  	s1 =	simm.s32 $0x12000;
	s6 =	sadd.s32 s5, s18  }
0x9a: {  	[tilespmem:s1], [sflag:$0x2] =	stream.indirect_vreg.gather [hbm4b:s2+s3], $0x80, v4, vm0, $0xb8;
	[tilespmem:$0x17000] =	vst v63  }
0x9b: {  	s19 =	smul.u32 $0x600, s6  }
0x9c: {  	[tilespmem:s9], [sflag:$0x2] =	stream.indirect_vreg.gather [hbm4b:s2+s3], $0x80, v3, vm0, $0xb8;
	[tilespmem:$0x17000] =	vst v63  }
0x9d: {  	s19 =	sadd.s32 s4, s19  }
0x9e: {  	[tilespmem:s10], [sflag:$0x4] =	stream.linear.gather [hbm4b:s19+s3], $0x3000, $0x38;
	[tilespmem:$0x17000] =	vst v63  }
0x9f: {  	_ =	swait.ge [sflag:s11], $0x6000  }
0xa0: {  	[sflag:s11] =	ssyncset.done $0x0  }
0xa1: {  	[sflag:s11] =	ssyncadd.s32 $0xFFFFA000  }
0xa2: {  	_ =	swait.ge [sflag:s12], $0x3000  }
0xa3: {  	p0 =	seq.s32 s17, $0x0;
	[sflag:s12] =	ssyncset.done $0x0  }
0xa4: {  	s20 =	simm.s32 @!p0 $0x5;
	[sflag:s12] =	ssyncadd.s32 $0xFFFFD000  }
0xa5: {  	s22 =	simm.s32 $0x100;
	s23 =	simm.s32 $0x1100;
	_ =	swait.ge @!p0 [sflag:s20], $0x2000  }
0xa6: {  	s24 =	simm.s32 $0x80;
	s19 =	simm.s32 $0x0;
	[sflag:s20] =	ssyncset.done @!p0 $0x0  }
0xa7: {  	s7 =	sand.u32 $0x7800, s19;
	s21 =	sand.u32 $0x380, s19;
	[sflag:s20] =	ssyncadd.s32 @!p0 $0xFFFFE000  }
0xa8: {  	s22 =	sand.u32 $0xF800, s22;
	s24 =	sand.u32 $0x380, s24;
	s21 =	sor.u32 s21, s7;
	v3 =	vld [tilespmem:s23+$0xFFFFFF80]  }
0xa9: {  	s20 =	sor.u32 s24, s22;
	v6 =	vld [tilespmem:s21+$0x7000]  }
0xaa: {  	s25 =	simm.s32 $0x200;
	s26 =	simm.s32 $0x100;
	v7 =	vld [tilespmem:s20+$0x7000]  }
0xab: {  	s24 =	sand.u32 $0x380, s26;
	s26 =	sand.u32 $0xF800, s25;
	v4 =	vld [tilespmem:s23+$0xFFFFFF00]  }
0xac: {  	s22 =	sor.u32 s24, s26;
	v5 =	vld [tilespmem:s23+$0x0]  }
0xad: {  	v8 =	vld [tilespmem:s22+$0x7000];
	_ =	sdelay $0x2  }
0xae: {  	v6 =	vmul.f32 v6, v4;
	v7 =	vmul.f32 v7, v3;
	_ =	sdelay $0x1  }
0xaf: {  	v6 =	vadd.f32 v7, v6;
	v7 =	vmul.f32 v8, v5;
	_ =	sdelay $0x1  }
0xb0: {  	s30 =	sand.u32 $0x1800, s19;
	s31 =	sand.u32 $0x380, s19;
	v6 =	vadd.f32 v7, v6  }
0xb1: {  	s23 =	sor.u32 s31, s30  }
0xb2: {  	[tilespmem:s23+$0x13000] =	vst v6  }
0xb3: {  	v6 =	vld [tilespmem:s21+$0x7010]  }
0xb4: {  	v7 =	vld [tilespmem:s20+$0x7010];
	_ =	sdelay $0x1  }
0xb5: {  	v8 =	vld [tilespmem:s22+$0x7010];
	_ =	sdelay $0x2  }
0xb6: {  	v6 =	vmul.f32 v6, v4;
	v7 =	vmul.f32 v7, v3;
	_ =	sdelay $0x1  }
0xb7: {  	v6 =	vadd.f32 v7, v6;
	v7 =	vmul.f32 v8, v5;
	_ =	sdelay $0x1  }
0xb8: {  	v6 =	vadd.f32 v7, v6  }
0xb9: {  	s23 =	sadd.s32 $0x13000, s23  }
0xba: {  	[tilespmem:s23+$0x10] =	vst v6  }
0xbb: {  	v6 =	vld [tilespmem:s21+$0x7020]  }
0xbc: {  	v7 =	vld [tilespmem:s20+$0x7020];
	_ =	sdelay $0x1  }
0xbd: {  	v8 =	vld [tilespmem:s22+$0x7020];
	_ =	sdelay $0x2  }
0xbe: {  	v6 =	vmul.f32 v6, v4;
	v7 =	vmul.f32 v7, v3;
	_ =	sdelay $0x1  }
0xbf: {  	v6 =	vadd.f32 v7, v6;
	v7 =	vmul.f32 v8, v5;
	_ =	sdelay $0x1  }
0xc0: {  	v6 =	vadd.f32 v7, v6;
	_ =	sdelay $0x1  }
0xc1: {  	[tilespmem:s23+$0x20] =	vst v6  }
0xc2: {  	v6 =	vld [tilespmem:s21+$0x7030]  }
0xc3: {  	v7 =	vld [tilespmem:s20+$0x7030];
	_ =	sdelay $0x1  }
0xc4: {  	v8 =	vld [tilespmem:s22+$0x7030];
	_ =	sdelay $0x2  }
0xc5: {  	v6 =	vmul.f32 v6, v4;
	v7 =	vmul.f32 v7, v3;
	_ =	sdelay $0x1  }
0xc6: {  	v8 =	vmul.f32 v8, v5;
	v6 =	vadd.f32 v7, v6;
	_ =	sdelay $0x1  }
0xc7: {  	v6 =	vadd.f32 v8, v6;
	_ =	sdelay $0x1  }
0xc8: {  	[tilespmem:s23+$0x30] =	vst v6  }
0xc9: {  	v6 =	vld [tilespmem:s21+$0x7040]  }
0xca: {  	v7 =	vld [tilespmem:s20+$0x7040];
	_ =	sdelay $0x1  }
0xcb: {  	v8 =	vld [tilespmem:s22+$0x7040];
	_ =	sdelay $0x2  }
0xcc: {  	v6 =	vmul.f32 v6, v4;
	v7 =	vmul.f32 v7, v3;
	_ =	sdelay $0x1  }
0xcd: {  	v8 =	vmul.f32 v8, v5;
	v6 =	vadd.f32 v7, v6;
	_ =	sdelay $0x1  }
0xce: {  	v6 =	vadd.f32 v8, v6;
	_ =	sdelay $0x1  }
0xcf: {  	[tilespmem:s23+$0x40] =	vst v6  }
0xd0: {  	v6 =	vld [tilespmem:s20+$0x7050]  }
0xd1: {  	v7 =	vld [tilespmem:s21+$0x7050];
	_ =	sdelay $0x1  }
0xd2: {  	v8 =	vld [tilespmem:s22+$0x7050];
	_ =	sdelay $0x2  }
0xd3: {  	v6 =	vmul.f32 v6, v3;
	v7 =	vmul.f32 v7, v4;
	_ =	sdelay $0x1  }
0xd4: {  	v8 =	vmul.f32 v8, v5;
	v6 =	vadd.f32 v6, v7;
	_ =	sdelay $0x1  }
0xd5: {  	v6 =	vadd.f32 v8, v6;
	_ =	sdelay $0x1  }
0xd6: {  	[tilespmem:s23+$0x50] =	vst v6  }
0xd7: {  	v6 =	vld [tilespmem:s21+$0x7060]  }
0xd8: {  	v7 =	vld [tilespmem:s20+$0x7060];
	_ =	sdelay $0x1  }
0xd9: {  	v8 =	vld [tilespmem:s22+$0x7060];
	_ =	sdelay $0x2  }
0xda: {  	v6 =	vmul.f32 v6, v4;
	v7 =	vmul.f32 v7, v3;
	_ =	sdelay $0x1  }
0xdb: {  	v8 =	vmul.f32 v8, v5;
	v6 =	vadd.f32 v7, v6;
	_ =	sdelay $0x1  }
0xdc: {  	v6 =	vadd.f32 v8, v6;
	_ =	sdelay $0x1  }
0xdd: {  	[tilespmem:s23+$0x60] =	vst v6  }
0xde: {  	v6 =	vld [tilespmem:s21+$0x7070]  }
0xdf: {  	v7 =	vld [tilespmem:s20+$0x7070];
	_ =	sdelay $0x1  }
0xe0: {  	v8 =	vld [tilespmem:s22+$0x7070];
	_ =	sdelay $0x2  }
0xe1: {  	v6 =	vmul.f32 v6, v4;
	v7 =	vmul.f32 v7, v3;
	_ =	sdelay $0x1  }
0xe2: {  	v8 =	vmul.f32 v8, v5;
	v6 =	vadd.f32 v7, v6;
	_ =	sdelay $0x1  }
0xe3: {  	v6 =	vadd.f32 v8, v6;
	_ =	sdelay $0x1  }
0xe4: {  	[tilespmem:s23+$0x70] =	vst v6  }
0xe5: {  	v6 =	vld [tilespmem:s21+$0x7400]  }
0xe6: {  	v7 =	vld [tilespmem:s20+$0x7400];
	_ =	sdelay $0x1  }
0xe7: {  	v8 =	vld [tilespmem:s22+$0x7400];
	_ =	sdelay $0x2  }
0xe8: {  	v6 =	vmul.f32 v6, v4;
	v7 =	vmul.f32 v7, v3;
	_ =	sdelay $0x1  }
0xe9: {  	v8 =	vmul.f32 v8, v5;
	v6 =	vadd.f32 v7, v6;
	_ =	sdelay $0x1  }
0xea: {  	v6 =	vadd.f32 v8, v6;
	_ =	sdelay $0x1  }
0xeb: {  	[tilespmem:s23+$0x400] =	vst v6  }
0xec: {  	v6 =	vld [tilespmem:s21+$0x7410]  }
0xed: {  	v7 =	vld [tilespmem:s20+$0x7410];
	_ =	sdelay $0x1  }
0xee: {  	v8 =	vld [tilespmem:s22+$0x7410];
	_ =	sdelay $0x2  }
0xef: {  	v6 =	vmul.f32 v6, v4;
	v7 =	vmul.f32 v7, v3;
	_ =	sdelay $0x1  }
0xf0: {  	v6 =	vadd.f32 v7, v6;
	v7 =	vmul.f32 v8, v5;
	_ =	sdelay $0x1  }
0xf1: {  	v6 =	vadd.f32 v7, v6;
	_ =	sdelay $0x1  }
0xf2: {  	[tilespmem:s23+$0x410] =	vst v6  }
0xf3: {  	v6 =	vld [tilespmem:s21+$0x7420]  }
0xf4: {  	v7 =	vld [tilespmem:s20+$0x7420];
	_ =	sdelay $0x1  }
0xf5: {  	v8 =	vld [tilespmem:s22+$0x7420];
	_ =	sdelay $0x2  }
0xf6: {  	v6 =	vmul.f32 v6, v4;
	v7 =	vmul.f32 v7, v3;
	_ =	sdelay $0x1  }
0xf7: {  	v8 =	vmul.f32 v8, v5;
	v6 =	vadd.f32 v7, v6;
	_ =	sdelay $0x1  }
0xf8: {  	v6 =	vadd.f32 v8, v6;
	_ =	sdelay $0x1  }
0xf9: {  	[tilespmem:s23+$0x420] =	vst v6  }
0xfa: {  	v6 =	vld [tilespmem:s21+$0x7430]  }
0xfb: {  	v7 =	vld [tilespmem:s20+$0x7430];
	_ =	sdelay $0x1  }
0xfc: {  	v8 =	vld [tilespmem:s22+$0x7430];
	_ =	sdelay $0x2  }
0xfd: {  	v6 =	vmul.f32 v6, v4;
	v7 =	vmul.f32 v7, v3;
	_ =	sdelay $0x1  }
0xfe: {  	v8 =	vmul.f32 v8, v5;
	v6 =	vadd.f32 v7, v6;
	_ =	sdelay $0x1  }
0xff: {  	v6 =	vadd.f32 v8, v6;
	_ =	sdelay $0x1  }
0x100: {  	[tilespmem:s23+$0x430] =	vst v6  }
0x101: {  	v6 =	vld [tilespmem:s21+$0x7440]  }
0x102: {  	v7 =	vld [tilespmem:s20+$0x7440];
	_ =	sdelay $0x1  }
0x103: {  	v8 =	vld [tilespmem:s22+$0x7440];
	_ =	sdelay $0x2  }
0x104: {  	v6 =	vmul.f32 v6, v4;
	v7 =	vmul.f32 v7, v3;
	_ =	sdelay $0x1  }
0x105: {  	v8 =	vmul.f32 v8, v5;
	v6 =	vadd.f32 v7, v6;
	_ =	sdelay $0x1  }
0x106: {  	v6 =	vadd.f32 v8, v6;
	_ =	sdelay $0x1  }
0x107: {  	[tilespmem:s23+$0x440] =	vst v6  }
0x108: {  	v6 =	vld [tilespmem:s20+$0x7450]  }
0x109: {  	v7 =	vld [tilespmem:s21+$0x7450];
	_ =	sdelay $0x1  }
0x10a: {  	v8 =	vld [tilespmem:s22+$0x7450];
	_ =	sdelay $0x2  }
0x10b: {  	v7 =	vmul.f32 v7, v4;
	v6 =	vmul.f32 v6, v3;
	_ =	sdelay $0x1  }
0x10c: {  	s28 =	simm.s32 $0x0;
	s29 =	simm.s32 $0x0;
	v6 =	vadd.f32 v6, v7;
	v7 =	vmul.f32 v8, v5  }
0x10d: {  	s25 =	simm.s32 $0x180;
	s24 =	sshll.u32 s17, $0x1;
	s26 =	simm.s32 $0x1280  }
.LBB2_3:
0x10e: {  	v6 =	vadd.f32 v7, v6;
	s19 =	sadd.s32 $0x80, s19;
	s28 =	sadd.s32 $0x100, s28;
	s29 =	sadd.s32 $0x300, s29  }
0x10f: {  	p1 =	sne.s32 s25, $0x2E80;
	s30 =	smov.u32 s25;
	s25 =	sadd.s32 $0x180, s25  }
0x110: {  	[tilespmem:s23+$0x450] =	vst v6  }
0x111: {  	v6 =	vld [tilespmem:s21+$0x7460]  }
0x112: {  	v7 =	vld [tilespmem:s20+$0x7460]  }
0x113: {  	v8 =	vld [tilespmem:s22+$0x7460];
	_ =	sdelay $0x2  }
0x114: {  	v6 =	vmul.f32 v6, v4  }
0x115: {  	v7 =	vmul.f32 v7, v3  }
0x116: {  	v8 =	vmul.f32 v8, v5  }
0x117: {  	v6 =	vadd.f32 v7, v6;
	_ =	sdelay $0x1  }
0x118: {  	v6 =	vadd.f32 v8, v6  }
0x119: {  	s31 =	sadd.s32 $0x200, s29;
	s1 =	sadd.s32 $0x100, s30  }
0x11a: {  	s0 =	sand.u32 $0x7800, s29;
	s6 =	sand.u32 $0x380, s30;
	s1 =	sand.u32 $0x380, s1;
	[tilespmem:s23+$0x460] =	vst v6  }
0x11b: {  	s7 =	sadd.s32 $0x100, s29;
	s30 =	sadd.s32 $0x80, s30;
	s31 =	sand.u32 $0xF800, s31;
	v6 =	vld [tilespmem:s21+$0x7470]  }
0x11c: {  	s7 =	sand.u32 $0xF800, s7;
	s30 =	sand.u32 $0x380, s30;
	s1 =	sor.u32 s1, s31;
	v7 =	vld [tilespmem:s20+$0x7470]  }
0x11d: {  	s21 =	sor.u32 s6, s0;
	s20 =	sor.u32 s30, s7;
	v8 =	vld [tilespmem:s22+$0x7470];
	s22 =	smov.u32 s1  }
0x11e: {  	_ =	sdelay $0x1  }
0x11f: {  	v4 =	vmul.f32 v6, v4  }
0x120: {  	v3 =	vmul.f32 v7, v3  }
0x121: {  	v5 =	vmul.f32 v8, v5  }
0x122: {  	v3 =	vadd.f32 v3, v4;
	_ =	sdelay $0x1  }
0x123: {  	v3 =	vadd.f32 v5, v3;
	_ =	sdelay $0x1  }
0x124: {  	[tilespmem:s23+$0x470] =	vst v3  }
0x125: {  	v3 =	vld [tilespmem:s26+$0xFFFFFF80]  }
0x126: {  	v6 =	vld [tilespmem:s21+$0x7000]  }
0x127: {  	v7 =	vld [tilespmem:s20+$0x7000]  }
0x128: {  	v4 =	vld [tilespmem:s26+$0xFFFFFF00]  }
0x129: {  	v8 =	vld [tilespmem:s22+$0x7000]  }
0x12a: {  	v5 =	vld [tilespmem:s26+$0x0];
	_ =	sdelay $0x2  }
0x12b: {  	v7 =	vmul.f32 v7, v3;
	v6 =	vmul.f32 v6, v4;
	_ =	sdelay $0x1  }
0x12c: {  	v6 =	vadd.f32 v7, v6;
	v7 =	vmul.f32 v8, v5;
	_ =	sdelay $0x1  }
0x12d: {  	s0 =	sand.u32 $0x1800, s28;
	s1 =	sand.u32 $0x380, s19;
	v6 =	vadd.f32 v7, v6  }
0x12e: {  	s0 =	sor.u32 s1, s0  }
0x12f: {  	[tilespmem:s0+$0x13000] =	vst v6  }
0x130: {  	v6 =	vld [tilespmem:s21+$0x7010]  }
0x131: {  	v7 =	vld [tilespmem:s20+$0x7010];
	_ =	sdelay $0x1  }
0x132: {  	v8 =	vld [tilespmem:s22+$0x7010];
	_ =	sdelay $0x1  }
0x133: {  	v6 =	vmul.f32 v6, v4  }
0x134: {  	v7 =	vmul.f32 v7, v3;
	_ =	sdelay $0x1  }
0x135: {  	v6 =	vadd.f32 v7, v6;
	v7 =	vmul.f32 v8, v5;
	_ =	sdelay $0x1  }
0x136: {  	v6 =	vadd.f32 v7, v6  }
0x137: {  	s23 =	sadd.s32 $0x13000, s0  }
0x138: {  	[tilespmem:s23+$0x10] =	vst v6  }
0x139: {  	v6 =	vld [tilespmem:s21+$0x7020]  }
0x13a: {  	v7 =	vld [tilespmem:s20+$0x7020];
	_ =	sdelay $0x1  }
0x13b: {  	v8 =	vld [tilespmem:s22+$0x7020];
	_ =	sdelay $0x1  }
0x13c: {  	v6 =	vmul.f32 v6, v4  }
0x13d: {  	v7 =	vmul.f32 v7, v3;
	_ =	sdelay $0x1  }
0x13e: {  	v6 =	vadd.f32 v7, v6;
	v7 =	vmul.f32 v8, v5;
	_ =	sdelay $0x1  }
0x13f: {  	v6 =	vadd.f32 v7, v6;
	_ =	sdelay $0x1  }
0x140: {  	[tilespmem:s23+$0x20] =	vst v6  }
0x141: {  	v6 =	vld [tilespmem:s21+$0x7030]  }
0x142: {  	v7 =	vld [tilespmem:s20+$0x7030]  }
0x143: {  	v8 =	vld [tilespmem:s22+$0x7030];
	_ =	sdelay $0x2  }
0x144: {  	v6 =	vmul.f32 v6, v4  }
0x145: {  	v7 =	vmul.f32 v7, v3  }
0x146: {  	v8 =	vmul.f32 v8, v5  }
0x147: {  	v6 =	vadd.f32 v7, v6;
	_ =	sdelay $0x1  }
0x148: {  	v6 =	vadd.f32 v8, v6;
	_ =	sdelay $0x1  }
0x149: {  	[tilespmem:s23+$0x30] =	vst v6  }
0x14a: {  	v6 =	vld [tilespmem:s21+$0x7040]  }
0x14b: {  	v7 =	vld [tilespmem:s20+$0x7040]  }
0x14c: {  	v8 =	vld [tilespmem:s22+$0x7040];
	_ =	sdelay $0x2  }
0x14d: {  	v6 =	vmul.f32 v6, v4  }
0x14e: {  	v7 =	vmul.f32 v7, v3  }
0x14f: {  	v8 =	vmul.f32 v8, v5  }
0x150: {  	v6 =	vadd.f32 v7, v6;
	_ =	sdelay $0x1  }
0x151: {  	v6 =	vadd.f32 v8, v6;
	_ =	sdelay $0x1  }
0x152: {  	[tilespmem:s23+$0x40] =	vst v6  }
0x153: {  	v6 =	vld [tilespmem:s20+$0x7050]  }
0x154: {  	v7 =	vld [tilespmem:s21+$0x7050]  }
0x155: {  	v8 =	vld [tilespmem:s22+$0x7050];
	_ =	sdelay $0x2  }
0x156: {  	v6 =	vmul.f32 v6, v3  }
0x157: {  	v7 =	vmul.f32 v7, v4  }
0x158: {  	v8 =	vmul.f32 v8, v5  }
0x159: {  	v6 =	vadd.f32 v6, v7;
	_ =	sdelay $0x1  }
0x15a: {  	v6 =	vadd.f32 v8, v6;
	_ =	sdelay $0x1  }
0x15b: {  	[tilespmem:s23+$0x50] =	vst v6  }
0x15c: {  	v6 =	vld [tilespmem:s21+$0x7060]  }
0x15d: {  	v7 =	vld [tilespmem:s20+$0x7060]  }
0x15e: {  	v8 =	vld [tilespmem:s22+$0x7060];
	_ =	sdelay $0x2  }
0x15f: {  	v6 =	vmul.f32 v6, v4  }
0x160: {  	v7 =	vmul.f32 v7, v3  }
0x161: {  	v8 =	vmul.f32 v8, v5  }
0x162: {  	v6 =	vadd.f32 v7, v6;
	_ =	sdelay $0x1  }
0x163: {  	v6 =	vadd.f32 v8, v6;
	_ =	sdelay $0x1  }
0x164: {  	[tilespmem:s23+$0x60] =	vst v6  }
0x165: {  	v6 =	vld [tilespmem:s21+$0x7070]  }
0x166: {  	v7 =	vld [tilespmem:s20+$0x7070]  }
0x167: {  	v8 =	vld [tilespmem:s22+$0x7070];
	_ =	sdelay $0x2  }
0x168: {  	v6 =	vmul.f32 v6, v4  }
0x169: {  	v7 =	vmul.f32 v7, v3  }
0x16a: {  	v8 =	vmul.f32 v8, v5  }
0x16b: {  	v6 =	vadd.f32 v7, v6;
	_ =	sdelay $0x1  }
0x16c: {  	v6 =	vadd.f32 v8, v6;
	_ =	sdelay $0x1  }
0x16d: {  	[tilespmem:s23+$0x70] =	vst v6  }
0x16e: {  	v6 =	vld [tilespmem:s21+$0x7400]  }
0x16f: {  	v7 =	vld [tilespmem:s20+$0x7400]  }
0x170: {  	v8 =	vld [tilespmem:s22+$0x7400];
	_ =	sdelay $0x2  }
0x171: {  	v6 =	vmul.f32 v6, v4  }
0x172: {  	v7 =	vmul.f32 v7, v3  }
0x173: {  	v8 =	vmul.f32 v8, v5  }
0x174: {  	v6 =	vadd.f32 v7, v6;
	_ =	sdelay $0x1  }
0x175: {  	v6 =	vadd.f32 v8, v6;
	_ =	sdelay $0x1  }
0x176: {  	[tilespmem:s23+$0x400] =	vst v6  }
0x177: {  	v6 =	vld [tilespmem:s21+$0x7410]  }
0x178: {  	v7 =	vld [tilespmem:s20+$0x7410]  }
0x179: {  	v8 =	vld [tilespmem:s22+$0x7410];
	_ =	sdelay $0x2  }
0x17a: {  	v6 =	vmul.f32 v6, v4  }
0x17b: {  	v7 =	vmul.f32 v7, v3;
	_ =	sdelay $0x1  }
0x17c: {  	v6 =	vadd.f32 v7, v6;
	v7 =	vmul.f32 v8, v5;
	_ =	sdelay $0x1  }
0x17d: {  	v6 =	vadd.f32 v7, v6;
	_ =	sdelay $0x1  }
0x17e: {  	[tilespmem:s23+$0x410] =	vst v6  }
0x17f: {  	v6 =	vld [tilespmem:s21+$0x7420]  }
0x180: {  	v7 =	vld [tilespmem:s20+$0x7420]  }
0x181: {  	v8 =	vld [tilespmem:s22+$0x7420];
	_ =	sdelay $0x2  }
0x182: {  	v6 =	vmul.f32 v6, v4  }
0x183: {  	v7 =	vmul.f32 v7, v3  }
0x184: {  	v8 =	vmul.f32 v8, v5  }
0x185: {  	v6 =	vadd.f32 v7, v6;
	_ =	sdelay $0x1  }
0x186: {  	v6 =	vadd.f32 v8, v6;
	_ =	sdelay $0x1  }
0x187: {  	[tilespmem:s23+$0x420] =	vst v6  }
0x188: {  	v6 =	vld [tilespmem:s21+$0x7430]  }
0x189: {  	v7 =	vld [tilespmem:s20+$0x7430]  }
0x18a: {  	v8 =	vld [tilespmem:s22+$0x7430];
	_ =	sdelay $0x2  }
0x18b: {  	v6 =	vmul.f32 v6, v4  }
0x18c: {  	v7 =	vmul.f32 v7, v3  }
0x18d: {  	v8 =	vmul.f32 v8, v5  }
0x18e: {  	v6 =	vadd.f32 v7, v6;
	_ =	sdelay $0x1  }
0x18f: {  	v6 =	vadd.f32 v8, v6;
	_ =	sdelay $0x1  }
0x190: {  	[tilespmem:s23+$0x430] =	vst v6  }
0x191: {  	v6 =	vld [tilespmem:s21+$0x7440]  }
0x192: {  	v7 =	vld [tilespmem:s20+$0x7440]  }
0x193: {  	v8 =	vld [tilespmem:s22+$0x7440];
	_ =	sdelay $0x2  }
0x194: {  	v6 =	vmul.f32 v6, v4  }
0x195: {  	v7 =	vmul.f32 v7, v3  }
0x196: {  	v8 =	vmul.f32 v8, v5  }
0x197: {  	v6 =	vadd.f32 v7, v6;
	_ =	sdelay $0x1  }
0x198: {  	v6 =	vadd.f32 v8, v6;
	_ =	sdelay $0x1  }
0x199: {  	[tilespmem:s23+$0x440] =	vst v6  }
0x19a: {  	v6 =	vld [tilespmem:s20+$0x7450]  }
0x19b: {  	v7 =	vld [tilespmem:s21+$0x7450]  }
0x19c: {  	v8 =	vld [tilespmem:s22+$0x7450];
	_ =	sdelay $0x2  }
.Ltmp0:
0x19d: {  	(pc) =	sbr.rel @p1 .LBB2_3-.Ltmp0, $3  }
0x19e: {  	v6 =	vmul.f32 v6, v3;
	v7 =	vmul.f32 v7, v4;
	_ =	sdelay $0x1  }
0x19f: {  	v6 =	vadd.f32 v6, v7;
	v7 =	vmul.f32 v8, v5  }
0x1a0: {  	s26 =	sadd.s32 $0x180, s26  }
0x1a1: {  	v6 =	vadd.f32 v7, v6;
	_ =	sdelay $0x1  }
0x1a2: {  	[tilespmem:s23+$0x450] =	vst v6  }
0x1a3: {  	v6 =	vld [tilespmem:s21+$0x7460]  }
0x1a4: {  	v59 =	vld [tilespmem:s20+$0x7460];
	_ =	sdelay $0x1  }
0x1a5: {  	v8 =	vld [tilespmem:s22+$0x7460];
	_ =	sdelay $0x2  }
0x1a6: {  	v6 =	vmul.f32 v6, v4;
	v7 =	vmul.f32 v59, v3;
	_ =	sdelay $0x1  }
0x1a7: {  	v8 =	vmul.f32 v8, v5;
	v6 =	vadd.f32 v7, v6;
	_ =	sdelay $0x1  }
0x1a8: {  	v6 =	vadd.f32 v8, v6;
	_ =	sdelay $0x1  }
0x1a9: {  	[tilespmem:s23+$0x460] =	vst v6  }
0x1aa: {  	v6 =	vld [tilespmem:s21+$0x7470]  }
0x1ab: {  	v60 =	vld [tilespmem:s20+$0x7470];
	_ =	sdelay $0x1  }
0x1ac: {  	v61 =	vld [tilespmem:s22+$0x7470];
	_ =	sdelay $0x2  }
0x1ad: {  	v62 =	vmul.f32 v6, v4;
	v3 =	vmul.f32 v60, v3;
	_ =	sdelay $0x1  }
0x1ae: {  	p1 =	seq.s32 s17, $0xF;
	v63 =	vmul.f32 v61, v5;
	v3 =	vadd.f32 v3, v62  }
.Ltmp1:
0x1af: {  	_ = 	snop;
	(pc) =	sbr.rel @p1 .LBB2_6-.Ltmp1, $4  }
0x1b0: {  	v3 =	vadd.f32 v63, v3  }
0x1b1: {  	s0 =	sshll.u32 s17, $0xB  }
0x1b2: {  	s0 =	sadd.s32 s0, s8;
	[tilespmem:s23+$0x470] =	vst v3  }
0x1b3: {  	[hbm4b:s0+s3] =	stream.linear.scatter [tilespmem:s13], [sflag:$0x5], $0x2000, $0x38;
	[tilespmem:$0x17000] =	vst v63  }
0x1b4: {  	s19 =	sadd.s32 $0x2, s24  }
0x1b5: {  	s0 =	sshll.u32 s19, $0x7  }
0x1b6: {  	s0 =	sand.u32 $0x3FFFFF80, s0  }
0x1b7: {  	v3 =	vld [tilespmem:s0+$0x0];
	_ =	sdelay $0x4  }
0x1b8: {  	v4 =	vshll.u32 v3, $0x1  }
0x1b9: {  	v3 =	vand.u32 $0x7, v3;
	v4 =	vand.u32 $0xFFFFFFF0, v4  }
0x1ba: {  	v3 =	vor.u32 v3, v4  }
0x1bb: {  	v4 =	vperm.xlane v3, v0;
	_ =	sdelay $0x1  }
0x1bc: {  	v3 =	vperm.xlane v3, v2;
	v4 =	vadd.s32 v1, v4;
	_ =	sdelay $0x1  }
0x1bd: {  	v3 =	vadd.s32 v1, v3;
	_ =	sdelay $0x1  }
0x1be: {  	s1 =	simm.s32 $0x7000  }
0x1bf: {  	[tilespmem:s1], [sflag:$0x1] =	stream.indirect_vreg.gather [hbm4b:s2+s3], $0x80, v4, vm0, $0xb8;
	[tilespmem:$0x17000] =	vst v63  }
0x1c0: {  	s6 =	simm.s32 $0x7800  }
0x1c1: {  	[tilespmem:s6], [sflag:$0x1] =	stream.indirect_vreg.gather [hbm4b:s2+s3], $0x80, v3, vm0, $0xb8;
	[tilespmem:$0x17000] =	vst v63  }
0x1c2: {  	v3 =	vld [tilespmem:s0+$0x10];
	_ =	sdelay $0x4  }
0x1c3: {  	v59 =	vshll.u32 v3, $0x1  }
0x1c4: {  	v3 =	vand.u32 $0x7, v3;
	v4 =	vand.u32 $0xFFFFFFF0, v59  }
0x1c5: {  	v3 =	vor.u32 v3, v4  }
0x1c6: {  	v4 =	vperm.xlane v3, v0;
	_ =	sdelay $0x1  }
0x1c7: {  	v3 =	vperm.xlane v3, v2;
	v4 =	vadd.s32 v1, v4;
	_ =	sdelay $0x1  }
0x1c8: {  	v3 =	vadd.s32 v1, v3;
	_ =	sdelay $0x1  }
0x1c9: {  	s7 =	simm.s32 $0x8000  }
0x1ca: {  	[tilespmem:s7], [sflag:$0x1] =	stream.indirect_vreg.gather [hbm4b:s2+s3], $0x80, v4, vm0, $0xb8;
	[tilespmem:$0x17000] =	vst v63  }
0x1cb: {  	s20 =	simm.s32 $0x8800  }
0x1cc: {  	[tilespmem:s20], [sflag:$0x1] =	stream.indirect_vreg.gather [hbm4b:s2+s3], $0x80, v3, vm0, $0xb8;
	[tilespmem:$0x17000] =	vst v63  }
0x1cd: {  	v3 =	vld [tilespmem:s0+$0x20];
	_ =	sdelay $0x4  }
0x1ce: {  	v60 =	vshll.u32 v3, $0x1  }
0x1cf: {  	v3 =	vand.u32 $0x7, v3;
	v4 =	vand.u32 $0xFFFFFFF0, v60  }
0x1d0: {  	v3 =	vor.u32 v3, v4  }
0x1d1: {  	v4 =	vperm.xlane v3, v0;
	_ =	sdelay $0x1  }
0x1d2: {  	v3 =	vperm.xlane v3, v2;
	v4 =	vadd.s32 v1, v4;
	_ =	sdelay $0x1  }
0x1d3: {  	v3 =	vadd.s32 v1, v3;
	_ =	sdelay $0x1  }
0x1d4: {  	s21 =	simm.s32 $0x9000  }
0x1d5: {  	[tilespmem:s21], [sflag:$0x1] =	stream.indirect_vreg.gather [hbm4b:s2+s3], $0x80, v4, vm0, $0xb8;
	[tilespmem:$0x17000] =	vst v63  }
0x1d6: {  	s22 =	simm.s32 $0x9800  }
0x1d7: {  	[tilespmem:s22], [sflag:$0x1] =	stream.indirect_vreg.gather [hbm4b:s2+s3], $0x80, v3, vm0, $0xb8;
	[tilespmem:$0x17000] =	vst v63  }
0x1d8: {  	v3 =	vld [tilespmem:s0+$0x30];
	_ =	sdelay $0x4  }
0x1d9: {  	v61 =	vshll.u32 v3, $0x1  }
0x1da: {  	v3 =	vand.u32 $0x7, v3;
	v4 =	vand.u32 $0xFFFFFFF0, v61  }
0x1db: {  	v3 =	vor.u32 v3, v4  }
0x1dc: {  	v4 =	vperm.xlane v3, v0;
	_ =	sdelay $0x1  }
0x1dd: {  	v3 =	vperm.xlane v3, v2;
	v4 =	vadd.s32 v1, v4;
	_ =	sdelay $0x1  }
0x1de: {  	v3 =	vadd.s32 v1, v3;
	_ =	sdelay $0x1  }
0x1df: {  	s23 =	simm.s32 $0xA000  }
0x1e0: {  	[tilespmem:s23], [sflag:$0x1] =	stream.indirect_vreg.gather [hbm4b:s2+s3], $0x80, v4, vm0, $0xb8;
	[tilespmem:$0x17000] =	vst v63  }
0x1e1: {  	s24 =	simm.s32 $0xA800  }
0x1e2: {  	[tilespmem:s24], [sflag:$0x1] =	stream.indirect_vreg.gather [hbm4b:s2+s3], $0x80, v3, vm0, $0xb8;
	[tilespmem:$0x17000] =	vst v63  }
0x1e3: {  	v3 =	vld [tilespmem:s0+$0x40];
	_ =	sdelay $0x4  }
0x1e4: {  	v62 =	vshll.u32 v3, $0x1  }
0x1e5: {  	v3 =	vand.u32 $0x7, v3;
	v4 =	vand.u32 $0xFFFFFFF0, v62  }
0x1e6: {  	v3 =	vor.u32 v3, v4  }
0x1e7: {  	v4 =	vperm.xlane v3, v0;
	_ =	sdelay $0x1  }
0x1e8: {  	v3 =	vperm.xlane v3, v2;
	v4 =	vadd.s32 v1, v4;
	_ =	sdelay $0x1  }
0x1e9: {  	v3 =	vadd.s32 v1, v3;
	_ =	sdelay $0x1  }
0x1ea: {  	s25 =	simm.s32 $0xB000  }
0x1eb: {  	[tilespmem:s25], [sflag:$0x1] =	stream.indirect_vreg.gather [hbm4b:s2+s3], $0x80, v4, vm0, $0xb8;
	[tilespmem:$0x17000] =	vst v63  }
0x1ec: {  	s26 =	simm.s32 $0xB800  }
0x1ed: {  	[tilespmem:s26], [sflag:$0x1] =	stream.indirect_vreg.gather [hbm4b:s2+s3], $0x80, v3, vm0, $0xb8;
	[tilespmem:$0x17000] =	vst v63  }
0x1ee: {  	v3 =	vld [tilespmem:s0+$0x50];
	_ =	sdelay $0x4  }
0x1ef: {  	v63 =	vshll.u32 v3, $0x1  }
0x1f0: {  	v3 =	vand.u32 $0x7, v3;
	v4 =	vand.u32 $0xFFFFFFF0, v63  }
0x1f1: {  	v3 =	vor.u32 v3, v4  }
0x1f2: {  	v4 =	vperm.xlane v3, v0;
	_ =	sdelay $0x1  }
0x1f3: {  	v3 =	vperm.xlane v3, v2;
	v4 =	vadd.s32 v1, v4;
	_ =	sdelay $0x1  }
0x1f4: {  	v3 =	vadd.s32 v1, v3;
	_ =	sdelay $0x1  }
0x1f5: {  	s28 =	simm.s32 $0xC000;
	s29 =	sadd.s32 s5, s19  }
0x1f6: {  	[tilespmem:s28], [sflag:$0x1] =	stream.indirect_vreg.gather [hbm4b:s2+s3], $0x80, v4, vm0, $0xb8;
	[tilespmem:$0x17000] =	vst v63  }
0x1f7: {  	s30 =	simm.s32 $0xC800;
	s0 =	smul.u32 $0x600, s29  }
0x1f8: {  	[tilespmem:s30], [sflag:$0x1] =	stream.indirect_vreg.gather [hbm4b:s2+s3], $0x80, v3, vm0, $0xb8;
	[tilespmem:$0x17000] =	vst v63  }
0x1f9: {  	s31 =	simm.s32 $0x1000;
	s0 =	sadd.s32 s4, s0  }
0x1fa: {  	[tilespmem:s31], [sflag:$0x3] =	stream.linear.gather [hbm4b:s0+s3], $0x3000, $0x38;
	[tilespmem:$0x17000] =	vst v63  }
.LBB2_6:
0x1fb: {  	_ =	swait.ge [sflag:s14], $0x6000  }
0x1fc: {  	[sflag:s14] =	ssyncset.done $0x0  }
0x1fd: {  	[sflag:s14] =	ssyncadd.s32 $0xFFFFA000  }
0x1fe: {  	_ =	swait.ge [sflag:s15], $0x3000  }
0x1ff: {  	[sflag:s15] =	ssyncset.done $0x0  }
0x200: {  	s0 =	simm.s32 @!p0 $0x6;
	[sflag:s15] =	ssyncadd.s32 $0xFFFFD000  }
0x201: {  	s19 =	simm.s32 $0x0;
	s25 =	simm.s32 $0x4100;
	_ =	swait.ge @!p0 [sflag:s0], $0x2000  }
0x202: {  	s7 =	simm.s32 $0x100;
	s20 =	simm.s32 $0x80;
	[sflag:s0] =	ssyncset.done @!p0 $0x0  }
0x203: {  	s1 =	sand.u32 $0x7800, s19;
	s6 =	sand.u32 $0x380, s19;
	[sflag:s0] =	ssyncadd.s32 @!p0 $0xFFFFE000  }
0x204: {  	s7 =	sand.u32 $0xF800, s7;
	s20 =	sand.u32 $0x380, s20;
	s21 =	sor.u32 s6, s1;
	v3 =	vld [tilespmem:s25+$0xFFFFFF80]  }
0x205: {  	s26 =	simm.s32 $0x200;
	s29 =	simm.s32 $0x100;
	s20 =	sor.u32 s20, s7;
	v6 =	vld [tilespmem:s21+$0xD000]  }
0x206: {  	s6 =	sand.u32 $0x380, s29;
	s1 =	sand.u32 $0xF800, s26;
	v7 =	vld [tilespmem:s20+$0xD000]  }
0x207: {  	s22 =	sor.u32 s6, s1;
	v4 =	vld [tilespmem:s25+$0xFFFFFF00]  }
0x208: {  	v8 =	vld [tilespmem:s22+$0xD000]  }
0x209: {  	v5 =	vld [tilespmem:s25+$0x0];
	_ =	sdelay $0x2  }
0x20a: {  	v6 =	vmul.f32 v6, v4;
	v7 =	vmul.f32 v7, v3;
	_ =	sdelay $0x1  }
0x20b: {  	v6 =	vadd.f32 v7, v6;
	v7 =	vmul.f32 v8, v5  }
0x20c: {  	s30 =	sand.u32 $0x1800, s19;
	s31 =	sand.u32 $0x380, s19  }
0x20d: {  	s0 =	sor.u32 s31, s30;
	v6 =	vadd.f32 v7, v6  }
0x20e: {  	s23 =	sadd.s32 $0x13000, s0  }
0x20f: {  	[tilespmem:s23+$0x2000] =	vst v6  }
0x210: {  	v6 =	vld [tilespmem:s21+$0xD010]  }
0x211: {  	v7 =	vld [tilespmem:s20+$0xD010];
	_ =	sdelay $0x1  }
0x212: {  	v8 =	vld [tilespmem:s22+$0xD010];
	_ =	sdelay $0x2  }
0x213: {  	v6 =	vmul.f32 v6, v4;
	v7 =	vmul.f32 v7, v3;
	_ =	sdelay $0x1  }
0x214: {  	v6 =	vadd.f32 v7, v6;
	v7 =	vmul.f32 v8, v5;
	_ =	sdelay $0x1  }
0x215: {  	v6 =	vadd.f32 v7, v6;
	_ =	sdelay $0x1  }
0x216: {  	[tilespmem:s23+$0x2010] =	vst v6  }
0x217: {  	v6 =	vld [tilespmem:s21+$0xD020]  }
0x218: {  	v7 =	vld [tilespmem:s20+$0xD020];
	_ =	sdelay $0x1  }
0x219: {  	v8 =	vld [tilespmem:s22+$0xD020];
	_ =	sdelay $0x2  }
0x21a: {  	v6 =	vmul.f32 v6, v4;
	v7 =	vmul.f32 v7, v3;
	_ =	sdelay $0x1  }
0x21b: {  	v6 =	vadd.f32 v7, v6;
	v7 =	vmul.f32 v8, v5;
	_ =	sdelay $0x1  }
0x21c: {  	v6 =	vadd.f32 v7, v6;
	_ =	sdelay $0x1  }
0x21d: {  	[tilespmem:s23+$0x2020] =	vst v6  }
0x21e: {  	v6 =	vld [tilespmem:s21+$0xD030]  }
0x21f: {  	v7 =	vld [tilespmem:s20+$0xD030];
	_ =	sdelay $0x1  }
0x220: {  	v8 =	vld [tilespmem:s22+$0xD030];
	_ =	sdelay $0x2  }
0x221: {  	v6 =	vmul.f32 v6, v4;
	v7 =	vmul.f32 v7, v3;
	_ =	sdelay $0x1  }
0x222: {  	v8 =	vmul.f32 v8, v5;
	v6 =	vadd.f32 v7, v6;
	_ =	sdelay $0x1  }
0x223: {  	v6 =	vadd.f32 v8, v6;
	_ =	sdelay $0x1  }
0x224: {  	[tilespmem:s23+$0x2030] =	vst v6  }
0x225: {  	v6 =	vld [tilespmem:s21+$0xD040]  }
0x226: {  	v7 =	vld [tilespmem:s20+$0xD040];
	_ =	sdelay $0x1  }
0x227: {  	v8 =	vld [tilespmem:s22+$0xD040];
	_ =	sdelay $0x2  }
0x228: {  	v6 =	vmul.f32 v6, v4;
	v7 =	vmul.f32 v7, v3;
	_ =	sdelay $0x1  }
0x229: {  	v8 =	vmul.f32 v8, v5;
	v6 =	vadd.f32 v7, v6;
	_ =	sdelay $0x1  }
0x22a: {  	v6 =	vadd.f32 v8, v6;
	_ =	sdelay $0x1  }
0x22b: {  	[tilespmem:s23+$0x2040] =	vst v6  }
0x22c: {  	v6 =	vld [tilespmem:s20+$0xD050]  }
0x22d: {  	v7 =	vld [tilespmem:s21+$0xD050];
	_ =	sdelay $0x1  }
0x22e: {  	v8 =	vld [tilespmem:s22+$0xD050];
	_ =	sdelay $0x2  }
0x22f: {  	v6 =	vmul.f32 v6, v3;
	v7 =	vmul.f32 v7, v4;
	_ =	sdelay $0x1  }
0x230: {  	v8 =	vmul.f32 v8, v5;
	v6 =	vadd.f32 v6, v7;
	_ =	sdelay $0x1  }
0x231: {  	v6 =	vadd.f32 v8, v6;
	_ =	sdelay $0x1  }
0x232: {  	[tilespmem:s23+$0x2050] =	vst v6  }
0x233: {  	v6 =	vld [tilespmem:s21+$0xD060]  }
0x234: {  	v7 =	vld [tilespmem:s20+$0xD060];
	_ =	sdelay $0x1  }
0x235: {  	v8 =	vld [tilespmem:s22+$0xD060];
	_ =	sdelay $0x2  }
0x236: {  	v6 =	vmul.f32 v6, v4;
	v7 =	vmul.f32 v7, v3;
	_ =	sdelay $0x1  }
0x237: {  	v8 =	vmul.f32 v8, v5;
	v6 =	vadd.f32 v7, v6;
	_ =	sdelay $0x1  }
0x238: {  	v6 =	vadd.f32 v8, v6;
	_ =	sdelay $0x1  }
0x239: {  	[tilespmem:s23+$0x2060] =	vst v6  }
0x23a: {  	v6 =	vld [tilespmem:s21+$0xD070]  }
0x23b: {  	v7 =	vld [tilespmem:s20+$0xD070];
	_ =	sdelay $0x1  }
0x23c: {  	v8 =	vld [tilespmem:s22+$0xD070];
	_ =	sdelay $0x2  }
0x23d: {  	v6 =	vmul.f32 v6, v4;
	v7 =	vmul.f32 v7, v3;
	_ =	sdelay $0x1  }
0x23e: {  	v8 =	vmul.f32 v8, v5;
	v6 =	vadd.f32 v7, v6;
	_ =	sdelay $0x1  }
0x23f: {  	v6 =	vadd.f32 v8, v6;
	_ =	sdelay $0x1  }
0x240: {  	[tilespmem:s23+$0x2070] =	vst v6  }
0x241: {  	v6 =	vld [tilespmem:s21+$0xD400]  }
0x242: {  	v7 =	vld [tilespmem:s20+$0xD400];
	_ =	sdelay $0x1  }
0x243: {  	v8 =	vld [tilespmem:s22+$0xD400];
	_ =	sdelay $0x2  }
0x244: {  	v6 =	vmul.f32 v6, v4;
	v7 =	vmul.f32 v7, v3;
	_ =	sdelay $0x1  }
0x245: {  	v8 =	vmul.f32 v8, v5;
	v6 =	vadd.f32 v7, v6;
	_ =	sdelay $0x1  }
0x246: {  	v6 =	vadd.f32 v8, v6;
	_ =	sdelay $0x1  }
0x247: {  	[tilespmem:s23+$0x2400] =	vst v6  }
0x248: {  	v6 =	vld [tilespmem:s21+$0xD410]  }
0x249: {  	v7 =	vld [tilespmem:s20+$0xD410];
	_ =	sdelay $0x1  }
0x24a: {  	v8 =	vld [tilespmem:s22+$0xD410];
	_ =	sdelay $0x2  }
0x24b: {  	v6 =	vmul.f32 v6, v4;
	v7 =	vmul.f32 v7, v3;
	_ =	sdelay $0x1  }
0x24c: {  	v6 =	vadd.f32 v7, v6;
	v7 =	vmul.f32 v8, v5;
	_ =	sdelay $0x1  }
0x24d: {  	v6 =	vadd.f32 v7, v6;
	_ =	sdelay $0x1  }
0x24e: {  	[tilespmem:s23+$0x2410] =	vst v6  }
0x24f: {  	v6 =	vld [tilespmem:s21+$0xD420]  }
0x250: {  	v7 =	vld [tilespmem:s20+$0xD420];
	_ =	sdelay $0x1  }
0x251: {  	v8 =	vld [tilespmem:s22+$0xD420];
	_ =	sdelay $0x2  }
0x252: {  	v6 =	vmul.f32 v6, v4;
	v7 =	vmul.f32 v7, v3;
	_ =	sdelay $0x1  }
0x253: {  	v8 =	vmul.f32 v8, v5;
	v6 =	vadd.f32 v7, v6;
	_ =	sdelay $0x1  }
0x254: {  	v6 =	vadd.f32 v8, v6;
	_ =	sdelay $0x1  }
0x255: {  	[tilespmem:s23+$0x2420] =	vst v6  }
0x256: {  	v6 =	vld [tilespmem:s21+$0xD430]  }
0x257: {  	v7 =	vld [tilespmem:s20+$0xD430];
	_ =	sdelay $0x1  }
0x258: {  	v8 =	vld [tilespmem:s22+$0xD430];
	_ =	sdelay $0x2  }
0x259: {  	v6 =	vmul.f32 v6, v4;
	v7 =	vmul.f32 v7, v3;
	_ =	sdelay $0x1  }
0x25a: {  	v8 =	vmul.f32 v8, v5;
	v6 =	vadd.f32 v7, v6;
	_ =	sdelay $0x1  }
0x25b: {  	v6 =	vadd.f32 v8, v6;
	_ =	sdelay $0x1  }
0x25c: {  	[tilespmem:s23+$0x2430] =	vst v6  }
0x25d: {  	v6 =	vld [tilespmem:s21+$0xD440]  }
0x25e: {  	v7 =	vld [tilespmem:s20+$0xD440];
	_ =	sdelay $0x1  }
0x25f: {  	v8 =	vld [tilespmem:s22+$0xD440];
	_ =	sdelay $0x2  }
0x260: {  	v6 =	vmul.f32 v6, v4;
	v7 =	vmul.f32 v7, v3;
	_ =	sdelay $0x1  }
0x261: {  	v8 =	vmul.f32 v8, v5;
	v6 =	vadd.f32 v7, v6;
	_ =	sdelay $0x1  }
0x262: {  	v6 =	vadd.f32 v8, v6;
	_ =	sdelay $0x1  }
0x263: {  	[tilespmem:s23+$0x2440] =	vst v6  }
0x264: {  	v6 =	vld [tilespmem:s20+$0xD450]  }
0x265: {  	v7 =	vld [tilespmem:s21+$0xD450];
	_ =	sdelay $0x1  }
0x266: {  	v8 =	vld [tilespmem:s22+$0xD450];
	_ =	sdelay $0x2  }
0x267: {  	v7 =	vmul.f32 v7, v4;
	v6 =	vmul.f32 v6, v3;
	_ =	sdelay $0x1  }
0x268: {  	s24 =	simm.s32 $0x180;
	v6 =	vadd.f32 v6, v7;
	v7 =	vmul.f32 v8, v5  }
0x269: {  	s28 =	simm.s32 $0x0;
	s26 =	simm.s32 $0x0;
	s25 =	simm.s32 $0x4280  }
.LBB2_7:
0x26a: {  	v6 =	vadd.f32 v7, v6;
	s19 =	sadd.s32 $0x80, s19;
	s26 =	sadd.s32 $0x100, s26;
	s28 =	sadd.s32 $0x300, s28  }
0x26b: {  	p0 =	sne.s32 s24, $0x2E80;
	s0 =	smov.u32 s24;
	s24 =	sadd.s32 $0x180, s24  }
0x26c: {  	[tilespmem:s23+$0x2450] =	vst v6  }
0x26d: {  	v6 =	vld [tilespmem:s21+$0xD460]  }
0x26e: {  	v7 =	vld [tilespmem:s20+$0xD460]  }
0x26f: {  	v8 =	vld [tilespmem:s22+$0xD460];
	_ =	sdelay $0x2  }
0x270: {  	v6 =	vmul.f32 v6, v4  }
0x271: {  	v7 =	vmul.f32 v7, v3  }
0x272: {  	v8 =	vmul.f32 v8, v5  }
0x273: {  	v6 =	vadd.f32 v7, v6;
	_ =	sdelay $0x1  }
0x274: {  	v6 =	vadd.f32 v8, v6  }
0x275: {  	s1 =	sadd.s32 $0x200, s28;
	s6 =	sadd.s32 $0x100, s0  }
0x276: {  	s7 =	sand.u32 $0x7800, s28;
	s29 =	sand.u32 $0x380, s0;
	s6 =	sand.u32 $0x380, s6;
	[tilespmem:s23+$0x2460] =	vst v6  }
0x277: {  	s30 =	sadd.s32 $0x100, s28;
	s0 =	sadd.s32 $0x80, s0;
	s1 =	sand.u32 $0xF800, s1;
	v6 =	vld [tilespmem:s21+$0xD470]  }
0x278: {  	s30 =	sand.u32 $0xF800, s30;
	s0 =	sand.u32 $0x380, s0;
	s1 =	sor.u32 s6, s1;
	v7 =	vld [tilespmem:s20+$0xD470]  }
0x279: {  	s21 =	sor.u32 s29, s7;
	s20 =	sor.u32 s0, s30;
	v8 =	vld [tilespmem:s22+$0xD470];
	s22 =	smov.u32 s1  }
0x27a: {  	_ =	sdelay $0x1  }
0x27b: {  	v4 =	vmul.f32 v6, v4  }
0x27c: {  	v3 =	vmul.f32 v7, v3  }
0x27d: {  	v5 =	vmul.f32 v8, v5  }
0x27e: {  	v3 =	vadd.f32 v3, v4;
	_ =	sdelay $0x1  }
0x27f: {  	v3 =	vadd.f32 v5, v3;
	_ =	sdelay $0x1  }
0x280: {  	[tilespmem:s23+$0x2470] =	vst v3  }
0x281: {  	v3 =	vld [tilespmem:s25+$0xFFFFFF80]  }
0x282: {  	v6 =	vld [tilespmem:s21+$0xD000]  }
0x283: {  	v7 =	vld [tilespmem:s20+$0xD000]  }
0x284: {  	v4 =	vld [tilespmem:s25+$0xFFFFFF00]  }
0x285: {  	v8 =	vld [tilespmem:s22+$0xD000]  }
0x286: {  	v5 =	vld [tilespmem:s25+$0x0];
	_ =	sdelay $0x2  }
0x287: {  	v7 =	vmul.f32 v7, v3;
	v6 =	vmul.f32 v6, v4;
	_ =	sdelay $0x1  }
0x288: {  	v6 =	vadd.f32 v7, v6;
	v7 =	vmul.f32 v8, v5  }
0x289: {  	s0 =	sand.u32 $0x1800, s26;
	s1 =	sand.u32 $0x380, s19  }
0x28a: {  	s0 =	sor.u32 s1, s0;
	v6 =	vadd.f32 v7, v6  }
0x28b: {  	s23 =	sadd.s32 $0x13000, s0  }
0x28c: {  	[tilespmem:s23+$0x2000] =	vst v6  }
0x28d: {  	v6 =	vld [tilespmem:s21+$0xD010]  }
0x28e: {  	v7 =	vld [tilespmem:s20+$0xD010];
	_ =	sdelay $0x1  }
0x28f: {  	v8 =	vld [tilespmem:s22+$0xD010];
	_ =	sdelay $0x1  }
0x290: {  	v6 =	vmul.f32 v6, v4  }
0x291: {  	v7 =	vmul.f32 v7, v3;
	_ =	sdelay $0x1  }
0x292: {  	v6 =	vadd.f32 v7, v6;
	v7 =	vmul.f32 v8, v5;
	_ =	sdelay $0x1  }
0x293: {  	v6 =	vadd.f32 v7, v6;
	_ =	sdelay $0x1  }
0x294: {  	[tilespmem:s23+$0x2010] =	vst v6  }
0x295: {  	v6 =	vld [tilespmem:s21+$0xD020]  }
0x296: {  	v7 =	vld [tilespmem:s20+$0xD020];
	_ =	sdelay $0x1  }
0x297: {  	v8 =	vld [tilespmem:s22+$0xD020];
	_ =	sdelay $0x1  }
0x298: {  	v6 =	vmul.f32 v6, v4  }
0x299: {  	v7 =	vmul.f32 v7, v3;
	_ =	sdelay $0x1  }
0x29a: {  	v6 =	vadd.f32 v7, v6;
	v7 =	vmul.f32 v8, v5;
	_ =	sdelay $0x1  }
0x29b: {  	v6 =	vadd.f32 v7, v6;
	_ =	sdelay $0x1  }
0x29c: {  	[tilespmem:s23+$0x2020] =	vst v6  }
0x29d: {  	v6 =	vld [tilespmem:s21+$0xD030]  }
0x29e: {  	v7 =	vld [tilespmem:s20+$0xD030]  }
0x29f: {  	v8 =	vld [tilespmem:s22+$0xD030];
	_ =	sdelay $0x2  }
0x2a0: {  	v6 =	vmul.f32 v6, v4  }
0x2a1: {  	v7 =	vmul.f32 v7, v3  }
0x2a2: {  	v8 =	vmul.f32 v8, v5  }
0x2a3: {  	v6 =	vadd.f32 v7, v6;
	_ =	sdelay $0x1  }
0x2a4: {  	v6 =	vadd.f32 v8, v6;
	_ =	sdelay $0x1  }
0x2a5: {  	[tilespmem:s23+$0x2030] =	vst v6  }
0x2a6: {  	v6 =	vld [tilespmem:s21+$0xD040]  }
0x2a7: {  	v7 =	vld [tilespmem:s20+$0xD040]  }
0x2a8: {  	v8 =	vld [tilespmem:s22+$0xD040];
	_ =	sdelay $0x2  }
0x2a9: {  	v6 =	vmul.f32 v6, v4  }
0x2aa: {  	v7 =	vmul.f32 v7, v3  }
0x2ab: {  	v8 =	vmul.f32 v8, v5  }
0x2ac: {  	v6 =	vadd.f32 v7, v6;
	_ =	sdelay $0x1  }
0x2ad: {  	v6 =	vadd.f32 v8, v6;
	_ =	sdelay $0x1  }
0x2ae: {  	[tilespmem:s23+$0x2040] =	vst v6  }
0x2af: {  	v6 =	vld [tilespmem:s20+$0xD050]  }
0x2b0: {  	v7 =	vld [tilespmem:s21+$0xD050]  }
0x2b1: {  	v8 =	vld [tilespmem:s22+$0xD050];
	_ =	sdelay $0x2  }
0x2b2: {  	v6 =	vmul.f32 v6, v3  }
0x2b3: {  	v7 =	vmul.f32 v7, v4  }
0x2b4: {  	v8 =	vmul.f32 v8, v5  }
0x2b5: {  	v6 =	vadd.f32 v6, v7;
	_ =	sdelay $0x1  }
0x2b6: {  	v6 =	vadd.f32 v8, v6;
	_ =	sdelay $0x1  }
0x2b7: {  	[tilespmem:s23+$0x2050] =	vst v6  }
0x2b8: {  	v6 =	vld [tilespmem:s21+$0xD060]  }
0x2b9: {  	v7 =	vld [tilespmem:s20+$0xD060]  }
0x2ba: {  	v8 =	vld [tilespmem:s22+$0xD060];
	_ =	sdelay $0x2  }
0x2bb: {  	v6 =	vmul.f32 v6, v4  }
0x2bc: {  	v7 =	vmul.f32 v7, v3  }
0x2bd: {  	v8 =	vmul.f32 v8, v5  }
0x2be: {  	v6 =	vadd.f32 v7, v6;
	_ =	sdelay $0x1  }
0x2bf: {  	v6 =	vadd.f32 v8, v6;
	_ =	sdelay $0x1  }
0x2c0: {  	[tilespmem:s23+$0x2060] =	vst v6  }
0x2c1: {  	v6 =	vld [tilespmem:s21+$0xD070]  }
0x2c2: {  	v7 =	vld [tilespmem:s20+$0xD070]  }
0x2c3: {  	v8 =	vld [tilespmem:s22+$0xD070];
	_ =	sdelay $0x2  }
0x2c4: {  	v6 =	vmul.f32 v6, v4  }
0x2c5: {  	v7 =	vmul.f32 v7, v3  }
0x2c6: {  	v8 =	vmul.f32 v8, v5  }
0x2c7: {  	v6 =	vadd.f32 v7, v6;
	_ =	sdelay $0x1  }
0x2c8: {  	v6 =	vadd.f32 v8, v6;
	_ =	sdelay $0x1  }
0x2c9: {  	[tilespmem:s23+$0x2070] =	vst v6  }
0x2ca: {  	v6 =	vld [tilespmem:s21+$0xD400]  }
0x2cb: {  	v7 =	vld [tilespmem:s20+$0xD400]  }
0x2cc: {  	v8 =	vld [tilespmem:s22+$0xD400];
	_ =	sdelay $0x2  }
0x2cd: {  	v6 =	vmul.f32 v6, v4  }
0x2ce: {  	v7 =	vmul.f32 v7, v3  }
0x2cf: {  	v8 =	vmul.f32 v8, v5  }
0x2d0: {  	v6 =	vadd.f32 v7, v6;
	_ =	sdelay $0x1  }
0x2d1: {  	v6 =	vadd.f32 v8, v6;
	_ =	sdelay $0x1  }
0x2d2: {  	[tilespmem:s23+$0x2400] =	vst v6  }
0x2d3: {  	v6 =	vld [tilespmem:s21+$0xD410]  }
0x2d4: {  	v7 =	vld [tilespmem:s20+$0xD410]  }
0x2d5: {  	v8 =	vld [tilespmem:s22+$0xD410];
	_ =	sdelay $0x2  }
0x2d6: {  	v6 =	vmul.f32 v6, v4  }
0x2d7: {  	v7 =	vmul.f32 v7, v3;
	_ =	sdelay $0x1  }
0x2d8: {  	v6 =	vadd.f32 v7, v6;
	v7 =	vmul.f32 v8, v5;
	_ =	sdelay $0x1  }
0x2d9: {  	v6 =	vadd.f32 v7, v6;
	_ =	sdelay $0x1  }
0x2da: {  	[tilespmem:s23+$0x2410] =	vst v6  }
0x2db: {  	v6 =	vld [tilespmem:s21+$0xD420]  }
0x2dc: {  	v7 =	vld [tilespmem:s20+$0xD420]  }
0x2dd: {  	v8 =	vld [tilespmem:s22+$0xD420];
	_ =	sdelay $0x2  }
0x2de: {  	v6 =	vmul.f32 v6, v4  }
0x2df: {  	v7 =	vmul.f32 v7, v3  }
0x2e0: {  	v8 =	vmul.f32 v8, v5  }
0x2e1: {  	v6 =	vadd.f32 v7, v6;
	_ =	sdelay $0x1  }
0x2e2: {  	v6 =	vadd.f32 v8, v6;
	_ =	sdelay $0x1  }
0x2e3: {  	[tilespmem:s23+$0x2420] =	vst v6  }
0x2e4: {  	v6 =	vld [tilespmem:s21+$0xD430]  }
0x2e5: {  	v7 =	vld [tilespmem:s20+$0xD430]  }
0x2e6: {  	v8 =	vld [tilespmem:s22+$0xD430];
	_ =	sdelay $0x2  }
0x2e7: {  	v6 =	vmul.f32 v6, v4  }
0x2e8: {  	v7 =	vmul.f32 v7, v3  }
0x2e9: {  	v8 =	vmul.f32 v8, v5  }
0x2ea: {  	v6 =	vadd.f32 v7, v6;
	_ =	sdelay $0x1  }
0x2eb: {  	v6 =	vadd.f32 v8, v6;
	_ =	sdelay $0x1  }
0x2ec: {  	[tilespmem:s23+$0x2430] =	vst v6  }
0x2ed: {  	v6 =	vld [tilespmem:s21+$0xD440]  }
0x2ee: {  	v7 =	vld [tilespmem:s20+$0xD440]  }
0x2ef: {  	v8 =	vld [tilespmem:s22+$0xD440];
	_ =	sdelay $0x2  }
0x2f0: {  	v6 =	vmul.f32 v6, v4  }
0x2f1: {  	v7 =	vmul.f32 v7, v3  }
0x2f2: {  	v8 =	vmul.f32 v8, v5  }
0x2f3: {  	v6 =	vadd.f32 v7, v6;
	_ =	sdelay $0x1  }
0x2f4: {  	v6 =	vadd.f32 v8, v6;
	_ =	sdelay $0x1  }
0x2f5: {  	[tilespmem:s23+$0x2440] =	vst v6  }
0x2f6: {  	v6 =	vld [tilespmem:s20+$0xD450]  }
0x2f7: {  	v7 =	vld [tilespmem:s21+$0xD450]  }
0x2f8: {  	v8 =	vld [tilespmem:s22+$0xD450];
	_ =	sdelay $0x2  }
.Ltmp2:
0x2f9: {  	(pc) =	sbr.rel @p0 .LBB2_7-.Ltmp2, $3  }
0x2fa: {  	v6 =	vmul.f32 v6, v3;
	v7 =	vmul.f32 v7, v4;
	_ =	sdelay $0x1  }
0x2fb: {  	v6 =	vadd.f32 v6, v7;
	v7 =	vmul.f32 v8, v5  }
0x2fc: {  	s25 =	sadd.s32 $0x180, s25  }
0x2fd: {  	v6 =	vadd.f32 v7, v6;
	_ =	sdelay $0x1  }
0x2fe: {  	[tilespmem:s23+$0x2450] =	vst v6  }
0x2ff: {  	v6 =	vld [tilespmem:s21+$0xD460]  }
0x300: {  	v59 =	vld [tilespmem:s20+$0xD460];
	_ =	sdelay $0x1  }
0x301: {  	v8 =	vld [tilespmem:s22+$0xD460];
	_ =	sdelay $0x2  }
0x302: {  	v6 =	vmul.f32 v6, v4;
	v7 =	vmul.f32 v59, v3;
	_ =	sdelay $0x1  }
0x303: {  	v8 =	vmul.f32 v8, v5;
	v6 =	vadd.f32 v7, v6;
	_ =	sdelay $0x1  }
0x304: {  	v6 =	vadd.f32 v8, v6;
	_ =	sdelay $0x1  }
0x305: {  	[tilespmem:s23+$0x2460] =	vst v6  }
0x306: {  	v6 =	vld [tilespmem:s21+$0xD470]  }
0x307: {  	v60 =	vld [tilespmem:s20+$0xD470];
	_ =	sdelay $0x1  }
0x308: {  	v61 =	vld [tilespmem:s22+$0xD470];
	_ =	sdelay $0x2  }
0x309: {  	v62 =	vmul.f32 v6, v4;
	v3 =	vmul.f32 v60, v3  }
0x30a: {  	s17 =	sadd.s32 $0x1, s17  }
0x30b: {  	p0 =	sne.s32 s17, $0x10;
	v63 =	vmul.f32 v61, v5;
	v3 =	vadd.f32 v3, v62  }
.Ltmp3:
0x30c: {  	_ = 	snop;
	(pc) =	sbr.rel @p0 .LBB2_2-.Ltmp3, $4  }
0x30d: {  	v3 =	vadd.f32 v63, v3  }
0x30e: {  	s0 =	sshll.u32 s18, $0xA  }
0x30f: {  	s0 =	sadd.s32 s0, s8;
	[tilespmem:s23+$0x2470] =	vst v3  }
0x310: {  	[hbm4b:s0+s3] =	stream.linear.scatter [tilespmem:s16], [sflag:$0x6], $0x2000, $0x38;
	[tilespmem:$0x17000] =	vst v63  }
0x311: {  	s0 =	simm.s32 $0x5  }
0x312: {  	_ =	swait.ge [sflag:s0], $0x2000  }
0x313: {  	[sflag:s0] =	ssyncset.done $0x0  }
0x314: {  	s1 =	simm.s32 $0x6;
	[sflag:s0] =	ssyncadd.s32 $0xFFFFE000  }
0x315: {  	_ =	swait.ge [sflag:s1], $0x2000  }
0x316: {  	s6 =	rddreg [dreg:$0x6]  }
0x317: {  	s31 =	rddreg [dreg:$0x5];
	s6 =	sadd.s32 $0x1, s6  }
0x318: {  	p0 =	sne.s32 s6, s31  }
.Ltmp4:
0x319: {  	_ = 	snop;
	(pc) =	sbr.rel @p0 .LBB2_1-.Ltmp4, $3  }
0x31a: {  	_ =	sdelay $0x1  }
0x31b: {  	[sflag:s1] =	ssyncset.done $0x0  }
0x31c: {  	[sflag:s1] =	ssyncadd.s32 $0xFFFFE000  }
0x31d: {  	_ =	sfence.sel $0x180000  }
0x31e: {  	[bflag:$0x0] =	sbarrier.arrive $0xFFFF  }
0x31f: {  	_ =	strace $0x90000047  }
0x320: {  	s0 =	stileid.u32;
	[bflag:$0x2] =	sbarrier.arrive $0xFFFF  }
0x321: {  	p0 =	sne.s32 s0, $0x0;
	s0 =	rddreg [dreg:$0x2]  }
0x322: {  	s0 =	sadd.s32 @!p0 $0x100000, s0  }
0x323: {  	[sflag:s0] =	ssyncadd.tile.s32 @!p0 $0x1;
	_ =	shalt  }
.Lfunc_end2:
_tile_overlayer_lowered:
.L_overlay_start_2:
0x324: {  	(tag) =	ssettag $0x2  }
0x325: {  	s0 =	rddreg [dreg:$0x0];
	s2 =	stileid.u32  }
0x326: {  	s1 =	rddreg [dreg:$0x1];
	p0 =	sne.s32 s2, $0x0  }
0x327: {  	s3 =	rddreg [dreg:$0x2];
	[bflag:$0x3] =	sbarrier.arrive $0xFFFF;
	s2 =	simm.s32 @!p0 $0x1C07  }
0x328: {  	[timem:s3], [sflag:s2] =	dma.local @!p0 [hbm:s0], s1  }
0x329: {  	s0 =	simm.s32 @!p0 $0x7  }
0x32a: {  	_ =	swait.ge @!p0 [sflag:s0], s1  }
0x32b: {  	s1 =	ssub.s32 @!p0 $0x0, s1;
	[sflag:s0] =	ssyncset.done @!p0 $0x0  }
0x32c: {  	[sflag:s0] =	ssyncadd.s32 @!p0 s1  }
0x32d: {  	[bflag:$0x3] =	sbarrier.arrive $0xFFFF  }
0x32e: {  	_ =	shalt  }

// kernel: sparse-core-data-format-call.cloned.1.call-start
scs
called_computation_lowered:
.L_overlay_start_0:
0x0: {  	s2 =	sld [smem:$0x3FD9]  }
0x1: {  	s3 =	sld [smem:$0x3FFE];
	_ =	sdelay $0x1  }
0x2: {  	s1 =	srdreg.scid  }
0x3: {  	s0 =	sand.u32 $0x1, s1  }
0x4: {  	s18 =	sshll.u32 s0, $0xA;
	s2 =	sadd.s32 s3, s2  }
0x5: {  	s2 =	sadd.s32 s2, s18  }
0x6: {  	[smem:$0x3FC5] =	sst s2  }
0x7: {  	_ = 	snop  }
0x8: {  	s2 =	sld [smem:$0x3FD0];
	(tm) =	ssettm $0x1  }
0x9: {  	s19 =	sld [smem:$0x3FFB];
	_ =	sdelay $0x3  }
0xa: {  	_ =	strace s19  }
0xb: {  	s3 =	sld [smem:$0x3FFC];
	_ =	sdelay $0x3  }
0xc: {  	_ =	strace s3  }
0xd: {  	s3 =	sld [smem:$0x3FFD];
	_ =	sdelay $0x3  }
0xe: {  	_ =	strace s3  }
0xf: {  	_ =	strace $0x8FFFFFFF  }
0x10: {  	s20 =	sld [smem:$0x3FDB];
	_ =	sdelay $0x1  }
0x11: {  	s4 =	simm.s32 $_scs_section_size  }
0x12: {  	s5 =	simm.s32 $_size__tile_overlayer_lowered;
	s6 =	simm.s32 $_tile_overlayer_lowered  }
0x13: {  	s23 =	simm.s32 $0x1BFF;
	s22 =	sshll.u32 s6, $0x1;
	s3 =	sadd.s32 s4, s20  }
0x14: {  	s7 =	simm.s32 $0x0;
	s21 =	sshll.u32 s5, $0x1;
	s5 =	sadd.s32 s22, s3  }
0x15: {  	[timem:s7], [sflag:s23] =	dma.local [hbm:s5], s21  }
0x16: {  	_ =	swait.ge [sflag:s23], s21  }
0x17: {  	s4 =	ssub.s32 $0x0, s21;
	[sflag:s23] =	ssyncset.done $0x0  }
0x18: {  	[sflag:s23] =	ssyncadd.s32 s4;
	_ =	sdelay $0x1  }
0x19: {  	s24 =	simm.s32 $0x1B8B  }
0x1a: {  	_ =	swait.ge [sflag:s24], $0x1  }
0x1b: {  	[sflag:s24] =	ssyncset.done $0x0  }
0x1c: {  	s26 =	simm.s32 $0x1B8E;
	s25 =	sld [smem:$0x3FFE];
	[sflag:s24] =	ssyncadd.s32 $0xFFFFFFFF  }
0x1d: {  	s27 =	simm.s32 $execute0_lowered;
	[smem:$0x3FD2] =	sst s26  }
0x1e: {  	s5 =	sshll.u32 s27, $0x1;
	_ =	strace $0x80000049;
	[dreg:$0x1] =	wrdreg $0xFFFFFFFF  }
0x1f: {  	s28 =	simm.s32 $_size_execute0_lowered;
	s3 =	sadd.s32 s3, s5;
	[dreg:$0x0] =	wrdreg $0x0  }
0x20: {  	s5 =	sshll.u32 s28, $0x1;
	[dreg:$0x2] =	wrdreg s3  }
0x21: {  	[dreg:$0x3] =	wrdreg s5  }
0x22: {  	[dreg:$0x4] =	wrdreg $0xC0  }
0x23: {  	_ =	task [dreg:s7], $0x5FFFF  }
0x24: {  	[dreg:$0x1] =	wrdreg $0xFFFFFFFF  }
0x25: {  	[dreg:$0x0] =	wrdreg $0x60  }
0x26: {  	[dreg:$0x2] =	wrdreg s25  }
0x27: {  	[dreg:$0x3] =	wrdreg s2  }
0x28: {  	[dreg:$0x4] =	wrdreg $0x9  }
0x29: {  	_ =	task.clear_ibuf [dreg:s7], $0x5FFFF;
	_ =	strace $0x90000049  }
0x2a: {  	s29 =	simm.s32 $0x9;
	_ =	strace $0x8000004B  }
0x2b: {  	_ =	swait.ge [sflag:s29], $0x1  }
0x2c: {  	[sflag:s29] =	ssyncadd.s32 $0xFFFFFFFF  }
0x2d: {  	_ =	strace $0x9000004B  }
0x2e: {  	_ =	sfence  }
0x2f: {  	s30 =	sld [smem:$0x0];
	_ =	sdelay $0x2  }
0x30: {  	s31 =	sshll.u32 s1, $0xD;
	s1 =	sshrl.u32 s1, $0x2  }
0x31: {  	s3 =	sand.u32 $0x4000, s31;
	s1 =	sadd.s32 s1, s30  }
0x32: {  	s0 =	sor.u32 s3, s0;
	s1 =	sshll.u32 s1, $0x11  }
0x33: {  	s0 =	sor.u32 s1, s0  }
0x34: {  	s0 =	sadd.s32 $0x8F2B, s0  }
0x35: {  	[sflag:s0] =	ssyncadd.remote.s32 $0x1  }
0x36: {  	_ =	sfence.sel $0xFFFF  }
0x37: {  	[dreg:$0x0] =	wrdreg $0xFFFFFFFF;
	(pc) =	sbr.abs _section_cstart, $3  }
0x38: {  	[dreg:$0x1] =	wrdreg $0xFFFFFFFF  }
0x39: {  	_ =	task.clear_ibuf [dreg:s7], $0x2FFFF;
	_ =	strace $0x9FFFFFFF  }
0x3a: {  	(tm) =	ssettm $0x7FFFFFFF  }
0x3b: {  	_ =	shalt  }
tec
execute0_lowered:
.L_overlay_start_1:
0x0: {  	(tag) =	ssettag $0x1  }
0x1: {  	s0 =	stileid.u32;
	s4 =	rddreg [dreg:$0x0]  }
0x2: {  	s1 =	srdreg.scid;
	s2 =	rddreg [dreg:$0x1];
	s5 =	simm.s32 $0x1  }
0x3: {  	s8 =	simm.s32 $0x2;
	s16 =	simm.s32 $0x0;
	s14 =	simm.s32 $0x0  }
0x4: {  	s15 =	simm.s32 $0x0;
	s3 =	sshll.u32 s0, $0x5;
	s1 =	sshll.u32 s1, $0x9  }
0x5: {  	s10 =	simm.s32 $0x0;
	s13 =	simm.s32 $0x0;
	s3 =	sor.u32 s3, s1  }
0x6: {  	s1 =	rddreg [dreg:$0x2];
	_ =	strace $0x8000004A;
	s3 =	sand.u32 $0x380, s3  }
0x7: {  	s4 =	sadd.s32 $0x1000, s4;
	[sflag:s5] =	ssyncpa.u1 $0x0;
	s6 =	ssub.s32 $0x2000, s3  }
.Ltmp0:
0x8: {  	[sflag:s8] =	ssyncpa.u1 $0x0;
	s7 =	sand.u32 $0x380, s6;
	(pc) =	sbr.rel .LBB1_1-.Ltmp0, $4  }
0x9: {  	s11 =	smov.u32 s3;
	p0 =	sne.s32 s7, $0x0;
	s7 =	simm.s32 $0x1  }
0xa: {  	s9 =	sshrl.u32 s6, $0xA;
	s6 =	sand.u32 $0x3, s0;
	s7 =	simm.s32 @!p0 $0x0  }
0xb: {  	s12 =	smov.u32 s6;
	p0 =	por $0x0, $0x0;
	s31 =	sadd.s32 s7, s9  }
0xc: {  	s9 =	simm.s32 $0x10000;
	s7 =	sshll.u32 s31, $0x1;
	s8 =	sshllo.u32 s31, $0x1  }
.LBB1_4:
0xd: {  	v5 =	vld [tilespmem:s19+$0xFFFFFFD0]  }
0xe: {  	[tilespmem:s20+$0x2040 ss:$0x81] =	vst.msk $0xffff, v1;
	v58 =	vld [tilespmem:s19+$0xFFFFFFE0]  }
0xf: {  	[tilespmem:s20+$0x2850 ss:$0x81] =	vst.msk $0xffff, v2;
	v59 =	vld [tilespmem:s19+$0xFFFFFFF0]  }
0x10: {  	s21 =	sshra.s32 s21, $0x2;
	[tilespmem:s20+$0x3060 ss:$0x81] =	vst.msk $0xffff, v3;
	v60 =	vld [tilespmem:s19+$0x0]  }
0x11: {  	[tilespmem:s20+$0x0 ss:$0x81] =	vst.msk $0xffff, v0;
	v61 =	vld [tilespmem:s19+$0x10];
	s18 =	sadd.s32 s21, s18  }
0x12: {  	s26 =	sshll.u32 s16, $0xD;
	v62 =	vld [tilespmem:s19+$0x20];
	[tilespmem:s18+$0x3870 ss:$0x81] =	vst.msk $0xffff, v4  }
0x13: {  	s27 =	sand.u32 $0x78, s14;
	s22 =	sshll.u32 s14, $0x3;
	v63 =	vld [tilespmem:s19+$0xFFFFFFC0];
	s29 =	sshll.u32 s16, $0x7;
	[tilespmem:s18+$0x810 ss:$0x81] =	vst.msk $0xffff, v5  }
0x14: {  	s15 =	sshll.u32 s15, $0x12;
	s20 =	sand.u32 $0x1F0000, s26;
	s28 =	sand.u32 $0x1FFC00, s22;
	[tilespmem:s18+$0x1020 ss:$0x81] =	vst.msk $0xffff, v58  }
0x15: {  	s31 =	sand.u32 $0x7, s14;
	s22 =	sand.u32 $0x1C00, s22;
	s19 =	sadd.s32 s28, s20;
	[tilespmem:s18+$0x1830 ss:$0x81] =	vst.msk $0xffff, v59  }
0x16: {  	s16 =	sand.u32 $0x380, s29;
	s30 =	sor.u32 s27, s22;
	s19 =	sshrl.u32 s19, $0x3;
	[tilespmem:s18+$0x2040 ss:$0x81] =	vst.msk $0xffff, v60  }
0x17: {  	s15 =	sadd.s32 s2, s15;
	s16 =	sor.u32 s16, s30;
	s19 =	sand.u32 $0x3FC00, s19;
	[tilespmem:s18+$0x2850 ss:$0x81] =	vst.msk $0xffff, v61  }
0x18: {  	s14 =	sshll.u32 s31, $0x12;
	s16 =	sshrl.u32 s16, $0x3;
	[tilespmem:s18+$0x3060 ss:$0x81] =	vst.msk $0xffff, v62;
	s15 =	sadd.s32 s19, s15  }
0x19: {  	s14 =	sor.u32 $0x400, s14;
	[tilespmem:s18+$0x0 ss:$0x81] =	vst.msk $0xffff, v63;
	s15 =	sadd.s32 s16, s15  }
0x1a: {  	[hbm4b:s15+s14] =	stream.strided.scatter [tilespmem:s17], [sflag:$0x2], $0x4000, s9, s14, $0x20;
	[tilespmem:$0x10100] =	vst v63  }
.LBB1_5:
0x1b: {  	s17 =	sadd.s32 $0x80, s10  }
0x1c: {  	s14 =	sadd.s32 $0x400, s11;
	s18 =	smov.u32 s11;
	p2 =	sgt.s32 s17, $0xFF  }
0x1d: {  	s18 =	smov.u32 @p2 s14  }
0x1e: {  	s20 =	smov.u32 s12;
	s14 =	sadd.s32 $0x4, s12;
	p3 =	sgt.s32 s18, $0x1FFF  }
0x1f: {  	s20 =	smov.u32 @p3 s14  }
0x20: {  	s17 =	simm.s32 @p2 $0x0;
	p2 =	sgt.s32 s20, $0x3  }
0x21: {  	p1 =	slt.u32 s13, $0x2;
	s20 =	smov.u32 @p2 s6;
	p2 =	sne.s32 s13, s8  }
.Ltmp1:
0x22: {  	s19 =	simm.s32 @!p1 $0x2;
	(pc) =	sbr.rel @!p2 .LBB1_6-.Ltmp1, $4  }
0x23: {  	s16 =	smov.u32 s10;
	s15 =	smov.u32 s12;
	_ =	swait.ge @!p1 [sflag:s19], $0x4000  }
0x24: {  	p0 =	por !p0, !p0;
	[sflag:s19] =	ssyncset.done @!p1 $0x0;
	s10 =	smov.u32 s17  }
0x25: {  	s18 =	smov.u32 @p3 s3;
	s14 =	smov.u32 s11;
	[sflag:s19] =	ssyncadd.s32 @!p1 $0xFFFFC000  }
0x26: {  	s11 =	smov.u32 s18;
	s13 =	sadd.s32 $0x1, s13;
	s12 =	smov.u32 s20  }
.LBB1_1:
0x27: {  	p1 =	sge.u32 s13, s7  }
0x28: {  	s31 =	sadd.s32 $0xFFFFFFFF, s13;
	s17 =	sxor.u32 @!p1 $0xFFFFFFFF, s13  }
0x29: {  	s18 =	sshll.u32 @!p1 s11, $0x8;
	s19 =	sshll.u32 @!p1 s10, $0x3;
	s21 =	sand.u32 @!p1 $0x78, s10  }
0x2a: {  	s20 =	sshll.u32 @!p1 s11, $0x7;
	s18 =	sand.u32 @!p1 $0x1FF800, s18;
	s19 =	sand.u32 @!p1 $0x1FFC00, s19  }
0x2b: {  	s17 =	sshll.u32 @!p1 s17, $0xE;
	s18 =	sadd.s32 @!p1 s18, s19;
	s19 =	sand.u32 @!p1 $0x300, s20  }
0x2c: {  	s17 =	sand.u32 @!p1 $0x4000, s17;
	s18 =	sor.u32 @!p1 s19, s18;
	s19 =	sand.u32 @!p1 $0x80, s20  }
0x2d: {  	s20 =	sshll.u32 @!p1 s12, $0x12;
	s19 =	sor.u32 @!p1 s21, s19;
	s18 =	sshrl.u32 @!p1 s18, $0x3  }
0x2e: {  	s20 =	sadd.s32 @!p1 s4, s20;
	s21 =	sand.u32 @!p1 $0x7, s10;
	s19 =	sshrl.u32 @!p1 s19, $0x3  }
0x2f: {  	s18 =	sand.u32 @!p1 $0x3FFE0, s18;
	s19 =	sadd.s32 @!p1 s19, s20;
	s20 =	sshll.u32 @!p1 s21, $0x12  }
0x30: {  	s18 =	sadd.s32 @!p1 s18, s19;
	s19 =	sor.u32 @!p1 $0x400, s20;
	s20 =	simm.s32 @!p1 $0x800  }
0x31: {  	[tilespmem:s17], [sflag:$0x1] =	stream.strided.gather @!p1 [hbm4b:s18+s19], $0x4000, s20, s19, $0x38;
	[tilespmem:$0x10100] =	vst v63  }
0x32: {  	p1 =	sge.u32 s31, s7  }
.Ltmp2:
0x33: {  	_ = 	snop;
	(pc) =	sbr.rel @p1 .LBB1_5-.Ltmp2, $1  }
0x34: {  	_ =	sdelay $0x3  }
0x35: {  	s17 =	simm.s32 $0x1  }
0x36: {  	_ =	swait.ge [sflag:s5], $0x4000;
	s17 =	simm.s32 @!p0 $0x0  }
0x37: {  	[sflag:s5] =	ssyncset.done $0x0;
	s18 =	sshll.u32 s17, $0xE  }
0x38: {  	[sflag:s5] =	ssyncadd.s32 $0xFFFFC000;
	s19 =	sor.u32 $0x40, s18  }
0x39: {  	s17 =	smul.u32 $0x10200, s17;
	v0 =	vld [tilespmem:s19+$0x30]  }
0x3a: {  	v3 =	vld [tilespmem:s19+$0xFFFFFFD0]  }
0x3b: {  	s17 =	sshrl.u32 s17, $0x2;
	v4 =	vld [tilespmem:s19+$0xFFFFFFE0]  }
0x3c: {  	v5 =	vld [tilespmem:s19+$0xFFFFFFF0];
	s18 =	sor.u32 $0x8000, s17  }
0x3d: {  	s31 =	sand.u32 $0x1, s13;
	v1 =	vld [tilespmem:s19+$0x0];
	s20 =	sadd.s32 $0x0, s18  }
0x3e: {  	v2 =	vld [tilespmem:s19+$0x10];
	s17 =	smul.u32 $0x10200, s31;
	[tilespmem:s20+$0x3870 ss:$0x81] =	vst.msk $0xffff, v0  }
0x3f: {  	[tilespmem:s20+$0x810 ss:$0x81] =	vst.msk $0xffff, v3;
	v3 =	vld [tilespmem:s19+$0x20]  }
0x40: {  	s17 =	sshrl.u32 s17, $0x2;
	v0 =	vld [tilespmem:s19+$0xFFFFFFC0];
	[tilespmem:s20+$0x1020 ss:$0x81] =	vst.msk $0xffff, v4;
	s19 =	sadd.s32 $0x80, s19  }
0x41: {  	s21 =	simm.s32 $0x4;
	s22 =	simm.s32 $0x8;
	s17 =	sor.u32 $0x8000, s17;
	[tilespmem:s20+$0x1830 ss:$0x81] =	vst.msk $0xffff, v5;
	v4 =	vld [tilespmem:s19+$0x30]  }
.LBB1_3:
0x42: {  	p1 =	sne.s32 s22, $0x1FC;
	v5 =	vld [tilespmem:s19+$0xFFFFFFD0];
	[tilespmem:s20+$0x2040 ss:$0x81] =	vst.msk $0xffff, v1  }
0x43: {  	v6 =	vld [tilespmem:s19+$0xFFFFFFE0];
	[tilespmem:s20+$0x2850 ss:$0x81] =	vst.msk $0xffff, v2  }
0x44: {  	s23 =	sshra.s32 s21, $0x2;
	s21 =	smov.u32 s22;
	v7 =	vld [tilespmem:s19+$0xFFFFFFF0];
	[tilespmem:s20+$0x3060 ss:$0x81] =	vst.msk $0xffff, v3  }
.Ltmp3:
0x45: {  	v1 =	vld [tilespmem:s19+$0x0];
	[tilespmem:s20+$0x0 ss:$0x81] =	vst.msk $0xffff, v0;
	s20 =	sadd.s32 s23, s18;
	(pc) =	sbr.rel @p1 .LBB1_3-.Ltmp3, $4  }
0x46: {  	v2 =	vld [tilespmem:s19+$0x10];
	[tilespmem:s20+$0x3870 ss:$0x81] =	vst.msk $0xffff, v4  }
0x47: {  	[tilespmem:s20+$0x810 ss:$0x81] =	vst.msk $0xffff, v5;
	v3 =	vld [tilespmem:s19+$0x20]  }
0x48: {  	v0 =	vld [tilespmem:s19+$0xFFFFFFC0];
	[tilespmem:s20+$0x1020 ss:$0x81] =	vst.msk $0xffff, v6;
	s19 =	sadd.s32 $0x80, s19  }
0x49: {  	s22 =	sadd.s32 $0x4, s22;
	v4 =	vld [tilespmem:s19+$0x30];
	[tilespmem:s20+$0x1830 ss:$0x81] =	vst.msk $0xffff, v7  }
.Ltmp4:
0x4a: {  	_ = 	snop;
	(pc) =	sbr.rel .LBB1_4-.Ltmp4, $1  }
0x4b: {  	_ =	sdelay $0x3  }
.LBB1_6:
0x4c: {  	_ =	sfence.sel $0x180000  }
0x4d: {  	s2 =	simm.s32 $0x1;
	[bflag:$0x0] =	sbarrier.arrive $0xFFFF  }
0x4e: {  	s31 =	simm.s32 $0x2;
	[sflag:s2] =	ssyncpa.u1 $0x1  }
0x4f: {  	[sflag:s31] =	ssyncpa.u1 $0x1  }
0x50: {  	p0 =	sne.s32 s0, $0x0;
	_ =	strace $0x9000004A  }
0x51: {  	s0 =	sadd.s32 @!p0 $0x100000, s1;
	[bflag:$0x2] =	sbarrier.arrive $0xFFFF  }
0x52: {  	[sflag:s0] =	ssyncadd.tile.s32 @!p0 $0x1;
	_ =	shalt  }
.Lfunc_end1:
_tile_overlayer_lowered:
.L_overlay_start_2:
0x53: {  	(tag) =	ssettag $0x2  }
0x54: {  	s0 =	rddreg [dreg:$0x0];
	s2 =	stileid.u32  }
0x55: {  	s1 =	rddreg [dreg:$0x1];
	p0 =	sne.s32 s2, $0x0  }
0x56: {  	s3 =	rddreg [dreg:$0x2];
	[bflag:$0x3] =	sbarrier.arrive $0xFFFF;
	s2 =	simm.s32 @!p0 $0x1C01  }
0x57: {  	[timem:s3], [sflag:s2] =	dma.local @!p0 [hbm:s0], s1  }
0x58: {  	s0 =	simm.s32 @!p0 $0x1  }
0x59: {  	_ =	swait.ge @!p0 [sflag:s0], s1  }
0x5a: {  	s1 =	ssub.s32 @!p0 $0x0, s1;
	[sflag:s0] =	ssyncset.done @!p0 $0x0  }
0x5b: {  	[sflag:s0] =	ssyncadd.s32 @!p0 s1  }
0x5c: {  	[bflag:$0x3] =	sbarrier.arrive $0xFFFF  }
0x5d: {  	_ =	shalt  }

</sc_bundles>
